<compile_context>
chip_gen: v7x
topology: tpu7x:2x2x1
jax: 0.10.2.dev20260603
libtpu: 0.0.44.dev20260713+nightly
codegen_flags: <defaults>
</compile_context>

<pallas_src>
import functools

import numpy as np
import jax
import jax.numpy as jnp
from jax import lax
from jax.experimental import pallas as pl
from jax.experimental.pallas import tpu as pltpu

N0 = 4096
DIN = 512
D = 256
DOUT = 40
E = 65536 + N0
KS = [4096, 3277, 1967, 984]
NPAD = [4096, 3328, 2048, 1024]
NEG = 5


def _mm(x, w, b, rs_in=None, rs_out=None):
    R, Cin = x.shape
    Cout = w.shape[1]
    BR = 256
    ins = [x, w, b.reshape(1, Cout)]
    specs = [
        pl.BlockSpec((BR, Cin), lambda i: (i, 0)),
        pl.BlockSpec((Cin, Cout), lambda i: (0, 0)),
        pl.BlockSpec((1, Cout), lambda i: (0, 0)),
    ]
    hin, hout = rs_in is not None, rs_out is not None
    if hin:
        ins.append(rs_in.reshape(R, 1))
        specs.append(pl.BlockSpec((BR, 1), lambda i: (i, 0)))
    if hout:
        ins.append(rs_out.reshape(R, 1))
        specs.append(pl.BlockSpec((BR, 1), lambda i: (i, 0)))

    def body(*refs):
        xv = refs[0][...]
        k = 3
        if hin:
            xv = xv * refs[k][...]
            k += 1
        acc = jnp.dot(xv, refs[1][...], preferred_element_type=jnp.float32)
        acc = acc + refs[2][...]
        if hout:
            acc = acc * refs[k][...]
        refs[-1][...] = acc

    return pl.pallas_call(
        body, grid=(R // BR,), in_specs=specs,
        out_specs=pl.BlockSpec((BR, Cout), lambda i: (i, 0)),
        out_shape=jax.ShapeDtypeStruct((R, Cout), jnp.float32))(*ins)


def _gcn(ct, y, s, skip=None, use_relu=True):
    Rs, R = ct.shape
    Dc = y.shape[1]
    BR = 256
    ins = [ct, y]
    specs = [pl.BlockSpec((Rs, BR), lambda i: (0, i)),
             pl.BlockSpec((Rs, Dc), lambda i: (0, 0))]
    hsc = s is not None
    if hsc:
        ins.append(s.reshape(R, 1))
        specs.append(pl.BlockSpec((BR, 1), lambda i: (i, 0)))
    hs = skip is not None
    if hs:
        ins.append(skip)
        specs.append(pl.BlockSpec((BR, Dc), lambda i: (i, 0)))

    def body(*refs):
        acc = lax.dot_general(refs[0][...], refs[1][...],
                              (((0,), (0,)), ((), ())),
                              preferred_element_type=jnp.float32)
        k = 2
        neigh = acc
        if hsc:
            neigh = acc * refs[k][...]
            k += 1
        xo = jax.nn.relu(neigh) if use_relu else neigh
        if hs:
            xo = xo + refs[k][...]
        refs[-2][...] = neigh
        refs[-1][...] = xo

    return pl.pallas_call(
        body, grid=(R // BR,), in_specs=specs,
        out_specs=[pl.BlockSpec((BR, Dc), lambda i: (i, 0))] * 2,
        out_shape=[jax.ShapeDtypeStruct((R, Dc), jnp.float32)] * 2)(*ins)


def _sel_comb(q, b, s, skip=None, use_relu=True):
    R, N = q.shape
    Dc = b.shape[1]
    BR = 256
    ins = [q, b, s.reshape(R, 1)]
    specs = [pl.BlockSpec((BR, N), lambda i: (i, 0)),
             pl.BlockSpec((N, Dc), lambda i: (0, 0)),
             pl.BlockSpec((BR, 1), lambda i: (i, 0))]
    hs = skip is not None
    if hs:
        ins.append(skip)
        specs.append(pl.BlockSpec((BR, Dc), lambda i: (i, 0)))

    def body(*refs):
        acc = jnp.dot(refs[0][...], refs[1][...],
                      preferred_element_type=jnp.float32)
        neigh = acc * refs[2][...]
        xo = jax.nn.relu(neigh) if use_relu else neigh
        if hs:
            xo = xo + refs[3][...]
        refs[-2][...] = neigh
        refs[-1][...] = xo

    return pl.pallas_call(
        body, grid=(R // BR,), in_specs=specs,
        out_specs=[pl.BlockSpec((BR, Dc), lambda i: (i, 0))] * 2,
        out_shape=[jax.ShapeDtypeStruct((R, Dc), jnp.float32)] * 2)(*ins)


def _mi_sums(xm, h_ext, nvalid):
    R, Dc = xm.shape
    BR = 256
    Hp = h_ext.shape[0]

    def body(xm_ref, h_ref, o_ref):
        g = pl.program_id(0)

        @pl.when(g == 0)
        def _():
            o_ref[...] = jnp.zeros_like(o_ref)

        xv = xm_ref[...]
        row = g * BR + lax.broadcasted_iota(jnp.int32, (BR, 1), 0)
        msk = (row < nvalid).astype(jnp.float32)
        hall = h_ref[pl.ds(g * BR, BR + 8), :]
        vals = []
        for sh in range(6):
            hblk = hall[5 - sh:5 - sh + BR, :]
            dsum = jnp.sum(xv * hblk, axis=1, keepdims=True)
            z = dsum if sh == 0 else -dsum
            vals.append(jnp.sum(jax.nn.log_sigmoid(z) * msk))
        zero = jnp.zeros((), jnp.float32)
        vec = jnp.stack(vals + [zero, zero])
        o_ref[...] = o_ref[...] + vec[:, None]

    return pl.pallas_call(
        body, grid=(R // BR,),
        in_specs=[pl.BlockSpec((BR, Dc), lambda i: (i, 0)),
                  pl.BlockSpec((Hp, Dc), lambda i: (0, 0))],
        out_specs=pl.BlockSpec((8, 128), lambda i: (0, 0)),
        out_shape=jax.ShapeDtypeStruct((8, 128), jnp.float32))(xm, h_ext)


def _recon_sum(x, ct):
    R, Dc = x.shape
    BR = 256
    CC = 1024

    def body(xb_ref, xf_ref, ct_ref, o_ref):
        g = pl.program_id(0)

        @pl.when(g == 0)
        def _():
            o_ref[...] = jnp.zeros_like(o_ref)

        xb = xb_ref[...]
        tot = jnp.zeros((), jnp.float32)
        for c in range(R // CC):
            xf = xf_ref[pl.ds(c * CC, CC), :]
            s = lax.dot_general(xb, xf, (((1,), (1,)), ((), ())),
                                preferred_element_type=jnp.float32)
            p = jnp.clip(jax.nn.sigmoid(s), 1e-7, 1.0 - 1e-7)
            t = ct_ref[:, pl.ds(c * CC, CC)] > 0.0
            tot = tot + jnp.sum(jnp.where(t, jnp.log(p), jnp.log(1.0 - p)))
        lane0 = lax.broadcasted_iota(jnp.int32, (8, 128), 0) == 0
        o_ref[...] = o_ref[...] + jnp.where(lane0, tot, 0.0)

    return pl.pallas_call(
        body, grid=(R // BR,),
        in_specs=[pl.BlockSpec((BR, Dc), lambda i: (i, 0)),
                  pl.BlockSpec((R, Dc), lambda i: (0, 0)),
                  pl.BlockSpec((BR, R), lambda i: (i, 0))],
        out_specs=pl.BlockSpec((8, 128), lambda i: (0, 0)),
        out_shape=jax.ShapeDtypeStruct((8, 128), jnp.float32))(x, x, ct)


def kernel(node_x, edge_index, neg_nums, params):
    ei = edge_index.astype(jnp.int32)
    sl = jnp.arange(N0, dtype=jnp.int32)
    src0 = jnp.concatenate([ei[0], sl])
    dst0 = jnp.concatenate([ei[1], sl])
    ct0 = jnp.zeros((N0, N0), jnp.float32).at[src0, dst0].add(1.0)
    deg = jnp.sum(ct0, axis=0)
    a = deg ** -0.5

    eW, eB = params['enc_W'], params['enc_b']
    dW, dB = params['dec_W'], params['dec_b']
    pw, pM = params['pool_w'], params['pool_M']

    iota0 = jnp.arange(N0, dtype=jnp.int32)
    zb = jnp.zeros((D,), jnp.float32)
    svec = [a]
    perm0 = [iota0]
    qf = [None]
    qft = [None]
    down_x = []
    mi_out = []
    x_in, rs_in = node_x, None

    for l in range(4):
        n_l, npad = KS[l], NPAD[l]
        y = _mm(x_in, eW[l], eB[l], rs_in=rs_in, rs_out=svec[l])
        if l == 0:
            neigh, xr = _gcn(ct0, y, svec[0])
        else:
            y_full = _mm(qft[l], y, zb)
            b_full, _ = _gcn(ct0, y_full, None, use_relu=False)
            neigh, xr = _sel_comb(qf[l], b_full, svec[l])
        if l == 3:
            x_cur = xr
            break
        down_x.append(xr)

        wcat = jnp.concatenate(
            [pM[l], pw[l], jnp.zeros((D, 127), jnp.float32)], axis=1)
        xmsc = _mm(xr, wcat, jnp.zeros((D + 128,), jnp.float32))
        xm, score = xmsc[:, :D], xmsc[:n_l, D]

        h_ext = jnp.concatenate([neigh[n_l - 5:n_l], neigh[:n_l]], axis=0)
        h_ext = jnp.pad(h_ext, ((0, npad + 8 - (n_l + 5)), (0, 0)))
        sums = _mi_sums(xm, h_ext, n_l)
        mi = -(sums[0, 0] / n_l)
        for j in range(NEG):
            mi = mi - (sums[1 + j, 0] / n_l) / neg_nums
        mi_out.append(mi)

        k_n, npad_n = KS[l + 1], NPAD[l + 1]
        top_vals, perm = lax.top_k(score, k_n)
        gate = jax.nn.sigmoid(top_vals)
        perm_pad = jnp.pad(perm, (0, npad_n - k_n))
        valid = jnp.arange(npad_n, dtype=jnp.int32) < k_n
        p0 = perm0[l][perm_pad]
        perm0.append(p0)
        svec.append(jnp.where(valid, a[p0], 0.0))
        qf.append((p0[:, None] == iota0[None, :]).astype(jnp.float32))
        qft.append((iota0[:, None] == p0[None, :]).astype(jnp.float32))

        selt = (perm_pad[:, None]
                == jnp.arange(npad, dtype=jnp.int32)[None, :]
                ).astype(jnp.float32)
        x_in = _mm(selt, xr, zb)
        rs_in = jnp.pad(gate, (0, npad_n - k_n))

    for li in range(3):
        u = 2 - li
        y_small = _mm(x_cur, dW[li], dB[li], rs_out=svec[u + 1])
        y_full = _mm(qft[u + 1], y_small, zb)
        if u == 0:
            _, x_cur = _gcn(ct0, y_full, svec[0], skip=down_x[0])
        else:
            b_full, _ = _gcn(ct0, y_full, None, use_relu=False)
            _, x_cur = _sel_comb(qf[u], b_full, svec[u], skip=down_x[u])

    struct_loss = -_recon_sum(x_cur, ct0)[0, 0] / (N0 * N0)

    wf = jnp.pad(dW[3], ((0, 0), (0, 128 - DOUT)))
    bf = jnp.pad(dB[3], (0, 128 - DOUT))
    yf = _mm(x_cur, wf, bf, rs_out=svec[0])
    neigh_f, _ = _gcn(ct0, yf, svec[0], use_relu=False)
    x_out = neigh_f[:, :DOUT]

    return x_out, mi_out, struct_loss

# --- scband reference (transcript-rebuilt; emitter-appended) ---
"""Pipeline reference for scband-node-classification-model-60687887892834 (READ-ONLY COPY).

The authoritative reference and input builder live on the scoring server;
editing this copy changes nothing except your own understanding.
"""

import jax, jax.numpy as jnp
import numpy as np

N_NODES = 4096
N_EDGES = 65536
IN_CH = 512
HID = 256
OUT_CH = 40
DEPTH = 3
RATIOS = [0.8, 0.6, 0.5]
LAMB = 0.1


def norm_adj(edge_index, n):
    # add self loops then symmetric normalization D^-1/2 (A+I) D^-1/2
    sl = jnp.arange(n, dtype=edge_index.dtype)
    src = jnp.concatenate([edge_index[0], sl])
    dst = jnp.concatenate([edge_index[1], sl])
    deg = jnp.zeros((n,), jnp.float32).at[dst].add(1.0)
    w = deg[src] ** -0.5 * deg[dst] ** -0.5
    return (src, dst, w, n)


def spmm(adj, x):
    src, dst, w, n = adj
    return jnp.zeros((n, x.shape[1]), x.dtype).at[dst].add(w[:, None] * x[src])


def gcn(x, adj, W, b, use_act=True):
    support = x @ W + b
    neigh = spmm(adj, support)
    out = jax.nn.relu(neigh) if use_act else neigh
    return out, neigh


def mi_pool(x, h_neighbor, adj, neg_nums, w_score, M, ratio, lamb):
    src, dst, w, n = adj
    score = (x @ w_score)[:, 0]
    k = int(np.ceil(ratio * n))
    top_vals, perm = jax.lax.top_k(score, k)
    gate = jax.nn.sigmoid(top_vals)[:, None]
    x_new = x[perm] * gate
    # MI loss: bilinear discriminator between node repr and neighbor aggregate
    xm = x @ M
    pos = jnp.sum(xm * h_neighbor, axis=1)
    mi = -jnp.mean(jax.nn.log_sigmoid(pos))

    def neg_body(j, acc):
        neg = jnp.sum(xm * jnp.roll(h_neighbor, j + 1, axis=0), axis=1)
        return acc - jnp.mean(jax.nn.log_sigmoid(-neg)) / neg_nums

    mi = jax.lax.fori_loop(0, neg_nums, neg_body, mi)
    # pooled adjacency: keep edges whose endpoints survive, remap to compact ids
    member = jnp.zeros((n,), bool).at[perm].set(True)
    inv = jnp.zeros((n,), jnp.int32).at[perm].set(jnp.arange(k, dtype=jnp.int32))
    emask = member[src] & member[dst]
    new_src = jnp.where(emask, inv[src], 0)
    new_dst = jnp.where(emask, inv[dst], 0)
    new_w = jnp.where(emask, w, 0.0)
    dots = jnp.sum(x_new[new_src] * x_new[new_dst], axis=1)
    denom = jnp.sum(emask.astype(jnp.float32)) + 1e-8
    struct = lamb * jnp.sum(jnp.where(emask, -jax.nn.log_sigmoid(dots), 0.0)) / denom
    return x_new, (new_src, new_dst, new_w, k), perm, mi, struct


def reconstruct_loss(adj_rebuilt, adj):
    src, dst, w, n = adj
    target = jnp.zeros((n, n), jnp.float32).at[src, dst].set(1.0)
    eps = 1e-7
    p = jnp.clip(adj_rebuilt, eps, 1.0 - eps)
    return -jnp.mean(target * jnp.log(p) + (1.0 - target) * jnp.log(1.0 - p))


def model_forward(node_x, edge_index, neg_nums, params):
    adj = norm_adj(edge_index, node_x.shape[0])
    # dropout is identity in eval mode
    x = node_x
    adj_list, down_list, idx_list, mi_list, st_list = [], [], [], [], []
    for l in range(DEPTH):
        x, h_n = gcn(x, adj, params['enc_W'][l], params['enc_b'][l])
        adj_list.append(adj)
        down_list.append(x)
        x, adj, perm, mi, st = mi_pool(x, h_n, adj, neg_nums, params['pool_w'][l], params['pool_M'][l], RATIOS[l], LAMB)
        idx_list.append(perm)
        mi_list.append(mi)
        st_list.append(st)
    x, _ = gcn(x, adj, params['enc_W'][DEPTH], params['enc_b'][DEPTH])
    for l in range(DEPTH):
        u = DEPTH - l - 1
        adj, perm = adj_list[u], idx_list[u]
        x = jnp.zeros((adj[3], x.shape[1]), x.dtype).at[perm].set(x)  # unpool
        x, _ = gcn(x, adj, params['dec_W'][l], params['dec_b'][l])
        x = x + down_list[u]
    adj_rebuilt = jax.nn.sigmoid(x @ x.T)
    struct_loss = reconstruct_loss(adj_rebuilt, adj)
    x, _ = gcn(x, adj, params['dec_W'][DEPTH], params['dec_b'][DEPTH], use_act=False)
    return x, mi_list, struct_loss


def setup_inputs(seed: int = 0) -> dict:
    key = jax.random.key(seed)
    ks = jax.random.split(key, 32)
    node_x = jax.random.normal(ks[0], (N_NODES, IN_CH), jnp.float32)
    edge_index = jax.random.randint(ks[1], (2, N_EDGES), 0, N_NODES, dtype=jnp.int32)
    dims_enc = [(IN_CH, HID)] + [(HID, HID)] * DEPTH
    dims_dec = [(HID, HID)] * DEPTH + [(HID, OUT_CH)]
    params = {
        'enc_W': [jax.random.normal(ks[2 + i], d, jnp.float32) / np.sqrt(d[0]) for i, d in enumerate(dims_enc)],
        'enc_b': [jnp.zeros((d[1],), jnp.float32) for d in dims_enc],
        'dec_W': [jax.random.normal(ks[8 + i], d, jnp.float32) / np.sqrt(d[0]) for i, d in enumerate(dims_dec)],
        'dec_b': [jnp.zeros((d[1],), jnp.float32) for d in dims_dec],
        'pool_w': [jax.random.normal(ks[14 + i], (HID, 1), jnp.float32) / np.sqrt(HID) for i in range(DEPTH)],
        'pool_M': [jax.random.normal(ks[18 + i], (HID, HID), jnp.float32) / np.sqrt(HID) for i in range(DEPTH)],
    }
    return {'node_x': node_x, 'edge_index': edge_index, 'neg_nums': 5, 'params': params}


def reference(node_x, edge_index, neg_nums, params):
    return model_forward(node_x, edge_index, neg_nums, params)

if __name__ == "__main__":
    import jax
    _d = setup_inputs()
    print(jax.jit(kernel)(*tuple(_d.values())))

</pallas_src>

<mosaic_0001>
module attributes {stable_mosaic.version = 14 : i64} {
  func.func @body(%arg0: i32, %arg1: memref<256x512xf32, #tpu.memory_space<vmem>>, %arg2: memref<512x256xf32, #tpu.memory_space<vmem>>, %arg3: memref<1x256xf32, #tpu.memory_space<vmem>>, %arg4: memref<256x1xf32, #tpu.memory_space<vmem>>, %arg5: memref<256x256xf32, #tpu.memory_space<vmem>>) attributes {dimension_semantics = [#tpu.dimension_semantics<arbitrary>], iteration_bounds = array<i64: 16>, scalar_prefetch = 0 : i64, scratch_operands = 0 : i64, tpu.core_type = #tpu.core_type<tc>, window_params = [{transform_indices = @transform_0, window_bounds = array<i64: 256, 512>}, {pipeline_mode = #tpu.pipeline_mode<synchronous>, transform_indices = @transform_1, window_bounds = array<i64: 512, 256>}, {pipeline_mode = #tpu.pipeline_mode<synchronous>, transform_indices = @transform_2, window_bounds = array<i64: 1, 256>}, {transform_indices = @transform_3, window_bounds = array<i64: 256, 1>}, {transform_indices = @transform_4, window_bounds = array<i64: 256, 256>}]} {
    %get3A = arith.constant 0 : index
    %get3A_0 = arith.constant 0 : index
    %get3A_1 = vector.load %arg1[%get3A, %get3A_0] : memref<256x512xf32, #tpu.memory_space<vmem>>, vector<256x512xf32>
    %get3A_2 = arith.constant 0 : index
    %get3A_3 = arith.constant 0 : index
    %get3A_4 = vector.load %arg2[%get3A_2, %get3A_3] : memref<512x256xf32, #tpu.memory_space<vmem>>, vector<512x256xf32>
    %dot_general3A = arith.constant dense<0.000000e+00> : vector<256x256xf32>
    %dot_general3A_5 = tpu.matmul %get3A_1, %get3A_4, %dot_general3A {dimension_numbers = #tpu.dot_dimension_numbers<[1], [0], [0], [1], [0, 0, 1, 1], [], []>, transpose_lhs_hint = false} : vector<256x512xf32>, vector<512x256xf32>, vector<256x256xf32> -> vector<256x256xf32>
    %get3A_6 = arith.constant 0 : index
    %get3A_7 = arith.constant 0 : index
    %get3A_8 = vector.load %arg3[%get3A_6, %get3A_7] : memref<1x256xf32, #tpu.memory_space<vmem>>, vector<1x256xf32>
    %add3A = vector.broadcast %get3A_8 : vector<1x256xf32> to vector<256x256xf32>
    %add3A_9 = arith.addf %dot_general3A_5, %add3A : vector<256x256xf32>
    %get3A_10 = arith.constant 0 : index
    %get3A_11 = arith.constant 0 : index
    %get3A_12 = vector.load %arg4[%get3A_10, %get3A_11] : memref<256x1xf32, #tpu.memory_space<vmem>>, vector<256x1xf32>
    %mul3A = vector.broadcast %get3A_12 : vector<256x1xf32> to vector<256x256xf32>
    %mul3A_13 = arith.mulf %add3A_9, %mul3A : vector<256x256xf32>
    %swap3A = arith.constant 0 : index
    %swap3A_14 = arith.constant 0 : index
    %swap3A_15 = vector.load %arg5[%swap3A, %swap3A_14] : memref<256x256xf32, #tpu.memory_space<vmem>>, vector<256x256xf32>
    tpu.vector_store %arg5[%swap3A, %swap3A_14], %mul3A_13 {strides = array<i32>} : memref<256x256xf32, #tpu.memory_space<vmem>>, vector<256x256xf32>,
    return
  }
  func.func @transform_0(%arg0: i32) -> (i32, i32) {
    %c0_i32 = arith.constant 0 : i32
    %c0_i32_0 = arith.constant 0 : i32
    return %arg0, %c0_i32 : i32, i32
  }
  func.func @transform_1(%arg0: i32) -> (i32, i32) {
    %c0_i32 = arith.constant 0 : i32
    %c0_i32_0 = arith.constant 0 : i32
    %c0_i32_1 = arith.constant 0 : i32
    return %c0_i32, %c0_i32_0 : i32, i32
  }
  func.func @transform_2(%arg0: i32) -> (i32, i32) {
    %c0_i32 = arith.constant 0 : i32
    %c0_i32_0 = arith.constant 0 : i32
    %c0_i32_1 = arith.constant 0 : i32
    return %c0_i32, %c0_i32_0 : i32, i32
  }
  func.func @transform_3(%arg0: i32) -> (i32, i32) {
    %c0_i32 = arith.constant 0 : i32
    %c0_i32_0 = arith.constant 0 : i32
    return %arg0, %c0_i32 : i32, i32
  }
  func.func @transform_4(%arg0: i32) -> (i32, i32) {
    %c0_i32 = arith.constant 0 : i32
    %c0_i32_0 = arith.constant 0 : i32
    return %arg0, %c0_i32 : i32, i32
  }
}

module attributes {stable_mosaic.version = 14 : i64} {
  func.func @body(%arg0: i32, %arg1: memref<4096x256xf32, #tpu.memory_space<vmem>>, %arg2: memref<4096x256xf32, #tpu.memory_space<vmem>>, %arg3: memref<256x1xf32, #tpu.memory_space<vmem>>, %arg4: memref<256x256xf32, #tpu.memory_space<vmem>>, %arg5: memref<256x256xf32, #tpu.memory_space<vmem>>) attributes {dimension_semantics = [#tpu.dimension_semantics<arbitrary>], iteration_bounds = array<i64: 16>, scalar_prefetch = 0 : i64, scratch_operands = 0 : i64, tpu.core_type = #tpu.core_type<tc>, window_params = [{transform_indices = @transform_0, window_bounds = array<i64: 4096, 256>}, {pipeline_mode = #tpu.pipeline_mode<synchronous>, transform_indices = @transform_1, window_bounds = array<i64: 4096, 256>}, {transform_indices = @transform_2, window_bounds = array<i64: 256, 1>}, {transform_indices = @transform_3, window_bounds = array<i64: 256, 256>}, {transform_indices = @transform_4, window_bounds = array<i64: 256, 256>}]} {
    %get3A = arith.constant 0 : index
    %get3A_0 = arith.constant 0 : index
    %get3A_1 = vector.load %arg1[%get3A, %get3A_0] : memref<4096x256xf32, #tpu.memory_space<vmem>>, vector<4096x256xf32>
    %get3A_2 = arith.constant 0 : index
    %get3A_3 = arith.constant 0 : index
    %get3A_4 = vector.load %arg2[%get3A_2, %get3A_3] : memref<4096x256xf32, #tpu.memory_space<vmem>>, vector<4096x256xf32>
    %dot_general3A = arith.constant dense<0.000000e+00> : vector<256x256xf32>
    %dot_general3A_5 = tpu.matmul %get3A_1, %get3A_4, %dot_general3A {dimension_numbers = #tpu.dot_dimension_numbers<[0], [0], [1], [1], [0, 1, 1, 1], [], []>, transpose_lhs_hint = false} : vector<4096x256xf32>, vector<4096x256xf32>, vector<256x256xf32> -> vector<256x256xf32>
    %get3A_6 = arith.constant 0 : index
    %get3A_7 = arith.constant 0 : index
    %get3A_8 = vector.load %arg3[%get3A_6, %get3A_7] : memref<256x1xf32, #tpu.memory_space<vmem>>, vector<256x1xf32>
    %mul3A = vector.broadcast %get3A_8 : vector<256x1xf32> to vector<256x256xf32>
    %mul3A_9 = arith.mulf %dot_general3A_5, %mul3A : vector<256x256xf32>
    %max3A = arith.constant 0.000000e+00 : f32
    %max3A_10 = vector.broadcast %max3A : f32 to vector<256x256xf32>
    %max3A_11 = arith.maximumf %mul3A_9, %max3A_10 : vector<256x256xf32>
    %swap3A = arith.constant 0 : index
    %swap3A_12 = arith.constant 0 : index
    %swap3A_13 = vector.load %arg4[%swap3A, %swap3A_12] : memref<256x256xf32, #tpu.memory_space<vmem>>, vector<256x256xf32>
    tpu.vector_store %arg4[%swap3A, %swap3A_12], %mul3A_9 {strides = array<i32>} : memref<256x256xf32, #tpu.memory_space<vmem>>, vector<256x256xf32>,
    %swap3A_14 = arith.constant 0 : index
    %swap3A_15 = arith.constant 0 : index
    %swap3A_16 = vector.load %arg5[%swap3A_14, %swap3A_15] : memref<256x256xf32, #tpu.memory_space<vmem>>, vector<256x256xf32>
    tpu.vector_store %arg5[%swap3A_14, %swap3A_15], %max3A_11 {strides = array<i32>} : memref<256x256xf32, #tpu.memory_space<vmem>>, vector<256x256xf32>,
    return
  }
  func.func @transform_0(%arg0: i32) -> (i32, i32) {
    %c0_i32 = arith.constant 0 : i32
    %c0_i32_0 = arith.constant 0 : i32
    return %c0_i32, %arg0 : i32, i32
  }
  func.func @transform_1(%arg0: i32) -> (i32, i32) {
    %c0_i32 = arith.constant 0 : i32
    %c0_i32_0 = arith.constant 0 : i32
    %c0_i32_1 = arith.constant 0 : i32
    return %c0_i32, %c0_i32_0 : i32, i32
  }
  func.func @transform_2(%arg0: i32) -> (i32, i32) {
    %c0_i32 = arith.constant 0 : i32
    %c0_i32_0 = arith.constant 0 : i32
    return %arg0, %c0_i32 : i32, i32
  }
  func.func @transform_3(%arg0: i32) -> (i32, i32) {
    %c0_i32 = arith.constant 0 : i32
    %c0_i32_0 = arith.constant 0 : i32
    return %arg0, %c0_i32 : i32, i32
  }
  func.func @transform_4(%arg0: i32) -> (i32, i32) {
    %c0_i32 = arith.constant 0 : i32
    %c0_i32_0 = arith.constant 0 : i32
    return %arg0, %c0_i32 : i32, i32
  }
}

module attributes {stable_mosaic.version = 14 : i64} {
  func.func @body(%arg0: i32, %arg1: memref<256x256xf32, #tpu.memory_space<vmem>>, %arg2: memref<256x384xf32, #tpu.memory_space<vmem>>, %arg3: memref<1x384xf32, #tpu.memory_space<vmem>>, %arg4: memref<256x384xf32, #tpu.memory_space<vmem>>) attributes {dimension_semantics = [#tpu.dimension_semantics<arbitrary>], iteration_bounds = array<i64: 16>, scalar_prefetch = 0 : i64, scratch_operands = 0 : i64, tpu.core_type = #tpu.core_type<tc>, window_params = [{transform_indices = @transform_0, window_bounds = array<i64: 256, 256>}, {pipeline_mode = #tpu.pipeline_mode<synchronous>, transform_indices = @transform_1, window_bounds = array<i64: 256, 384>}, {pipeline_mode = #tpu.pipeline_mode<synchronous>, transform_indices = @transform_2, window_bounds = array<i64: 1, 384>}, {transform_indices = @transform_3, window_bounds = array<i64: 256, 384>}]} {
    %get3A = arith.constant 0 : index
    %get3A_0 = arith.constant 0 : index
    %get3A_1 = vector.load %arg1[%get3A, %get3A_0] : memref<256x256xf32, #tpu.memory_space<vmem>>, vector<256x256xf32>
    %get3A_2 = arith.constant 0 : index
    %get3A_3 = arith.constant 0 : index
    %get3A_4 = vector.load %arg2[%get3A_2, %get3A_3] : memref<256x384xf32, #tpu.memory_space<vmem>>, vector<256x384xf32>
    %dot_general3A = arith.constant dense<0.000000e+00> : vector<256x384xf32>
    %dot_general3A_5 = tpu.matmul %get3A_1, %get3A_4, %dot_general3A {dimension_numbers = #tpu.dot_dimension_numbers<[1], [0], [0], [1], [0, 0, 1, 1], [], []>, transpose_lhs_hint = false} : vector<256x256xf32>, vector<256x384xf32>, vector<256x384xf32> -> vector<256x384xf32>
    %get3A_6 = arith.constant 0 : index
    %get3A_7 = arith.constant 0 : index
    %get3A_8 = vector.load %arg3[%get3A_6, %get3A_7] : memref<1x384xf32, #tpu.memory_space<vmem>>, vector<1x384xf32>
    %add3A = vector.broadcast %get3A_8 : vector<1x384xf32> to vector<256x384xf32>
    %add3A_9 = arith.addf %dot_general3A_5, %add3A : vector<256x384xf32>
    %swap3A = arith.constant 0 : index
    %swap3A_10 = arith.constant 0 : index
    %swap3A_11 = vector.load %arg4[%swap3A, %swap3A_10] : memref<256x384xf32, #tpu.memory_space<vmem>>, vector<256x384xf32>
    tpu.vector_store %arg4[%swap3A, %swap3A_10], %add3A_9 {strides = array<i32>} : memref<256x384xf32, #tpu.memory_space<vmem>>, vector<256x384xf32>,
    return
  }
  func.func @transform_0(%arg0: i32) -> (i32, i32) {
    %c0_i32 = arith.constant 0 : i32
    %c0_i32_0 = arith.constant 0 : i32
    return %arg0, %c0_i32 : i32, i32
  }
  func.func @transform_1(%arg0: i32) -> (i32, i32) {
    %c0_i32 = arith.constant 0 : i32
    %c0_i32_0 = arith.constant 0 : i32
    %c0_i32_1 = arith.constant 0 : i32
    return %c0_i32, %c0_i32_0 : i32, i32
  }
  func.func @transform_2(%arg0: i32) -> (i32, i32) {
    %c0_i32 = arith.constant 0 : i32
    %c0_i32_0 = arith.constant 0 : i32
    %c0_i32_1 = arith.constant 0 : i32
    return %c0_i32, %c0_i32_0 : i32, i32
  }
  func.func @transform_3(%arg0: i32) -> (i32, i32) {
    %c0_i32 = arith.constant 0 : i32
    %c0_i32_0 = arith.constant 0 : i32
    return %arg0, %c0_i32 : i32, i32
  }
}

module attributes {stable_mosaic.version = 14 : i64} {
  func.func @body(%arg0: i32, %arg1: memref<256x256xf32, #tpu.memory_space<vmem>>, %arg2: memref<4104x256xf32, #tpu.memory_space<vmem>>, %arg3: memref<8x128xf32, #tpu.memory_space<vmem>>) attributes {dimension_semantics = [#tpu.dimension_semantics<arbitrary>], iteration_bounds = array<i64: 16>, scalar_prefetch = 0 : i64, scratch_operands = 0 : i64, tpu.core_type = #tpu.core_type<tc>, window_params = [{transform_indices = @transform_0, window_bounds = array<i64: 256, 256>}, {pipeline_mode = #tpu.pipeline_mode<synchronous>, transform_indices = @transform_1, window_bounds = array<i64: 4104, 256>}, {pipeline_mode = #tpu.pipeline_mode<synchronous>, transform_indices = @transform_2, window_bounds = array<i64: 8, 128>}]} {
    %eq3A = arith.constant 0 : i32
    %eq3A_0 = arith.cmpi eq, %arg0, %eq3A : i32
    %convert_element_type3A = arith.extui %eq3A_0 : i1 to i32
    %cond3A = arith.constant 0 : i32
    %cond3A_1 = arith.cmpi ne, %convert_element_type3A, %cond3A : i32
    scf.if %cond3A_1 {
      %broadcast_in_dim3A_234 = arith.constant 0.000000e+00 : f32
      %broadcast_in_dim3A_235 = vector.broadcast %broadcast_in_dim3A_234 : f32 to vector<8x128xf32>
      %swap3A_236 = arith.constant 0 : index
      %swap3A_237 = arith.constant 0 : index
      %swap3A_238 = vector.load %arg3[%swap3A_236, %swap3A_237] : memref<8x128xf32, #tpu.memory_space<vmem>>, vector<8x128xf32>
      tpu.vector_store %arg3[%swap3A_236, %swap3A_237], %broadcast_in_dim3A_235 {strides = array<i32>} : memref<8x128xf32, #tpu.memory_space<vmem>>, vector<8x128xf32>,
    } else {
    }
    %get3A = arith.constant 0 : index
    %get3A_2 = arith.constant 0 : index
    %get3A_3 = vector.load %arg1[%get3A, %get3A_2] : memref<256x256xf32, #tpu.memory_space<vmem>>, vector<256x256xf32>
    %mul3A = arith.constant 256 : i32
    %mul3A_4 = arith.muli %arg0, %mul3A : i32
    %iota3A = tpu.iota {dimensions = array<i32: 0>} : vector<256x1xi32>
    %add3A = vector.broadcast %mul3A_4 : i32 to vector<256x1xi32>
    %add3A_5 = arith.addi %add3A, %iota3A : vector<256x1xi32>
    %lt3A = arith.constant 4096 : i32
    %lt3A_6 = vector.broadcast %lt3A : i32 to vector<256x1xi32>
    %lt3A_7 = arith.cmpi slt, %add3A_5, %lt3A_6 : vector<256x1xi32>
    %convert_element_type3A_8 = arith.extui %lt3A_7 : vector<256x1xi1> to vector<256x1xi32>
    %convert_element_type3A_9 = arith.sitofp %convert_element_type3A_8 : vector<256x1xi32> to vector<256x1xf32>
    %mul3A_10 = arith.constant 256 : i32
    %mul3A_11 = arith.muli %arg0, %mul3A_10 : i32
    %get3A_12 = arith.index_cast %mul3A_11 : i32 to index
    %get3A_13 = arith.constant 0 : index
    %get3A_14 = vector.load %arg2[%get3A_12, %get3A_13] : memref<4104x256xf32, #tpu.memory_space<vmem>>, vector<264x256xf32>
    %slice3A = vector.extract_strided_slice %get3A_14 {offsets = [5, 0], sizes = [256, 256], strides = [1, 1]} : vector<264x256xf32> to vector<256x256xf32>
    %mul3A_15 = arith.mulf %get3A_3, %slice3A : vector<256x256xf32>
    %reduce_sum3A = arith.constant dense<0.000000e+00> : vector<256xf32>
    %reduce_sum3A_16 = vector.multi_reduction <add>, %mul3A_15, %reduce_sum3A [1] : vector<256x256xf32> to vector<256xf32>
    %broadcast_in_dim3A = vector.shape_cast %reduce_sum3A_16 : vector<256xf32> to vector<256x1xf32>
    %neg3A = arith.constant 0.000000e+00 : f32
    %neg3A_17 = vector.broadcast %neg3A : f32 to vector<256x1xf32>
    %neg3A_18 = arith.subf %neg3A_17, %broadcast_in_dim3A : vector<256x1xf32>
    %custom_jvp_call3A = arith.constant 0.000000e+00 : f32
    %max3A = vector.broadcast %custom_jvp_call3A : f32 to vector<256x1xf32>
    %max3A_19 = arith.maximumf %neg3A_18, %max3A : vector<256x1xf32>
    %sub3A = vector.broadcast %custom_jvp_call3A : f32 to vector<256x1xf32>
    %sub3A_20 = arith.subf %neg3A_18, %sub3A : vector<256x1xf32>
    %ne3A = arith.cmpf one, %sub3A_20, %sub3A_20 : vector<256x1xf32>
    %add3A_21 = vector.broadcast %custom_jvp_call3A : f32 to vector<256x1xf32>
    %add3A_22 = arith.addf %neg3A_18, %add3A_21 : vector<256x1xf32>
    %abs3A = math.absf %sub3A_20 : vector<256x1xf32>
    %neg3A_23 = arith.constant 0.000000e+00 : f32
    %neg3A_24 = vector.broadcast %neg3A_23 : f32 to vector<256x1xf32>
    %neg3A_25 = arith.subf %neg3A_24, %abs3A : vector<256x1xf32>
    %exp3A = math.exp %neg3A_25 : vector<256x1xf32>
    %log1p3A = math.log1p %exp3A : vector<256x1xf32>
    %add3A_26 = arith.addf %max3A_19, %log1p3A : vector<256x1xf32>
    %select_n3A = arith.select %ne3A, %add3A_22, %add3A_26 : vector<256x1xi1>, vector<256x1xf32>
    %neg3A_27 = arith.constant 0.000000e+00 : f32
    %neg3A_28 = vector.broadcast %neg3A_27 : f32 to vector<256x1xf32>
    %neg3A_29 = arith.subf %neg3A_28, %select_n3A : vector<256x1xf32>
    %mul3A_30 = arith.mulf %neg3A_29, %convert_element_type3A_9 : vector<256x1xf32>
    %reduce_sum3A_31 = vector.shape_cast %mul3A_30 : vector<256x1xf32> to vector<1x256x1xf32>
    %reduce_sum3A_32 = arith.constant dense<0.000000e+00> : vector<1xf32>
    %reduce_sum3A_33 = vector.multi_reduction <add>, %reduce_sum3A_31, %reduce_sum3A_32 [1, 2] : vector<1x256x1xf32> to vector<1xf32>
    %reduce_sum3A_34 = vector.shape_cast %reduce_sum3A_33 : vector<1xf32> to vector<1x1x1xf32>
    %reduce_sum3A_35 = vector.extract %reduce_sum3A_34[0, 0, 0] : f32 from vector<1x1x1xf32>
    %slice3A_36 = vector.extract_strided_slice %get3A_14 {offsets = [4, 0], sizes = [256, 256], strides = [1, 1]} : vector<264x256xf32> to vector<256x256xf32>
    %mul3A_37 = arith.mulf %get3A_3, %slice3A_36 : vector<256x256xf32>
    %reduce_sum3A_38 = arith.constant dense<0.000000e+00> : vector<256xf32>
    %reduce_sum3A_39 = vector.multi_reduction <add>, %mul3A_37, %reduce_sum3A_38 [1] : vector<256x256xf32> to vector<256xf32>
    %broadcast_in_dim3A_40 = vector.shape_cast %reduce_sum3A_39 : vector<256xf32> to vector<256x1xf32>
    %neg3A_41 = arith.constant 0.000000e+00 : f32
    %neg3A_42 = vector.broadcast %neg3A_41 : f32 to vector<256x1xf32>
    %neg3A_43 = arith.subf %neg3A_42, %broadcast_in_dim3A_40 : vector<256x1xf32>
    %neg3A_44 = arith.constant 0.000000e+00 : f32
    %neg3A_45 = vector.broadcast %neg3A_44 : f32 to vector<256x1xf32>
    %neg3A_46 = arith.subf %neg3A_45, %neg3A_43 : vector<256x1xf32>
    %custom_jvp_call3A_47 = arith.constant 0.000000e+00 : f32
    %max3A_48 = vector.broadcast %custom_jvp_call3A_47 : f32 to vector<256x1xf32>
    %max3A_49 = arith.maximumf %neg3A_46, %max3A_48 : vector<256x1xf32>
    %sub3A_50 = vector.broadcast %custom_jvp_call3A_47 : f32 to vector<256x1xf32>
    %sub3A_51 = arith.subf %neg3A_46, %sub3A_50 : vector<256x1xf32>
    %ne3A_52 = arith.cmpf one, %sub3A_51, %sub3A_51 : vector<256x1xf32>
    %add3A_53 = vector.broadcast %custom_jvp_call3A_47 : f32 to vector<256x1xf32>
    %add3A_54 = arith.addf %neg3A_46, %add3A_53 : vector<256x1xf32>
    %abs3A_55 = math.absf %sub3A_51 : vector<256x1xf32>
    %neg3A_56 = arith.constant 0.000000e+00 : f32
    %neg3A_57 = vector.broadcast %neg3A_56 : f32 to vector<256x1xf32>
    %neg3A_58 = arith.subf %neg3A_57, %abs3A_55 : vector<256x1xf32>
    %exp3A_59 = math.exp %neg3A_58 : vector<256x1xf32>
    %log1p3A_60 = math.log1p %exp3A_59 : vector<256x1xf32>
    %add3A_61 = arith.addf %max3A_49, %log1p3A_60 : vector<256x1xf32>
    %select_n3A_62 = arith.select %ne3A_52, %add3A_54, %add3A_61 : vector<256x1xi1>, vector<256x1xf32>
    %neg3A_63 = arith.constant 0.000000e+00 : f32
    %neg3A_64 = vector.broadcast %neg3A_63 : f32 to vector<256x1xf32>
    %neg3A_65 = arith.subf %neg3A_64, %select_n3A_62 : vector<256x1xf32>
    %mul3A_66 = arith.mulf %neg3A_65, %convert_element_type3A_9 : vector<256x1xf32>
    %reduce_sum3A_67 = vector.shape_cast %mul3A_66 : vector<256x1xf32> to vector<1x256x1xf32>
    %reduce_sum3A_68 = arith.constant dense<0.000000e+00> : vector<1xf32>
    %reduce_sum3A_69 = vector.multi_reduction <add>, %reduce_sum3A_67, %reduce_sum3A_68 [1, 2] : vector<1x256x1xf32> to vector<1xf32>
    %reduce_sum3A_70 = vector.shape_cast %reduce_sum3A_69 : vector<1xf32> to vector<1x1x1xf32>
    %reduce_sum3A_71 = vector.extract %reduce_sum3A_70[0, 0, 0] : f32 from vector<1x1x1xf32>
    %slice3A_72 = vector.extract_strided_slice %get3A_14 {offsets = [3, 0], sizes = [256, 256], strides = [1, 1]} : vector<264x256xf32> to vector<256x256xf32>
    %mul3A_73 = arith.mulf %get3A_3, %slice3A_72 : vector<256x256xf32>
    %reduce_sum3A_74 = arith.constant dense<0.000000e+00> : vector<256xf32>
    %reduce_sum3A_75 = vector.multi_reduction <add>, %mul3A_73, %reduce_sum3A_74 [1] : vector<256x256xf32> to vector<256xf32>
    %broadcast_in_dim3A_76 = vector.shape_cast %reduce_sum3A_75 : vector<256xf32> to vector<256x1xf32>
    %neg3A_77 = arith.constant 0.000000e+00 : f32
    %neg3A_78 = vector.broadcast %neg3A_77 : f32 to vector<256x1xf32>
    %neg3A_79 = arith.subf %neg3A_78, %broadcast_in_dim3A_76 : vector<256x1xf32>
    %neg3A_80 = arith.constant 0.000000e+00 : f32
    %neg3A_81 = vector.broadcast %neg3A_80 : f32 to vector<256x1xf32>
    %neg3A_82 = arith.subf %neg3A_81, %neg3A_79 : vector<256x1xf32>
    %custom_jvp_call3A_83 = arith.constant 0.000000e+00 : f32
    %max3A_84 = vector.broadcast %custom_jvp_call3A_83 : f32 to vector<256x1xf32>
    %max3A_85 = arith.maximumf %neg3A_82, %max3A_84 : vector<256x1xf32>
    %sub3A_86 = vector.broadcast %custom_jvp_call3A_83 : f32 to vector<256x1xf32>
    %sub3A_87 = arith.subf %neg3A_82, %sub3A_86 : vector<256x1xf32>
    %ne3A_88 = arith.cmpf one, %sub3A_87, %sub3A_87 : vector<256x1xf32>
    %add3A_89 = vector.broadcast %custom_jvp_call3A_83 : f32 to vector<256x1xf32>
    %add3A_90 = arith.addf %neg3A_82, %add3A_89 : vector<256x1xf32>
    %abs3A_91 = math.absf %sub3A_87 : vector<256x1xf32>
    %neg3A_92 = arith.constant 0.000000e+00 : f32
    %neg3A_93 = vector.broadcast %neg3A_92 : f32 to vector<256x1xf32>
    %neg3A_94 = arith.subf %neg3A_93, %abs3A_91 : vector<256x1xf32>
    %exp3A_95 = math.exp %neg3A_94 : vector<256x1xf32>
    %log1p3A_96 = math.log1p %exp3A_95 : vector<256x1xf32>
    %add3A_97 = arith.addf %max3A_85, %log1p3A_96 : vector<256x1xf32>
    %select_n3A_98 = arith.select %ne3A_88, %add3A_90, %add3A_97 : vector<256x1xi1>, vector<256x1xf32>
    %neg3A_99 = arith.constant 0.000000e+00 : f32
    %neg3A_100 = vector.broadcast %neg3A_99 : f32 to vector<256x1xf32>
    %neg3A_101 = arith.subf %neg3A_100, %select_n3A_98 : vector<256x1xf32>
    %mul3A_102 = arith.mulf %neg3A_101, %convert_element_type3A_9 : vector<256x1xf32>
    %reduce_sum3A_103 = vector.shape_cast %mul3A_102 : vector<256x1xf32> to vector<1x256x1xf32>
    %reduce_sum3A_104 = arith.constant dense<0.000000e+00> : vector<1xf32>
    %reduce_sum3A_105 = vector.multi_reduction <add>, %reduce_sum3A_103, %reduce_sum3A_104 [1, 2] : vector<1x256x1xf32> to vector<1xf32>
    %reduce_sum3A_106 = vector.shape_cast %reduce_sum3A_105 : vector<1xf32> to vector<1x1x1xf32>
    %reduce_sum3A_107 = vector.extract %reduce_sum3A_106[0, 0, 0] : f32 from vector<1x1x1xf32>
    %slice3A_108 = vector.extract_strided_slice %get3A_14 {offsets = [2, 0], sizes = [256, 256], strides = [1, 1]} : vector<264x256xf32> to vector<256x256xf32>
    %mul3A_109 = arith.mulf %get3A_3, %slice3A_108 : vector<256x256xf32>
    %reduce_sum3A_110 = arith.constant dense<0.000000e+00> : vector<256xf32>
    %reduce_sum3A_111 = vector.multi_reduction <add>, %mul3A_109, %reduce_sum3A_110 [1] : vector<256x256xf32> to vector<256xf32>
    %broadcast_in_dim3A_112 = vector.shape_cast %reduce_sum3A_111 : vector<256xf32> to vector<256x1xf32>
    %neg3A_113 = arith.constant 0.000000e+00 : f32
    %neg3A_114 = vector.broadcast %neg3A_113 : f32 to vector<256x1xf32>
    %neg3A_115 = arith.subf %neg3A_114, %broadcast_in_dim3A_112 : vector<256x1xf32>
    %neg3A_116 = arith.constant 0.000000e+00 : f32
    %neg3A_117 = vector.broadcast %neg3A_116 : f32 to vector<256x1xf32>
    %neg3A_118 = arith.subf %neg3A_117, %neg3A_115 : vector<256x1xf32>
    %custom_jvp_call3A_119 = arith.constant 0.000000e+00 : f32
    %max3A_120 = vector.broadcast %custom_jvp_call3A_119 : f32 to vector<256x1xf32>
    %max3A_121 = arith.maximumf %neg3A_118, %max3A_120 : vector<256x1xf32>
    %sub3A_122 = vector.broadcast %custom_jvp_call3A_119 : f32 to vector<256x1xf32>
    %sub3A_123 = arith.subf %neg3A_118, %sub3A_122 : vector<256x1xf32>
    %ne3A_124 = arith.cmpf one, %sub3A_123, %sub3A_123 : vector<256x1xf32>
    %add3A_125 = vector.broadcast %custom_jvp_call3A_119 : f32 to vector<256x1xf32>
    %add3A_126 = arith.addf %neg3A_118, %add3A_125 : vector<256x1xf32>
    %abs3A_127 = math.absf %sub3A_123 : vector<256x1xf32>
    %neg3A_128 = arith.constant 0.000000e+00 : f32
    %neg3A_129 = vector.broadcast %neg3A_128 : f32 to vector<256x1xf32>
    %neg3A_130 = arith.subf %neg3A_129, %abs3A_127 : vector<256x1xf32>
    %exp3A_131 = math.exp %neg3A_130 : vector<256x1xf32>
    %log1p3A_132 = math.log1p %exp3A_131 : vector<256x1xf32>
    %add3A_133 = arith.addf %max3A_121, %log1p3A_132 : vector<256x1xf32>
    %select_n3A_134 = arith.select %ne3A_124, %add3A_126, %add3A_133 : vector<256x1xi1>, vector<256x1xf32>
    %neg3A_135 = arith.constant 0.000000e+00 : f32
    %neg3A_136 = vector.broadcast %neg3A_135 : f32 to vector<256x1xf32>
    %neg3A_137 = arith.subf %neg3A_136, %select_n3A_134 : vector<256x1xf32>
    %mul3A_138 = arith.mulf %neg3A_137, %convert_element_type3A_9 : vector<256x1xf32>
    %reduce_sum3A_139 = vector.shape_cast %mul3A_138 : vector<256x1xf32> to vector<1x256x1xf32>
    %reduce_sum3A_140 = arith.constant dense<0.000000e+00> : vector<1xf32>
    %reduce_sum3A_141 = vector.multi_reduction <add>, %reduce_sum3A_139, %reduce_sum3A_140 [1, 2] : vector<1x256x1xf32> to vector<1xf32>
    %reduce_sum3A_142 = vector.shape_cast %reduce_sum3A_141 : vector<1xf32> to vector<1x1x1xf32>
    %reduce_sum3A_143 = vector.extract %reduce_sum3A_142[0, 0, 0] : f32 from vector<1x1x1xf32>
    %slice3A_144 = vector.extract_strided_slice %get3A_14 {offsets = [1, 0], sizes = [256, 256], strides = [1, 1]} : vector<264x256xf32> to vector<256x256xf32>
    %mul3A_145 = arith.mulf %get3A_3, %slice3A_144 : vector<256x256xf32>
    %reduce_sum3A_146 = arith.constant dense<0.000000e+00> : vector<256xf32>
    %reduce_sum3A_147 = vector.multi_reduction <add>, %mul3A_145, %reduce_sum3A_146 [1] : vector<256x256xf32> to vector<256xf32>
    %broadcast_in_dim3A_148 = vector.shape_cast %reduce_sum3A_147 : vector<256xf32> to vector<256x1xf32>
    %neg3A_149 = arith.constant 0.000000e+00 : f32
    %neg3A_150 = vector.broadcast %neg3A_149 : f32 to vector<256x1xf32>
    %neg3A_151 = arith.subf %neg3A_150, %broadcast_in_dim3A_148 : vector<256x1xf32>
    %neg3A_152 = arith.constant 0.000000e+00 : f32
    %neg3A_153 = vector.broadcast %neg3A_152 : f32 to vector<256x1xf32>
    %neg3A_154 = arith.subf %neg3A_153, %neg3A_151 : vector<256x1xf32>
    %custom_jvp_call3A_155 = arith.constant 0.000000e+00 : f32
    %max3A_156 = vector.broadcast %custom_jvp_call3A_155 : f32 to vector<256x1xf32>
    %max3A_157 = arith.maximumf %neg3A_154, %max3A_156 : vector<256x1xf32>
    %sub3A_158 = vector.broadcast %custom_jvp_call3A_155 : f32 to vector<256x1xf32>
    %sub3A_159 = arith.subf %neg3A_154, %sub3A_158 : vector<256x1xf32>
    %ne3A_160 = arith.cmpf one, %sub3A_159, %sub3A_159 : vector<256x1xf32>
    %add3A_161 = vector.broadcast %custom_jvp_call3A_155 : f32 to vector<256x1xf32>
    %add3A_162 = arith.addf %neg3A_154, %add3A_161 : vector<256x1xf32>
    %abs3A_163 = math.absf %sub3A_159 : vector<256x1xf32>
    %neg3A_164 = arith.constant 0.000000e+00 : f32
    %neg3A_165 = vector.broadcast %neg3A_164 : f32 to vector<256x1xf32>
    %neg3A_166 = arith.subf %neg3A_165, %abs3A_163 : vector<256x1xf32>
    %exp3A_167 = math.exp %neg3A_166 : vector<256x1xf32>
    %log1p3A_168 = math.log1p %exp3A_167 : vector<256x1xf32>
    %add3A_169 = arith.addf %max3A_157, %log1p3A_168 : vector<256x1xf32>
    %select_n3A_170 = arith.select %ne3A_160, %add3A_162, %add3A_169 : vector<256x1xi1>, vector<256x1xf32>
    %neg3A_171 = arith.constant 0.000000e+00 : f32
    %neg3A_172 = vector.broadcast %neg3A_171 : f32 to vector<256x1xf32>
    %neg3A_173 = arith.subf %neg3A_172, %select_n3A_170 : vector<256x1xf32>
    %mul3A_174 = arith.mulf %neg3A_173, %convert_element_type3A_9 : vector<256x1xf32>
    %reduce_sum3A_175 = vector.shape_cast %mul3A_174 : vector<256x1xf32> to vector<1x256x1xf32>
    %reduce_sum3A_176 = arith.constant dense<0.000000e+00> : vector<1xf32>
    %reduce_sum3A_177 = vector.multi_reduction <add>, %reduce_sum3A_175, %reduce_sum3A_176 [1, 2] : vector<1x256x1xf32> to vector<1xf32>
    %reduce_sum3A_178 = vector.shape_cast %reduce_sum3A_177 : vector<1xf32> to vector<1x1x1xf32>
    %reduce_sum3A_179 = vector.extract %reduce_sum3A_178[0, 0, 0] : f32 from vector<1x1x1xf32>
    %slice3A_180 = vector.extract_strided_slice %get3A_14 {offsets = [0, 0], sizes = [256, 256], strides = [1, 1]} : vector<264x256xf32> to vector<256x256xf32>
    %mul3A_181 = arith.mulf %get3A_3, %slice3A_180 : vector<256x256xf32>
    %reduce_sum3A_182 = arith.constant dense<0.000000e+00> : vector<256xf32>
    %reduce_sum3A_183 = vector.multi_reduction <add>, %mul3A_181, %reduce_sum3A_182 [1] : vector<256x256xf32> to vector<256xf32>
    %broadcast_in_dim3A_184 = vector.shape_cast %reduce_sum3A_183 : vector<256xf32> to vector<256x1xf32>
    %neg3A_185 = arith.constant 0.000000e+00 : f32
    %neg3A_186 = vector.broadcast %neg3A_185 : f32 to vector<256x1xf32>
    %neg3A_187 = arith.subf %neg3A_186, %broadcast_in_dim3A_184 : vector<256x1xf32>
    %neg3A_188 = arith.constant 0.000000e+00 : f32
    %neg3A_189 = vector.broadcast %neg3A_188 : f32 to vector<256x1xf32>
    %neg3A_190 = arith.subf %neg3A_189, %neg3A_187 : vector<256x1xf32>
    %custom_jvp_call3A_191 = arith.constant 0.000000e+00 : f32
    %max3A_192 = vector.broadcast %custom_jvp_call3A_191 : f32 to vector<256x1xf32>
    %max3A_193 = arith.maximumf %neg3A_190, %max3A_192 : vector<256x1xf32>
    %sub3A_194 = vector.broadcast %custom_jvp_call3A_191 : f32 to vector<256x1xf32>
    %sub3A_195 = arith.subf %neg3A_190, %sub3A_194 : vector<256x1xf32>
    %ne3A_196 = arith.cmpf one, %sub3A_195, %sub3A_195 : vector<256x1xf32>
    %add3A_197 = vector.broadcast %custom_jvp_call3A_191 : f32 to vector<256x1xf32>
    %add3A_198 = arith.addf %neg3A_190, %add3A_197 : vector<256x1xf32>
    %abs3A_199 = math.absf %sub3A_195 : vector<256x1xf32>
    %neg3A_200 = arith.constant 0.000000e+00 : f32
    %neg3A_201 = vector.broadcast %neg3A_200 : f32 to vector<256x1xf32>
    %neg3A_202 = arith.subf %neg3A_201, %abs3A_199 : vector<256x1xf32>
    %exp3A_203 = math.exp %neg3A_202 : vector<256x1xf32>
    %log1p3A_204 = math.log1p %exp3A_203 : vector<256x1xf32>
    %add3A_205 = arith.addf %max3A_193, %log1p3A_204 : vector<256x1xf32>
    %select_n3A_206 = arith.select %ne3A_196, %add3A_198, %add3A_205 : vector<256x1xi1>, vector<256x1xf32>
    %neg3A_207 = arith.constant 0.000000e+00 : f32
    %neg3A_208 = vector.broadcast %neg3A_207 : f32 to vector<256x1xf32>
    %neg3A_209 = arith.subf %neg3A_208, %select_n3A_206 : vector<256x1xf32>
    %mul3A_210 = arith.mulf %neg3A_209, %convert_element_type3A_9 : vector<256x1xf32>
    %reduce_sum3A_211 = vector.shape_cast %mul3A_210 : vector<256x1xf32> to vector<1x256x1xf32>
    %reduce_sum3A_212 = arith.constant dense<0.000000e+00> : vector<1xf32>
    %reduce_sum3A_213 = vector.multi_reduction <add>, %reduce_sum3A_211, %reduce_sum3A_212 [1, 2] : vector<1x256x1xf32> to vector<1xf32>
    %reduce_sum3A_214 = vector.shape_cast %reduce_sum3A_213 : vector<1xf32> to vector<1x1x1xf32>
    %reduce_sum3A_215 = vector.extract %reduce_sum3A_214[0, 0, 0] : f32 from vector<1x1x1xf32>
    %stack3A = arith.constant 0.000000e+00 : f32
    %stack3A_216 = arith.constant 0.000000e+00 : f32
    %stack3A_217 = vector.broadcast %reduce_sum3A_35 : f32 to vector<1xf32>
    %stack3A_218 = vector.broadcast %reduce_sum3A_71 : f32 to vector<1xf32>
    %stack3A_219 = vector.broadcast %reduce_sum3A_107 : f32 to vector<1xf32>
    %stack3A_220 = vector.broadcast %reduce_sum3A_143 : f32 to vector<1xf32>
    %stack3A_221 = vector.broadcast %reduce_sum3A_179 : f32 to vector<1xf32>
    %stack3A_222 = vector.broadcast %reduce_sum3A_215 : f32 to vector<1xf32>
    %stack3A_223 = vector.broadcast %stack3A : f32 to vector<1xf32>
    %stack3A_224 = vector.broadcast %stack3A_216 : f32 to vector<1xf32>
    %stack3A_225 = tpu.concatenate %stack3A_217, %stack3A_218, %stack3A_219, %stack3A_220, %stack3A_221, %stack3A_222, %stack3A_223, %stack3A_224 in 0 : vector<1xf32>, vector<1xf32>, vector<1xf32>, vector<1xf32>, vector<1xf32>, vector<1xf32>, vector<1xf32>, vector<1xf32> -> vector<8xf32>
    %get3A_226 = arith.constant 0 : index
    %get3A_227 = arith.constant 0 : index
    %get3A_228 = vector.load %arg3[%get3A_226, %get3A_227] : memref<8x128xf32, #tpu.memory_space<vmem>>, vector<8x128xf32>
    %broadcast_in_dim3A_229 = vector.shape_cast %stack3A_225 : vector<8xf32> to vector<8x1xf32>
    %add3A_230 = vector.broadcast %broadcast_in_dim3A_229 : vector<8x1xf32> to vector<8x128xf32>
    %add3A_231 = arith.addf %get3A_228, %add3A_230 : vector<8x128xf32>
    %swap3A = arith.constant 0 : index
    %swap3A_232 = arith.constant 0 : index
    %swap3A_233 = vector.load %arg3[%swap3A, %swap3A_232] : memref<8x128xf32, #tpu.memory_space<vmem>>, vector<8x128xf32>
    tpu.vector_store %arg3[%swap3A, %swap3A_232], %add3A_231 {strides = array<i32>} : memref<8x128xf32, #tpu.memory_space<vmem>>, vector<8x128xf32>,
    return
  }
  func.func @transform_0(%arg0: i32) -> (i32, i32) {
    %c0_i32 = arith.constant 0 : i32
    %c0_i32_0 = arith.constant 0 : i32
    return %arg0, %c0_i32 : i32, i32
  }
  func.func @transform_1(%arg0: i32) -> (i32, i32) {
    %c0_i32 = arith.constant 0 : i32
    %c0_i32_0 = arith.constant 0 : i32
    %c0_i32_1 = arith.constant 0 : i32
    return %c0_i32, %c0_i32_0 : i32, i32
  }
  func.func @transform_2(%arg0: i32) -> (i32, i32) {
    %c0_i32 = arith.constant 0 : i32
    %c0_i32_0 = arith.constant 0 : i32
    %c0_i32_1 = arith.constant 0 : i32
    return %c0_i32, %c0_i32_0 : i32, i32
  }
}

module attributes {stable_mosaic.version = 14 : i64} {
  func.func @body(%arg0: i32, %arg1: memref<256x4096xf32, #tpu.memory_space<vmem>>, %arg2: memref<4096x256xf32, #tpu.memory_space<vmem>>, %arg3: memref<1x256xf32, #tpu.memory_space<vmem>>, %arg4: memref<256x256xf32, #tpu.memory_space<vmem>>) attributes {dimension_semantics = [#tpu.dimension_semantics<arbitrary>], iteration_bounds = array<i64: 13>, scalar_prefetch = 0 : i64, scratch_operands = 0 : i64, tpu.core_type = #tpu.core_type<tc>, window_params = [{transform_indices = @transform_0, window_bounds = array<i64: 256, 4096>}, {pipeline_mode = #tpu.pipeline_mode<synchronous>, transform_indices = @transform_1, window_bounds = array<i64: 4096, 256>}, {pipeline_mode = #tpu.pipeline_mode<synchronous>, transform_indices = @transform_2, window_bounds = array<i64: 1, 256>}, {transform_indices = @transform_3, window_bounds = array<i64: 256, 256>}]} {
    %get3A = arith.constant 0 : index
    %get3A_0 = arith.constant 0 : index
    %get3A_1 = vector.load %arg1[%get3A, %get3A_0] : memref<256x4096xf32, #tpu.memory_space<vmem>>, vector<256x4096xf32>
    %get3A_2 = arith.constant 0 : index
    %get3A_3 = arith.constant 0 : index
    %get3A_4 = vector.load %arg2[%get3A_2, %get3A_3] : memref<4096x256xf32, #tpu.memory_space<vmem>>, vector<4096x256xf32>
    %dot_general3A = arith.constant dense<0.000000e+00> : vector<256x256xf32>
    %dot_general3A_5 = tpu.matmul %get3A_1, %get3A_4, %dot_general3A {dimension_numbers = #tpu.dot_dimension_numbers<[1], [0], [0], [1], [0, 0, 1, 1], [], []>, transpose_lhs_hint = false} : vector<256x4096xf32>, vector<4096x256xf32>, vector<256x256xf32> -> vector<256x256xf32>
    %get3A_6 = arith.constant 0 : index
    %get3A_7 = arith.constant 0 : index
    %get3A_8 = vector.load %arg3[%get3A_6, %get3A_7] : memref<1x256xf32, #tpu.memory_space<vmem>>, vector<1x256xf32>
    %add3A = vector.broadcast %get3A_8 : vector<1x256xf32> to vector<256x256xf32>
    %add3A_9 = arith.addf %dot_general3A_5, %add3A : vector<256x256xf32>
    %swap3A = arith.constant 0 : index
    %swap3A_10 = arith.constant 0 : index
    %swap3A_11 = vector.load %arg4[%swap3A, %swap3A_10] : memref<256x256xf32, #tpu.memory_space<vmem>>, vector<256x256xf32>
    tpu.vector_store %arg4[%swap3A, %swap3A_10], %add3A_9 {strides = array<i32>} : memref<256x256xf32, #tpu.memory_space<vmem>>, vector<256x256xf32>,
    return
  }
  func.func @transform_0(%arg0: i32) -> (i32, i32) {
    %c0_i32 = arith.constant 0 : i32
    %c0_i32_0 = arith.constant 0 : i32
    return %arg0, %c0_i32 : i32, i32
  }
  func.func @transform_1(%arg0: i32) -> (i32, i32) {
    %c0_i32 = arith.constant 0 : i32
    %c0_i32_0 = arith.constant 0 : i32
    %c0_i32_1 = arith.constant 0 : i32
    return %c0_i32, %c0_i32_0 : i32, i32
  }
  func.func @transform_2(%arg0: i32) -> (i32, i32) {
    %c0_i32 = arith.constant 0 : i32
    %c0_i32_0 = arith.constant 0 : i32
    %c0_i32_1 = arith.constant 0 : i32
    return %c0_i32, %c0_i32_0 : i32, i32
  }
  func.func @transform_3(%arg0: i32) -> (i32, i32) {
    %c0_i32 = arith.constant 0 : i32
    %c0_i32_0 = arith.constant 0 : i32
    return %arg0, %c0_i32 : i32, i32
  }
}

module attributes {stable_mosaic.version = 14 : i64} {
  func.func @body(%arg0: i32, %arg1: memref<256x256xf32, #tpu.memory_space<vmem>>, %arg2: memref<256x256xf32, #tpu.memory_space<vmem>>, %arg3: memref<1x256xf32, #tpu.memory_space<vmem>>, %arg4: memref<256x1xf32, #tpu.memory_space<vmem>>, %arg5: memref<256x1xf32, #tpu.memory_space<vmem>>, %arg6: memref<256x256xf32, #tpu.memory_space<vmem>>) attributes {dimension_semantics = [#tpu.dimension_semantics<arbitrary>], iteration_bounds = array<i64: 13>, scalar_prefetch = 0 : i64, scratch_operands = 0 : i64, tpu.core_type = #tpu.core_type<tc>, window_params = [{transform_indices = @transform_0, window_bounds = array<i64: 256, 256>}, {pipeline_mode = #tpu.pipeline_mode<synchronous>, transform_indices = @transform_1, window_bounds = array<i64: 256, 256>}, {pipeline_mode = #tpu.pipeline_mode<synchronous>, transform_indices = @transform_2, window_bounds = array<i64: 1, 256>}, {transform_indices = @transform_3, window_bounds = array<i64: 256, 1>}, {transform_indices = @transform_4, window_bounds = array<i64: 256, 1>}, {transform_indices = @transform_5, window_bounds = array<i64: 256, 256>}]} {
    %get3A = arith.constant 0 : index
    %get3A_0 = arith.constant 0 : index
    %get3A_1 = vector.load %arg1[%get3A, %get3A_0] : memref<256x256xf32, #tpu.memory_space<vmem>>, vector<256x256xf32>
    %get3A_2 = arith.constant 0 : index
    %get3A_3 = arith.constant 0 : index
    %get3A_4 = vector.load %arg4[%get3A_2, %get3A_3] : memref<256x1xf32, #tpu.memory_space<vmem>>, vector<256x1xf32>
    %mul3A = vector.broadcast %get3A_4 : vector<256x1xf32> to vector<256x256xf32>
    %mul3A_5 = arith.mulf %get3A_1, %mul3A : vector<256x256xf32>
    %get3A_6 = arith.constant 0 : index
    %get3A_7 = arith.constant 0 : index
    %get3A_8 = vector.load %arg2[%get3A_6, %get3A_7] : memref<256x256xf32, #tpu.memory_space<vmem>>, vector<256x256xf32>
    %dot_general3A = arith.constant dense<0.000000e+00> : vector<256x256xf32>
    %dot_general3A_9 = tpu.matmul %mul3A_5, %get3A_8, %dot_general3A {dimension_numbers = #tpu.dot_dimension_numbers<[1], [0], [0], [1], [0, 0, 1, 1], [], []>, transpose_lhs_hint = false} : vector<256x256xf32>, vector<256x256xf32>, vector<256x256xf32> -> vector<256x256xf32>
    %get3A_10 = arith.constant 0 : index
    %get3A_11 = arith.constant 0 : index
    %get3A_12 = vector.load %arg3[%get3A_10, %get3A_11] : memref<1x256xf32, #tpu.memory_space<vmem>>, vector<1x256xf32>
    %add3A = vector.broadcast %get3A_12 : vector<1x256xf32> to vector<256x256xf32>
    %add3A_13 = arith.addf %dot_general3A_9, %add3A : vector<256x256xf32>
    %get3A_14 = arith.constant 0 : index
    %get3A_15 = arith.constant 0 : index
    %get3A_16 = vector.load %arg5[%get3A_14, %get3A_15] : memref<256x1xf32, #tpu.memory_space<vmem>>, vector<256x1xf32>
    %mul3A_17 = vector.broadcast %get3A_16 : vector<256x1xf32> to vector<256x256xf32>
    %mul3A_18 = arith.mulf %add3A_13, %mul3A_17 : vector<256x256xf32>
    %swap3A = arith.constant 0 : index
    %swap3A_19 = arith.constant 0 : index
    %swap3A_20 = vector.load %arg6[%swap3A, %swap3A_19] : memref<256x256xf32, #tpu.memory_space<vmem>>, vector<256x256xf32>
    tpu.vector_store %arg6[%swap3A, %swap3A_19], %mul3A_18 {strides = array<i32>} : memref<256x256xf32, #tpu.memory_space<vmem>>, vector<256x256xf32>,
    return
  }
  func.func @transform_0(%arg0: i32) -> (i32, i32) {
    %c0_i32 = arith.constant 0 : i32
    %c0_i32_0 = arith.constant 0 : i32
    return %arg0, %c0_i32 : i32, i32
  }
  func.func @transform_1(%arg0: i32) -> (i32, i32) {
    %c0_i32 = arith.constant 0 : i32
    %c0_i32_0 = arith.constant 0 : i32
    %c0_i32_1 = arith.constant 0 : i32
    return %c0_i32, %c0_i32_0 : i32, i32
  }
  func.func @transform_2(%arg0: i32) -> (i32, i32) {
    %c0_i32 = arith.constant 0 : i32
    %c0_i32_0 = arith.constant 0 : i32
    %c0_i32_1 = arith.constant 0 : i32
    return %c0_i32, %c0_i32_0 : i32, i32
  }
  func.func @transform_3(%arg0: i32) -> (i32, i32) {
    %c0_i32 = arith.constant 0 : i32
    %c0_i32_0 = arith.constant 0 : i32
    return %arg0, %c0_i32 : i32, i32
  }
  func.func @transform_4(%arg0: i32) -> (i32, i32) {
    %c0_i32 = arith.constant 0 : i32
    %c0_i32_0 = arith.constant 0 : i32
    return %arg0, %c0_i32 : i32, i32
  }
  func.func @transform_5(%arg0: i32) -> (i32, i32) {
    %c0_i32 = arith.constant 0 : i32
    %c0_i32_0 = arith.constant 0 : i32
    return %arg0, %c0_i32 : i32, i32
  }
}

module attributes {stable_mosaic.version = 14 : i64} {
  func.func @body(%arg0: i32, %arg1: memref<256x3328xf32, #tpu.memory_space<vmem>>, %arg2: memref<3328x256xf32, #tpu.memory_space<vmem>>, %arg3: memref<1x256xf32, #tpu.memory_space<vmem>>, %arg4: memref<256x256xf32, #tpu.memory_space<vmem>>) attributes {dimension_semantics = [#tpu.dimension_semantics<arbitrary>], iteration_bounds = array<i64: 16>, scalar_prefetch = 0 : i64, scratch_operands = 0 : i64, tpu.core_type = #tpu.core_type<tc>, window_params = [{transform_indices = @transform_0, window_bounds = array<i64: 256, 3328>}, {pipeline_mode = #tpu.pipeline_mode<synchronous>, transform_indices = @transform_1, window_bounds = array<i64: 3328, 256>}, {pipeline_mode = #tpu.pipeline_mode<synchronous>, transform_indices = @transform_2, window_bounds = array<i64: 1, 256>}, {transform_indices = @transform_3, window_bounds = array<i64: 256, 256>}]} {
    %get3A = arith.constant 0 : index
    %get3A_0 = arith.constant 0 : index
    %get3A_1 = vector.load %arg1[%get3A, %get3A_0] : memref<256x3328xf32, #tpu.memory_space<vmem>>, vector<256x3328xf32>
    %get3A_2 = arith.constant 0 : index
    %get3A_3 = arith.constant 0 : index
    %get3A_4 = vector.load %arg2[%get3A_2, %get3A_3] : memref<3328x256xf32, #tpu.memory_space<vmem>>, vector<3328x256xf32>
    %dot_general3A = arith.constant dense<0.000000e+00> : vector<256x256xf32>
    %dot_general3A_5 = tpu.matmul %get3A_1, %get3A_4, %dot_general3A {dimension_numbers = #tpu.dot_dimension_numbers<[1], [0], [0], [1], [0, 0, 1, 1], [], []>, transpose_lhs_hint = false} : vector<256x3328xf32>, vector<3328x256xf32>, vector<256x256xf32> -> vector<256x256xf32>
    %get3A_6 = arith.constant 0 : index
    %get3A_7 = arith.constant 0 : index
    %get3A_8 = vector.load %arg3[%get3A_6, %get3A_7] : memref<1x256xf32, #tpu.memory_space<vmem>>, vector<1x256xf32>
    %add3A = vector.broadcast %get3A_8 : vector<1x256xf32> to vector<256x256xf32>
    %add3A_9 = arith.addf %dot_general3A_5, %add3A : vector<256x256xf32>
    %swap3A = arith.constant 0 : index
    %swap3A_10 = arith.constant 0 : index
    %swap3A_11 = vector.load %arg4[%swap3A, %swap3A_10] : memref<256x256xf32, #tpu.memory_space<vmem>>, vector<256x256xf32>
    tpu.vector_store %arg4[%swap3A, %swap3A_10], %add3A_9 {strides = array<i32>} : memref<256x256xf32, #tpu.memory_space<vmem>>, vector<256x256xf32>,
    return
  }
  func.func @transform_0(%arg0: i32) -> (i32, i32) {
    %c0_i32 = arith.constant 0 : i32
    %c0_i32_0 = arith.constant 0 : i32
    return %arg0, %c0_i32 : i32, i32
  }
  func.func @transform_1(%arg0: i32) -> (i32, i32) {
    %c0_i32 = arith.constant 0 : i32
    %c0_i32_0 = arith.constant 0 : i32
    %c0_i32_1 = arith.constant 0 : i32
    return %c0_i32, %c0_i32_0 : i32, i32
  }
  func.func @transform_2(%arg0: i32) -> (i32, i32) {
    %c0_i32 = arith.constant 0 : i32
    %c0_i32_0 = arith.constant 0 : i32
    %c0_i32_1 = arith.constant 0 : i32
    return %c0_i32, %c0_i32_0 : i32, i32
  }
  func.func @transform_3(%arg0: i32) -> (i32, i32) {
    %c0_i32 = arith.constant 0 : i32
    %c0_i32_0 = arith.constant 0 : i32
    return %arg0, %c0_i32 : i32, i32
  }
}

module attributes {stable_mosaic.version = 14 : i64} {
  func.func @body(%arg0: i32, %arg1: memref<4096x256xf32, #tpu.memory_space<vmem>>, %arg2: memref<4096x256xf32, #tpu.memory_space<vmem>>, %arg3: memref<256x256xf32, #tpu.memory_space<vmem>>, %arg4: memref<256x256xf32, #tpu.memory_space<vmem>>) attributes {dimension_semantics = [#tpu.dimension_semantics<arbitrary>], iteration_bounds = array<i64: 16>, scalar_prefetch = 0 : i64, scratch_operands = 0 : i64, tpu.core_type = #tpu.core_type<tc>, window_params = [{transform_indices = @transform_0, window_bounds = array<i64: 4096, 256>}, {pipeline_mode = #tpu.pipeline_mode<synchronous>, transform_indices = @transform_1, window_bounds = array<i64: 4096, 256>}, {transform_indices = @transform_2, window_bounds = array<i64: 256, 256>}, {transform_indices = @transform_3, window_bounds = array<i64: 256, 256>}]} {
    %get3A = arith.constant 0 : index
    %get3A_0 = arith.constant 0 : index
    %get3A_1 = vector.load %arg1[%get3A, %get3A_0] : memref<4096x256xf32, #tpu.memory_space<vmem>>, vector<4096x256xf32>
    %get3A_2 = arith.constant 0 : index
    %get3A_3 = arith.constant 0 : index
    %get3A_4 = vector.load %arg2[%get3A_2, %get3A_3] : memref<4096x256xf32, #tpu.memory_space<vmem>>, vector<4096x256xf32>
    %dot_general3A = arith.constant dense<0.000000e+00> : vector<256x256xf32>
    %dot_general3A_5 = tpu.matmul %get3A_1, %get3A_4, %dot_general3A {dimension_numbers = #tpu.dot_dimension_numbers<[0], [0], [1], [1], [0, 1, 1, 1], [], []>, transpose_lhs_hint = false} : vector<4096x256xf32>, vector<4096x256xf32>, vector<256x256xf32> -> vector<256x256xf32>
    %swap3A = arith.constant 0 : index
    %swap3A_6 = arith.constant 0 : index
    %swap3A_7 = vector.load %arg3[%swap3A, %swap3A_6] : memref<256x256xf32, #tpu.memory_space<vmem>>, vector<256x256xf32>
    tpu.vector_store %arg3[%swap3A, %swap3A_6], %dot_general3A_5 {strides = array<i32>} : memref<256x256xf32, #tpu.memory_space<vmem>>, vector<256x256xf32>,
    %swap3A_8 = arith.constant 0 : index
    %swap3A_9 = arith.constant 0 : index
    %swap3A_10 = vector.load %arg4[%swap3A_8, %swap3A_9] : memref<256x256xf32, #tpu.memory_space<vmem>>, vector<256x256xf32>
    tpu.vector_store %arg4[%swap3A_8, %swap3A_9], %dot_general3A_5 {strides = array<i32>} : memref<256x256xf32, #tpu.memory_space<vmem>>, vector<256x256xf32>,
    return
  }
  func.func @transform_0(%arg0: i32) -> (i32, i32) {
    %c0_i32 = arith.constant 0 : i32
    %c0_i32_0 = arith.constant 0 : i32
    return %c0_i32, %arg0 : i32, i32
  }
  func.func @transform_1(%arg0: i32) -> (i32, i32) {
    %c0_i32 = arith.constant 0 : i32
    %c0_i32_0 = arith.constant 0 : i32
    %c0_i32_1 = arith.constant 0 : i32
    return %c0_i32, %c0_i32_0 : i32, i32
  }
  func.func @transform_2(%arg0: i32) -> (i32, i32) {
    %c0_i32 = arith.constant 0 : i32
    %c0_i32_0 = arith.constant 0 : i32
    return %arg0, %c0_i32 : i32, i32
  }
  func.func @transform_3(%arg0: i32) -> (i32, i32) {
    %c0_i32 = arith.constant 0 : i32
    %c0_i32_0 = arith.constant 0 : i32
    return %arg0, %c0_i32 : i32, i32
  }
}

module attributes {stable_mosaic.version = 14 : i64} {
  func.func @body(%arg0: i32, %arg1: memref<256x4096xf32, #tpu.memory_space<vmem>>, %arg2: memref<4096x256xf32, #tpu.memory_space<vmem>>, %arg3: memref<256x1xf32, #tpu.memory_space<vmem>>, %arg4: memref<256x256xf32, #tpu.memory_space<vmem>>, %arg5: memref<256x256xf32, #tpu.memory_space<vmem>>) attributes {dimension_semantics = [#tpu.dimension_semantics<arbitrary>], iteration_bounds = array<i64: 13>, scalar_prefetch = 0 : i64, scratch_operands = 0 : i64, tpu.core_type = #tpu.core_type<tc>, window_params = [{transform_indices = @transform_0, window_bounds = array<i64: 256, 4096>}, {pipeline_mode = #tpu.pipeline_mode<synchronous>, transform_indices = @transform_1, window_bounds = array<i64: 4096, 256>}, {transform_indices = @transform_2, window_bounds = array<i64: 256, 1>}, {transform_indices = @transform_3, window_bounds = array<i64: 256, 256>}, {transform_indices = @transform_4, window_bounds = array<i64: 256, 256>}]} {
    %get3A = arith.constant 0 : index
    %get3A_0 = arith.constant 0 : index
    %get3A_1 = vector.load %arg1[%get3A, %get3A_0] : memref<256x4096xf32, #tpu.memory_space<vmem>>, vector<256x4096xf32>
    %get3A_2 = arith.constant 0 : index
    %get3A_3 = arith.constant 0 : index
    %get3A_4 = vector.load %arg2[%get3A_2, %get3A_3] : memref<4096x256xf32, #tpu.memory_space<vmem>>, vector<4096x256xf32>
    %dot_general3A = arith.constant dense<0.000000e+00> : vector<256x256xf32>
    %dot_general3A_5 = tpu.matmul %get3A_1, %get3A_4, %dot_general3A {dimension_numbers = #tpu.dot_dimension_numbers<[1], [0], [0], [1], [0, 0, 1, 1], [], []>, transpose_lhs_hint = false} : vector<256x4096xf32>, vector<4096x256xf32>, vector<256x256xf32> -> vector<256x256xf32>
    %get3A_6 = arith.constant 0 : index
    %get3A_7 = arith.constant 0 : index
    %get3A_8 = vector.load %arg3[%get3A_6, %get3A_7] : memref<256x1xf32, #tpu.memory_space<vmem>>, vector<256x1xf32>
    %mul3A = vector.broadcast %get3A_8 : vector<256x1xf32> to vector<256x256xf32>
    %mul3A_9 = arith.mulf %dot_general3A_5, %mul3A : vector<256x256xf32>
    %max3A = arith.constant 0.000000e+00 : f32
    %max3A_10 = vector.broadcast %max3A : f32 to vector<256x256xf32>
    %max3A_11 = arith.maximumf %mul3A_9, %max3A_10 : vector<256x256xf32>
    %swap3A = arith.constant 0 : index
    %swap3A_12 = arith.constant 0 : index
    %swap3A_13 = vector.load %arg4[%swap3A, %swap3A_12] : memref<256x256xf32, #tpu.memory_space<vmem>>, vector<256x256xf32>
    tpu.vector_store %arg4[%swap3A, %swap3A_12], %mul3A_9 {strides = array<i32>} : memref<256x256xf32, #tpu.memory_space<vmem>>, vector<256x256xf32>,
    %swap3A_14 = arith.constant 0 : index
    %swap3A_15 = arith.constant 0 : index
    %swap3A_16 = vector.load %arg5[%swap3A_14, %swap3A_15] : memref<256x256xf32, #tpu.memory_space<vmem>>, vector<256x256xf32>
    tpu.vector_store %arg5[%swap3A_14, %swap3A_15], %max3A_11 {strides = array<i32>} : memref<256x256xf32, #tpu.memory_space<vmem>>, vector<256x256xf32>,
    return
  }
  func.func @transform_0(%arg0: i32) -> (i32, i32) {
    %c0_i32 = arith.constant 0 : i32
    %c0_i32_0 = arith.constant 0 : i32
    return %arg0, %c0_i32 : i32, i32
  }
  func.func @transform_1(%arg0: i32) -> (i32, i32) {
    %c0_i32 = arith.constant 0 : i32
    %c0_i32_0 = arith.constant 0 : i32
    %c0_i32_1 = arith.constant 0 : i32
    return %c0_i32, %c0_i32_0 : i32, i32
  }
  func.func @transform_2(%arg0: i32) -> (i32, i32) {
    %c0_i32 = arith.constant 0 : i32
    %c0_i32_0 = arith.constant 0 : i32
    return %arg0, %c0_i32 : i32, i32
  }
  func.func @transform_3(%arg0: i32) -> (i32, i32) {
    %c0_i32 = arith.constant 0 : i32
    %c0_i32_0 = arith.constant 0 : i32
    return %arg0, %c0_i32 : i32, i32
  }
  func.func @transform_4(%arg0: i32) -> (i32, i32) {
    %c0_i32 = arith.constant 0 : i32
    %c0_i32_0 = arith.constant 0 : i32
    return %arg0, %c0_i32 : i32, i32
  }
}

module attributes {stable_mosaic.version = 14 : i64} {
  func.func @body(%arg0: i32, %arg1: memref<256x256xf32, #tpu.memory_space<vmem>>, %arg2: memref<256x384xf32, #tpu.memory_space<vmem>>, %arg3: memref<1x384xf32, #tpu.memory_space<vmem>>, %arg4: memref<256x384xf32, #tpu.memory_space<vmem>>) attributes {dimension_semantics = [#tpu.dimension_semantics<arbitrary>], iteration_bounds = array<i64: 13>, scalar_prefetch = 0 : i64, scratch_operands = 0 : i64, tpu.core_type = #tpu.core_type<tc>, window_params = [{transform_indices = @transform_0, window_bounds = array<i64: 256, 256>}, {pipeline_mode = #tpu.pipeline_mode<synchronous>, transform_indices = @transform_1, window_bounds = array<i64: 256, 384>}, {pipeline_mode = #tpu.pipeline_mode<synchronous>, transform_indices = @transform_2, window_bounds = array<i64: 1, 384>}, {transform_indices = @transform_3, window_bounds = array<i64: 256, 384>}]} {
    %get3A = arith.constant 0 : index
    %get3A_0 = arith.constant 0 : index
    %get3A_1 = vector.load %arg1[%get3A, %get3A_0] : memref<256x256xf32, #tpu.memory_space<vmem>>, vector<256x256xf32>
    %get3A_2 = arith.constant 0 : index
    %get3A_3 = arith.constant 0 : index
    %get3A_4 = vector.load %arg2[%get3A_2, %get3A_3] : memref<256x384xf32, #tpu.memory_space<vmem>>, vector<256x384xf32>
    %dot_general3A = arith.constant dense<0.000000e+00> : vector<256x384xf32>
    %dot_general3A_5 = tpu.matmul %get3A_1, %get3A_4, %dot_general3A {dimension_numbers = #tpu.dot_dimension_numbers<[1], [0], [0], [1], [0, 0, 1, 1], [], []>, transpose_lhs_hint = false} : vector<256x256xf32>, vector<256x384xf32>, vector<256x384xf32> -> vector<256x384xf32>
    %get3A_6 = arith.constant 0 : index
    %get3A_7 = arith.constant 0 : index
    %get3A_8 = vector.load %arg3[%get3A_6, %get3A_7] : memref<1x384xf32, #tpu.memory_space<vmem>>, vector<1x384xf32>
    %add3A = vector.broadcast %get3A_8 : vector<1x384xf32> to vector<256x384xf32>
    %add3A_9 = arith.addf %dot_general3A_5, %add3A : vector<256x384xf32>
    %swap3A = arith.constant 0 : index
    %swap3A_10 = arith.constant 0 : index
    %swap3A_11 = vector.load %arg4[%swap3A, %swap3A_10] : memref<256x384xf32, #tpu.memory_space<vmem>>, vector<256x384xf32>
    tpu.vector_store %arg4[%swap3A, %swap3A_10], %add3A_9 {strides = array<i32>} : memref<256x384xf32, #tpu.memory_space<vmem>>, vector<256x384xf32>,
    return
  }
  func.func @transform_0(%arg0: i32) -> (i32, i32) {
    %c0_i32 = arith.constant 0 : i32
    %c0_i32_0 = arith.constant 0 : i32
    return %arg0, %c0_i32 : i32, i32
  }
  func.func @transform_1(%arg0: i32) -> (i32, i32) {
    %c0_i32 = arith.constant 0 : i32
    %c0_i32_0 = arith.constant 0 : i32
    %c0_i32_1 = arith.constant 0 : i32
    return %c0_i32, %c0_i32_0 : i32, i32
  }
  func.func @transform_2(%arg0: i32) -> (i32, i32) {
    %c0_i32 = arith.constant 0 : i32
    %c0_i32_0 = arith.constant 0 : i32
    %c0_i32_1 = arith.constant 0 : i32
    return %c0_i32, %c0_i32_0 : i32, i32
  }
  func.func @transform_3(%arg0: i32) -> (i32, i32) {
    %c0_i32 = arith.constant 0 : i32
    %c0_i32_0 = arith.constant 0 : i32
    return %arg0, %c0_i32 : i32, i32
  }
}

module attributes {stable_mosaic.version = 14 : i64} {
  func.func @body(%arg0: i32, %arg1: memref<256x256xf32, #tpu.memory_space<vmem>>, %arg2: memref<3336x256xf32, #tpu.memory_space<vmem>>, %arg3: memref<8x128xf32, #tpu.memory_space<vmem>>) attributes {dimension_semantics = [#tpu.dimension_semantics<arbitrary>], iteration_bounds = array<i64: 13>, scalar_prefetch = 0 : i64, scratch_operands = 0 : i64, tpu.core_type = #tpu.core_type<tc>, window_params = [{transform_indices = @transform_0, window_bounds = array<i64: 256, 256>}, {pipeline_mode = #tpu.pipeline_mode<synchronous>, transform_indices = @transform_1, window_bounds = array<i64: 3336, 256>}, {pipeline_mode = #tpu.pipeline_mode<synchronous>, transform_indices = @transform_2, window_bounds = array<i64: 8, 128>}]} {
    %eq3A = arith.constant 0 : i32
    %eq3A_0 = arith.cmpi eq, %arg0, %eq3A : i32
    %convert_element_type3A = arith.extui %eq3A_0 : i1 to i32
    %cond3A = arith.constant 0 : i32
    %cond3A_1 = arith.cmpi ne, %convert_element_type3A, %cond3A : i32
    scf.if %cond3A_1 {
      %broadcast_in_dim3A_234 = arith.constant 0.000000e+00 : f32
      %broadcast_in_dim3A_235 = vector.broadcast %broadcast_in_dim3A_234 : f32 to vector<8x128xf32>
      %swap3A_236 = arith.constant 0 : index
      %swap3A_237 = arith.constant 0 : index
      %swap3A_238 = vector.load %arg3[%swap3A_236, %swap3A_237] : memref<8x128xf32, #tpu.memory_space<vmem>>, vector<8x128xf32>
      tpu.vector_store %arg3[%swap3A_236, %swap3A_237], %broadcast_in_dim3A_235 {strides = array<i32>} : memref<8x128xf32, #tpu.memory_space<vmem>>, vector<8x128xf32>,
    } else {
    }
    %get3A = arith.constant 0 : index
    %get3A_2 = arith.constant 0 : index
    %get3A_3 = vector.load %arg1[%get3A, %get3A_2] : memref<256x256xf32, #tpu.memory_space<vmem>>, vector<256x256xf32>
    %mul3A = arith.constant 256 : i32
    %mul3A_4 = arith.muli %arg0, %mul3A : i32
    %iota3A = tpu.iota {dimensions = array<i32: 0>} : vector<256x1xi32>
    %add3A = vector.broadcast %mul3A_4 : i32 to vector<256x1xi32>
    %add3A_5 = arith.addi %add3A, %iota3A : vector<256x1xi32>
    %lt3A = arith.constant 3277 : i32
    %lt3A_6 = vector.broadcast %lt3A : i32 to vector<256x1xi32>
    %lt3A_7 = arith.cmpi slt, %add3A_5, %lt3A_6 : vector<256x1xi32>
    %convert_element_type3A_8 = arith.extui %lt3A_7 : vector<256x1xi1> to vector<256x1xi32>
    %convert_element_type3A_9 = arith.sitofp %convert_element_type3A_8 : vector<256x1xi32> to vector<256x1xf32>
    %mul3A_10 = arith.constant 256 : i32
    %mul3A_11 = arith.muli %arg0, %mul3A_10 : i32
    %get3A_12 = arith.index_cast %mul3A_11 : i32 to index
    %get3A_13 = arith.constant 0 : index
    %get3A_14 = vector.load %arg2[%get3A_12, %get3A_13] : memref<3336x256xf32, #tpu.memory_space<vmem>>, vector<264x256xf32>
    %slice3A = vector.extract_strided_slice %get3A_14 {offsets = [5, 0], sizes = [256, 256], strides = [1, 1]} : vector<264x256xf32> to vector<256x256xf32>
    %mul3A_15 = arith.mulf %get3A_3, %slice3A : vector<256x256xf32>
    %reduce_sum3A = arith.constant dense<0.000000e+00> : vector<256xf32>
    %reduce_sum3A_16 = vector.multi_reduction <add>, %mul3A_15, %reduce_sum3A [1] : vector<256x256xf32> to vector<256xf32>
    %broadcast_in_dim3A = vector.shape_cast %reduce_sum3A_16 : vector<256xf32> to vector<256x1xf32>
    %neg3A = arith.constant 0.000000e+00 : f32
    %neg3A_17 = vector.broadcast %neg3A : f32 to vector<256x1xf32>
    %neg3A_18 = arith.subf %neg3A_17, %broadcast_in_dim3A : vector<256x1xf32>
    %custom_jvp_call3A = arith.constant 0.000000e+00 : f32
    %max3A = vector.broadcast %custom_jvp_call3A : f32 to vector<256x1xf32>
    %max3A_19 = arith.maximumf %neg3A_18, %max3A : vector<256x1xf32>
    %sub3A = vector.broadcast %custom_jvp_call3A : f32 to vector<256x1xf32>
    %sub3A_20 = arith.subf %neg3A_18, %sub3A : vector<256x1xf32>
    %ne3A = arith.cmpf one, %sub3A_20, %sub3A_20 : vector<256x1xf32>
    %add3A_21 = vector.broadcast %custom_jvp_call3A : f32 to vector<256x1xf32>
    %add3A_22 = arith.addf %neg3A_18, %add3A_21 : vector<256x1xf32>
    %abs3A = math.absf %sub3A_20 : vector<256x1xf32>
    %neg3A_23 = arith.constant 0.000000e+00 : f32
    %neg3A_24 = vector.broadcast %neg3A_23 : f32 to vector<256x1xf32>
    %neg3A_25 = arith.subf %neg3A_24, %abs3A : vector<256x1xf32>
    %exp3A = math.exp %neg3A_25 : vector<256x1xf32>
    %log1p3A = math.log1p %exp3A : vector<256x1xf32>
    %add3A_26 = arith.addf %max3A_19, %log1p3A : vector<256x1xf32>
    %select_n3A = arith.select %ne3A, %add3A_22, %add3A_26 : vector<256x1xi1>, vector<256x1xf32>
    %neg3A_27 = arith.constant 0.000000e+00 : f32
    %neg3A_28 = vector.broadcast %neg3A_27 : f32 to vector<256x1xf32>
    %neg3A_29 = arith.subf %neg3A_28, %select_n3A : vector<256x1xf32>
    %mul3A_30 = arith.mulf %neg3A_29, %convert_element_type3A_9 : vector<256x1xf32>
    %reduce_sum3A_31 = vector.shape_cast %mul3A_30 : vector<256x1xf32> to vector<1x256x1xf32>
    %reduce_sum3A_32 = arith.constant dense<0.000000e+00> : vector<1xf32>
    %reduce_sum3A_33 = vector.multi_reduction <add>, %reduce_sum3A_31, %reduce_sum3A_32 [1, 2] : vector<1x256x1xf32> to vector<1xf32>
    %reduce_sum3A_34 = vector.shape_cast %reduce_sum3A_33 : vector<1xf32> to vector<1x1x1xf32>
    %reduce_sum3A_35 = vector.extract %reduce_sum3A_34[0, 0, 0] : f32 from vector<1x1x1xf32>
    %slice3A_36 = vector.extract_strided_slice %get3A_14 {offsets = [4, 0], sizes = [256, 256], strides = [1, 1]} : vector<264x256xf32> to vector<256x256xf32>
    %mul3A_37 = arith.mulf %get3A_3, %slice3A_36 : vector<256x256xf32>
    %reduce_sum3A_38 = arith.constant dense<0.000000e+00> : vector<256xf32>
    %reduce_sum3A_39 = vector.multi_reduction <add>, %mul3A_37, %reduce_sum3A_38 [1] : vector<256x256xf32> to vector<256xf32>
    %broadcast_in_dim3A_40 = vector.shape_cast %reduce_sum3A_39 : vector<256xf32> to vector<256x1xf32>
    %neg3A_41 = arith.constant 0.000000e+00 : f32
    %neg3A_42 = vector.broadcast %neg3A_41 : f32 to vector<256x1xf32>
    %neg3A_43 = arith.subf %neg3A_42, %broadcast_in_dim3A_40 : vector<256x1xf32>
    %neg3A_44 = arith.constant 0.000000e+00 : f32
    %neg3A_45 = vector.broadcast %neg3A_44 : f32 to vector<256x1xf32>
    %neg3A_46 = arith.subf %neg3A_45, %neg3A_43 : vector<256x1xf32>
    %custom_jvp_call3A_47 = arith.constant 0.000000e+00 : f32
    %max3A_48 = vector.broadcast %custom_jvp_call3A_47 : f32 to vector<256x1xf32>
    %max3A_49 = arith.maximumf %neg3A_46, %max3A_48 : vector<256x1xf32>
    %sub3A_50 = vector.broadcast %custom_jvp_call3A_47 : f32 to vector<256x1xf32>
    %sub3A_51 = arith.subf %neg3A_46, %sub3A_50 : vector<256x1xf32>
    %ne3A_52 = arith.cmpf one, %sub3A_51, %sub3A_51 : vector<256x1xf32>
    %add3A_53 = vector.broadcast %custom_jvp_call3A_47 : f32 to vector<256x1xf32>
    %add3A_54 = arith.addf %neg3A_46, %add3A_53 : vector<256x1xf32>
    %abs3A_55 = math.absf %sub3A_51 : vector<256x1xf32>
    %neg3A_56 = arith.constant 0.000000e+00 : f32
    %neg3A_57 = vector.broadcast %neg3A_56 : f32 to vector<256x1xf32>
    %neg3A_58 = arith.subf %neg3A_57, %abs3A_55 : vector<256x1xf32>
    %exp3A_59 = math.exp %neg3A_58 : vector<256x1xf32>
    %log1p3A_60 = math.log1p %exp3A_59 : vector<256x1xf32>
    %add3A_61 = arith.addf %max3A_49, %log1p3A_60 : vector<256x1xf32>
    %select_n3A_62 = arith.select %ne3A_52, %add3A_54, %add3A_61 : vector<256x1xi1>, vector<256x1xf32>
    %neg3A_63 = arith.constant 0.000000e+00 : f32
    %neg3A_64 = vector.broadcast %neg3A_63 : f32 to vector<256x1xf32>
    %neg3A_65 = arith.subf %neg3A_64, %select_n3A_62 : vector<256x1xf32>
    %mul3A_66 = arith.mulf %neg3A_65, %convert_element_type3A_9 : vector<256x1xf32>
    %reduce_sum3A_67 = vector.shape_cast %mul3A_66 : vector<256x1xf32> to vector<1x256x1xf32>
    %reduce_sum3A_68 = arith.constant dense<0.000000e+00> : vector<1xf32>
    %reduce_sum3A_69 = vector.multi_reduction <add>, %reduce_sum3A_67, %reduce_sum3A_68 [1, 2] : vector<1x256x1xf32> to vector<1xf32>
    %reduce_sum3A_70 = vector.shape_cast %reduce_sum3A_69 : vector<1xf32> to vector<1x1x1xf32>
    %reduce_sum3A_71 = vector.extract %reduce_sum3A_70[0, 0, 0] : f32 from vector<1x1x1xf32>
    %slice3A_72 = vector.extract_strided_slice %get3A_14 {offsets = [3, 0], sizes = [256, 256], strides = [1, 1]} : vector<264x256xf32> to vector<256x256xf32>
    %mul3A_73 = arith.mulf %get3A_3, %slice3A_72 : vector<256x256xf32>
    %reduce_sum3A_74 = arith.constant dense<0.000000e+00> : vector<256xf32>
    %reduce_sum3A_75 = vector.multi_reduction <add>, %mul3A_73, %reduce_sum3A_74 [1] : vector<256x256xf32> to vector<256xf32>
    %broadcast_in_dim3A_76 = vector.shape_cast %reduce_sum3A_75 : vector<256xf32> to vector<256x1xf32>
    %neg3A_77 = arith.constant 0.000000e+00 : f32
    %neg3A_78 = vector.broadcast %neg3A_77 : f32 to vector<256x1xf32>
    %neg3A_79 = arith.subf %neg3A_78, %broadcast_in_dim3A_76 : vector<256x1xf32>
    %neg3A_80 = arith.constant 0.000000e+00 : f32
    %neg3A_81 = vector.broadcast %neg3A_80 : f32 to vector<256x1xf32>
    %neg3A_82 = arith.subf %neg3A_81, %neg3A_79 : vector<256x1xf32>
    %custom_jvp_call3A_83 = arith.constant 0.000000e+00 : f32
    %max3A_84 = vector.broadcast %custom_jvp_call3A_83 : f32 to vector<256x1xf32>
    %max3A_85 = arith.maximumf %neg3A_82, %max3A_84 : vector<256x1xf32>
    %sub3A_86 = vector.broadcast %custom_jvp_call3A_83 : f32 to vector<256x1xf32>
    %sub3A_87 = arith.subf %neg3A_82, %sub3A_86 : vector<256x1xf32>
    %ne3A_88 = arith.cmpf one, %sub3A_87, %sub3A_87 : vector<256x1xf32>
    %add3A_89 = vector.broadcast %custom_jvp_call3A_83 : f32 to vector<256x1xf32>
    %add3A_90 = arith.addf %neg3A_82, %add3A_89 : vector<256x1xf32>
    %abs3A_91 = math.absf %sub3A_87 : vector<256x1xf32>
    %neg3A_92 = arith.constant 0.000000e+00 : f32
    %neg3A_93 = vector.broadcast %neg3A_92 : f32 to vector<256x1xf32>
    %neg3A_94 = arith.subf %neg3A_93, %abs3A_91 : vector<256x1xf32>
    %exp3A_95 = math.exp %neg3A_94 : vector<256x1xf32>
    %log1p3A_96 = math.log1p %exp3A_95 : vector<256x1xf32>
    %add3A_97 = arith.addf %max3A_85, %log1p3A_96 : vector<256x1xf32>
    %select_n3A_98 = arith.select %ne3A_88, %add3A_90, %add3A_97 : vector<256x1xi1>, vector<256x1xf32>
    %neg3A_99 = arith.constant 0.000000e+00 : f32
    %neg3A_100 = vector.broadcast %neg3A_99 : f32 to vector<256x1xf32>
    %neg3A_101 = arith.subf %neg3A_100, %select_n3A_98 : vector<256x1xf32>
    %mul3A_102 = arith.mulf %neg3A_101, %convert_element_type3A_9 : vector<256x1xf32>
    %reduce_sum3A_103 = vector.shape_cast %mul3A_102 : vector<256x1xf32> to vector<1x256x1xf32>
    %reduce_sum3A_104 = arith.constant dense<0.000000e+00> : vector<1xf32>
    %reduce_sum3A_105 = vector.multi_reduction <add>, %reduce_sum3A_103, %reduce_sum3A_104 [1, 2] : vector<1x256x1xf32> to vector<1xf32>
    %reduce_sum3A_106 = vector.shape_cast %reduce_sum3A_105 : vector<1xf32> to vector<1x1x1xf32>
    %reduce_sum3A_107 = vector.extract %reduce_sum3A_106[0, 0, 0] : f32 from vector<1x1x1xf32>
    %slice3A_108 = vector.extract_strided_slice %get3A_14 {offsets = [2, 0], sizes = [256, 256], strides = [1, 1]} : vector<264x256xf32> to vector<256x256xf32>
    %mul3A_109 = arith.mulf %get3A_3, %slice3A_108 : vector<256x256xf32>
    %reduce_sum3A_110 = arith.constant dense<0.000000e+00> : vector<256xf32>
    %reduce_sum3A_111 = vector.multi_reduction <add>, %mul3A_109, %reduce_sum3A_110 [1] : vector<256x256xf32> to vector<256xf32>
    %broadcast_in_dim3A_112 = vector.shape_cast %reduce_sum3A_111 : vector<256xf32> to vector<256x1xf32>
    %neg3A_113 = arith.constant 0.000000e+00 : f32
    %neg3A_114 = vector.broadcast %neg3A_113 : f32 to vector<256x1xf32>
    %neg3A_115 = arith.subf %neg3A_114, %broadcast_in_dim3A_112 : vector<256x1xf32>
    %neg3A_116 = arith.constant 0.000000e+00 : f32
    %neg3A_117 = vector.broadcast %neg3A_116 : f32 to vector<256x1xf32>
    %neg3A_118 = arith.subf %neg3A_117, %neg3A_115 : vector<256x1xf32>
    %custom_jvp_call3A_119 = arith.constant 0.000000e+00 : f32
    %max3A_120 = vector.broadcast %custom_jvp_call3A_119 : f32 to vector<256x1xf32>
    %max3A_121 = arith.maximumf %neg3A_118, %max3A_120 : vector<256x1xf32>
    %sub3A_122 = vector.broadcast %custom_jvp_call3A_119 : f32 to vector<256x1xf32>
    %sub3A_123 = arith.subf %neg3A_118, %sub3A_122 : vector<256x1xf32>
    %ne3A_124 = arith.cmpf one, %sub3A_123, %sub3A_123 : vector<256x1xf32>
    %add3A_125 = vector.broadcast %custom_jvp_call3A_119 : f32 to vector<256x1xf32>
    %add3A_126 = arith.addf %neg3A_118, %add3A_125 : vector<256x1xf32>
    %abs3A_127 = math.absf %sub3A_123 : vector<256x1xf32>
    %neg3A_128 = arith.constant 0.000000e+00 : f32
    %neg3A_129 = vector.broadcast %neg3A_128 : f32 to vector<256x1xf32>
    %neg3A_130 = arith.subf %neg3A_129, %abs3A_127 : vector<256x1xf32>
    %exp3A_131 = math.exp %neg3A_130 : vector<256x1xf32>
    %log1p3A_132 = math.log1p %exp3A_131 : vector<256x1xf32>
    %add3A_133 = arith.addf %max3A_121, %log1p3A_132 : vector<256x1xf32>
    %select_n3A_134 = arith.select %ne3A_124, %add3A_126, %add3A_133 : vector<256x1xi1>, vector<256x1xf32>
    %neg3A_135 = arith.constant 0.000000e+00 : f32
    %neg3A_136 = vector.broadcast %neg3A_135 : f32 to vector<256x1xf32>
    %neg3A_137 = arith.subf %neg3A_136, %select_n3A_134 : vector<256x1xf32>
    %mul3A_138 = arith.mulf %neg3A_137, %convert_element_type3A_9 : vector<256x1xf32>
    %reduce_sum3A_139 = vector.shape_cast %mul3A_138 : vector<256x1xf32> to vector<1x256x1xf32>
    %reduce_sum3A_140 = arith.constant dense<0.000000e+00> : vector<1xf32>
    %reduce_sum3A_141 = vector.multi_reduction <add>, %reduce_sum3A_139, %reduce_sum3A_140 [1, 2] : vector<1x256x1xf32> to vector<1xf32>
    %reduce_sum3A_142 = vector.shape_cast %reduce_sum3A_141 : vector<1xf32> to vector<1x1x1xf32>
    %reduce_sum3A_143 = vector.extract %reduce_sum3A_142[0, 0, 0] : f32 from vector<1x1x1xf32>
    %slice3A_144 = vector.extract_strided_slice %get3A_14 {offsets = [1, 0], sizes = [256, 256], strides = [1, 1]} : vector<264x256xf32> to vector<256x256xf32>
    %mul3A_145 = arith.mulf %get3A_3, %slice3A_144 : vector<256x256xf32>
    %reduce_sum3A_146 = arith.constant dense<0.000000e+00> : vector<256xf32>
    %reduce_sum3A_147 = vector.multi_reduction <add>, %mul3A_145, %reduce_sum3A_146 [1] : vector<256x256xf32> to vector<256xf32>
    %broadcast_in_dim3A_148 = vector.shape_cast %reduce_sum3A_147 : vector<256xf32> to vector<256x1xf32>
    %neg3A_149 = arith.constant 0.000000e+00 : f32
    %neg3A_150 = vector.broadcast %neg3A_149 : f32 to vector<256x1xf32>
    %neg3A_151 = arith.subf %neg3A_150, %broadcast_in_dim3A_148 : vector<256x1xf32>
    %neg3A_152 = arith.constant 0.000000e+00 : f32
    %neg3A_153 = vector.broadcast %neg3A_152 : f32 to vector<256x1xf32>
    %neg3A_154 = arith.subf %neg3A_153, %neg3A_151 : vector<256x1xf32>
    %custom_jvp_call3A_155 = arith.constant 0.000000e+00 : f32
    %max3A_156 = vector.broadcast %custom_jvp_call3A_155 : f32 to vector<256x1xf32>
    %max3A_157 = arith.maximumf %neg3A_154, %max3A_156 : vector<256x1xf32>
    %sub3A_158 = vector.broadcast %custom_jvp_call3A_155 : f32 to vector<256x1xf32>
    %sub3A_159 = arith.subf %neg3A_154, %sub3A_158 : vector<256x1xf32>
    %ne3A_160 = arith.cmpf one, %sub3A_159, %sub3A_159 : vector<256x1xf32>
    %add3A_161 = vector.broadcast %custom_jvp_call3A_155 : f32 to vector<256x1xf32>
    %add3A_162 = arith.addf %neg3A_154, %add3A_161 : vector<256x1xf32>
    %abs3A_163 = math.absf %sub3A_159 : vector<256x1xf32>
    %neg3A_164 = arith.constant 0.000000e+00 : f32
    %neg3A_165 = vector.broadcast %neg3A_164 : f32 to vector<256x1xf32>
    %neg3A_166 = arith.subf %neg3A_165, %abs3A_163 : vector<256x1xf32>
    %exp3A_167 = math.exp %neg3A_166 : vector<256x1xf32>
    %log1p3A_168 = math.log1p %exp3A_167 : vector<256x1xf32>
    %add3A_169 = arith.addf %max3A_157, %log1p3A_168 : vector<256x1xf32>
    %select_n3A_170 = arith.select %ne3A_160, %add3A_162, %add3A_169 : vector<256x1xi1>, vector<256x1xf32>
    %neg3A_171 = arith.constant 0.000000e+00 : f32
    %neg3A_172 = vector.broadcast %neg3A_171 : f32 to vector<256x1xf32>
    %neg3A_173 = arith.subf %neg3A_172, %select_n3A_170 : vector<256x1xf32>
    %mul3A_174 = arith.mulf %neg3A_173, %convert_element_type3A_9 : vector<256x1xf32>
    %reduce_sum3A_175 = vector.shape_cast %mul3A_174 : vector<256x1xf32> to vector<1x256x1xf32>
    %reduce_sum3A_176 = arith.constant dense<0.000000e+00> : vector<1xf32>
    %reduce_sum3A_177 = vector.multi_reduction <add>, %reduce_sum3A_175, %reduce_sum3A_176 [1, 2] : vector<1x256x1xf32> to vector<1xf32>
    %reduce_sum3A_178 = vector.shape_cast %reduce_sum3A_177 : vector<1xf32> to vector<1x1x1xf32>
    %reduce_sum3A_179 = vector.extract %reduce_sum3A_178[0, 0, 0] : f32 from vector<1x1x1xf32>
    %slice3A_180 = vector.extract_strided_slice %get3A_14 {offsets = [0, 0], sizes = [256, 256], strides = [1, 1]} : vector<264x256xf32> to vector<256x256xf32>
    %mul3A_181 = arith.mulf %get3A_3, %slice3A_180 : vector<256x256xf32>
    %reduce_sum3A_182 = arith.constant dense<0.000000e+00> : vector<256xf32>
    %reduce_sum3A_183 = vector.multi_reduction <add>, %mul3A_181, %reduce_sum3A_182 [1] : vector<256x256xf32> to vector<256xf32>
    %broadcast_in_dim3A_184 = vector.shape_cast %reduce_sum3A_183 : vector<256xf32> to vector<256x1xf32>
    %neg3A_185 = arith.constant 0.000000e+00 : f32
    %neg3A_186 = vector.broadcast %neg3A_185 : f32 to vector<256x1xf32>
    %neg3A_187 = arith.subf %neg3A_186, %broadcast_in_dim3A_184 : vector<256x1xf32>
    %neg3A_188 = arith.constant 0.000000e+00 : f32
    %neg3A_189 = vector.broadcast %neg3A_188 : f32 to vector<256x1xf32>
    %neg3A_190 = arith.subf %neg3A_189, %neg3A_187 : vector<256x1xf32>
    %custom_jvp_call3A_191 = arith.constant 0.000000e+00 : f32
    %max3A_192 = vector.broadcast %custom_jvp_call3A_191 : f32 to vector<256x1xf32>
    %max3A_193 = arith.maximumf %neg3A_190, %max3A_192 : vector<256x1xf32>
    %sub3A_194 = vector.broadcast %custom_jvp_call3A_191 : f32 to vector<256x1xf32>
    %sub3A_195 = arith.subf %neg3A_190, %sub3A_194 : vector<256x1xf32>
    %ne3A_196 = arith.cmpf one, %sub3A_195, %sub3A_195 : vector<256x1xf32>
    %add3A_197 = vector.broadcast %custom_jvp_call3A_191 : f32 to vector<256x1xf32>
    %add3A_198 = arith.addf %neg3A_190, %add3A_197 : vector<256x1xf32>
    %abs3A_199 = math.absf %sub3A_195 : vector<256x1xf32>
    %neg3A_200 = arith.constant 0.000000e+00 : f32
    %neg3A_201 = vector.broadcast %neg3A_200 : f32 to vector<256x1xf32>
    %neg3A_202 = arith.subf %neg3A_201, %abs3A_199 : vector<256x1xf32>
    %exp3A_203 = math.exp %neg3A_202 : vector<256x1xf32>
    %log1p3A_204 = math.log1p %exp3A_203 : vector<256x1xf32>
    %add3A_205 = arith.addf %max3A_193, %log1p3A_204 : vector<256x1xf32>
    %select_n3A_206 = arith.select %ne3A_196, %add3A_198, %add3A_205 : vector<256x1xi1>, vector<256x1xf32>
    %neg3A_207 = arith.constant 0.000000e+00 : f32
    %neg3A_208 = vector.broadcast %neg3A_207 : f32 to vector<256x1xf32>
    %neg3A_209 = arith.subf %neg3A_208, %select_n3A_206 : vector<256x1xf32>
    %mul3A_210 = arith.mulf %neg3A_209, %convert_element_type3A_9 : vector<256x1xf32>
    %reduce_sum3A_211 = vector.shape_cast %mul3A_210 : vector<256x1xf32> to vector<1x256x1xf32>
    %reduce_sum3A_212 = arith.constant dense<0.000000e+00> : vector<1xf32>
    %reduce_sum3A_213 = vector.multi_reduction <add>, %reduce_sum3A_211, %reduce_sum3A_212 [1, 2] : vector<1x256x1xf32> to vector<1xf32>
    %reduce_sum3A_214 = vector.shape_cast %reduce_sum3A_213 : vector<1xf32> to vector<1x1x1xf32>
    %reduce_sum3A_215 = vector.extract %reduce_sum3A_214[0, 0, 0] : f32 from vector<1x1x1xf32>
    %stack3A = arith.constant 0.000000e+00 : f32
    %stack3A_216 = arith.constant 0.000000e+00 : f32
    %stack3A_217 = vector.broadcast %reduce_sum3A_35 : f32 to vector<1xf32>
    %stack3A_218 = vector.broadcast %reduce_sum3A_71 : f32 to vector<1xf32>
    %stack3A_219 = vector.broadcast %reduce_sum3A_107 : f32 to vector<1xf32>
    %stack3A_220 = vector.broadcast %reduce_sum3A_143 : f32 to vector<1xf32>
    %stack3A_221 = vector.broadcast %reduce_sum3A_179 : f32 to vector<1xf32>
    %stack3A_222 = vector.broadcast %reduce_sum3A_215 : f32 to vector<1xf32>
    %stack3A_223 = vector.broadcast %stack3A : f32 to vector<1xf32>
    %stack3A_224 = vector.broadcast %stack3A_216 : f32 to vector<1xf32>
    %stack3A_225 = tpu.concatenate %stack3A_217, %stack3A_218, %stack3A_219, %stack3A_220, %stack3A_221, %stack3A_222, %stack3A_223, %stack3A_224 in 0 : vector<1xf32>, vector<1xf32>, vector<1xf32>, vector<1xf32>, vector<1xf32>, vector<1xf32>, vector<1xf32>, vector<1xf32> -> vector<8xf32>
    %get3A_226 = arith.constant 0 : index
    %get3A_227 = arith.constant 0 : index
    %get3A_228 = vector.load %arg3[%get3A_226, %get3A_227] : memref<8x128xf32, #tpu.memory_space<vmem>>, vector<8x128xf32>
    %broadcast_in_dim3A_229 = vector.shape_cast %stack3A_225 : vector<8xf32> to vector<8x1xf32>
    %add3A_230 = vector.broadcast %broadcast_in_dim3A_229 : vector<8x1xf32> to vector<8x128xf32>
    %add3A_231 = arith.addf %get3A_228, %add3A_230 : vector<8x128xf32>
    %swap3A = arith.constant 0 : index
    %swap3A_232 = arith.constant 0 : index
    %swap3A_233 = vector.load %arg3[%swap3A, %swap3A_232] : memref<8x128xf32, #tpu.memory_space<vmem>>, vector<8x128xf32>
    tpu.vector_store %arg3[%swap3A, %swap3A_232], %add3A_231 {strides = array<i32>} : memref<8x128xf32, #tpu.memory_space<vmem>>, vector<8x128xf32>,
    return
  }
  func.func @transform_0(%arg0: i32) -> (i32, i32) {
    %c0_i32 = arith.constant 0 : i32
    %c0_i32_0 = arith.constant 0 : i32
    return %arg0, %c0_i32 : i32, i32
  }
  func.func @transform_1(%arg0: i32) -> (i32, i32) {
    %c0_i32 = arith.constant 0 : i32
    %c0_i32_0 = arith.constant 0 : i32
    %c0_i32_1 = arith.constant 0 : i32
    return %c0_i32, %c0_i32_0 : i32, i32
  }
  func.func @transform_2(%arg0: i32) -> (i32, i32) {
    %c0_i32 = arith.constant 0 : i32
    %c0_i32_0 = arith.constant 0 : i32
    %c0_i32_1 = arith.constant 0 : i32
    return %c0_i32, %c0_i32_0 : i32, i32
  }
}

module attributes {stable_mosaic.version = 14 : i64} {
  func.func @body(%arg0: i32, %arg1: memref<256x3328xf32, #tpu.memory_space<vmem>>, %arg2: memref<3328x256xf32, #tpu.memory_space<vmem>>, %arg3: memref<1x256xf32, #tpu.memory_space<vmem>>, %arg4: memref<256x256xf32, #tpu.memory_space<vmem>>) attributes {dimension_semantics = [#tpu.dimension_semantics<arbitrary>], iteration_bounds = array<i64: 8>, scalar_prefetch = 0 : i64, scratch_operands = 0 : i64, tpu.core_type = #tpu.core_type<tc>, window_params = [{transform_indices = @transform_0, window_bounds = array<i64: 256, 3328>}, {pipeline_mode = #tpu.pipeline_mode<synchronous>, transform_indices = @transform_1, window_bounds = array<i64: 3328, 256>}, {pipeline_mode = #tpu.pipeline_mode<synchronous>, transform_indices = @transform_2, window_bounds = array<i64: 1, 256>}, {transform_indices = @transform_3, window_bounds = array<i64: 256, 256>}]} {
    %get3A = arith.constant 0 : index
    %get3A_0 = arith.constant 0 : index
    %get3A_1 = vector.load %arg1[%get3A, %get3A_0] : memref<256x3328xf32, #tpu.memory_space<vmem>>, vector<256x3328xf32>
    %get3A_2 = arith.constant 0 : index
    %get3A_3 = arith.constant 0 : index
    %get3A_4 = vector.load %arg2[%get3A_2, %get3A_3] : memref<3328x256xf32, #tpu.memory_space<vmem>>, vector<3328x256xf32>
    %dot_general3A = arith.constant dense<0.000000e+00> : vector<256x256xf32>
    %dot_general3A_5 = tpu.matmul %get3A_1, %get3A_4, %dot_general3A {dimension_numbers = #tpu.dot_dimension_numbers<[1], [0], [0], [1], [0, 0, 1, 1], [], []>, transpose_lhs_hint = false} : vector<256x3328xf32>, vector<3328x256xf32>, vector<256x256xf32> -> vector<256x256xf32>
    %get3A_6 = arith.constant 0 : index
    %get3A_7 = arith.constant 0 : index
    %get3A_8 = vector.load %arg3[%get3A_6, %get3A_7] : memref<1x256xf32, #tpu.memory_space<vmem>>, vector<1x256xf32>
    %add3A = vector.broadcast %get3A_8 : vector<1x256xf32> to vector<256x256xf32>
    %add3A_9 = arith.addf %dot_general3A_5, %add3A : vector<256x256xf32>
    %swap3A = arith.constant 0 : index
    %swap3A_10 = arith.constant 0 : index
    %swap3A_11 = vector.load %arg4[%swap3A, %swap3A_10] : memref<256x256xf32, #tpu.memory_space<vmem>>, vector<256x256xf32>
    tpu.vector_store %arg4[%swap3A, %swap3A_10], %add3A_9 {strides = array<i32>} : memref<256x256xf32, #tpu.memory_space<vmem>>, vector<256x256xf32>,
    return
  }
  func.func @transform_0(%arg0: i32) -> (i32, i32) {
    %c0_i32 = arith.constant 0 : i32
    %c0_i32_0 = arith.constant 0 : i32
    return %arg0, %c0_i32 : i32, i32
  }
  func.func @transform_1(%arg0: i32) -> (i32, i32) {
    %c0_i32 = arith.constant 0 : i32
    %c0_i32_0 = arith.constant 0 : i32
    %c0_i32_1 = arith.constant 0 : i32
    return %c0_i32, %c0_i32_0 : i32, i32
  }
  func.func @transform_2(%arg0: i32) -> (i32, i32) {
    %c0_i32 = arith.constant 0 : i32
    %c0_i32_0 = arith.constant 0 : i32
    %c0_i32_1 = arith.constant 0 : i32
    return %c0_i32, %c0_i32_0 : i32, i32
  }
  func.func @transform_3(%arg0: i32) -> (i32, i32) {
    %c0_i32 = arith.constant 0 : i32
    %c0_i32_0 = arith.constant 0 : i32
    return %arg0, %c0_i32 : i32, i32
  }
}

module attributes {stable_mosaic.version = 14 : i64} {
  func.func @body(%arg0: i32, %arg1: memref<256x256xf32, #tpu.memory_space<vmem>>, %arg2: memref<256x256xf32, #tpu.memory_space<vmem>>, %arg3: memref<1x256xf32, #tpu.memory_space<vmem>>, %arg4: memref<256x1xf32, #tpu.memory_space<vmem>>, %arg5: memref<256x1xf32, #tpu.memory_space<vmem>>, %arg6: memref<256x256xf32, #tpu.memory_space<vmem>>) attributes {dimension_semantics = [#tpu.dimension_semantics<arbitrary>], iteration_bounds = array<i64: 8>, scalar_prefetch = 0 : i64, scratch_operands = 0 : i64, tpu.core_type = #tpu.core_type<tc>, window_params = [{transform_indices = @transform_0, window_bounds = array<i64: 256, 256>}, {pipeline_mode = #tpu.pipeline_mode<synchronous>, transform_indices = @transform_1, window_bounds = array<i64: 256, 256>}, {pipeline_mode = #tpu.pipeline_mode<synchronous>, transform_indices = @transform_2, window_bounds = array<i64: 1, 256>}, {transform_indices = @transform_3, window_bounds = array<i64: 256, 1>}, {transform_indices = @transform_4, window_bounds = array<i64: 256, 1>}, {transform_indices = @transform_5, window_bounds = array<i64: 256, 256>}]} {
    %get3A = arith.constant 0 : index
    %get3A_0 = arith.constant 0 : index
    %get3A_1 = vector.load %arg1[%get3A, %get3A_0] : memref<256x256xf32, #tpu.memory_space<vmem>>, vector<256x256xf32>
    %get3A_2 = arith.constant 0 : index
    %get3A_3 = arith.constant 0 : index
    %get3A_4 = vector.load %arg4[%get3A_2, %get3A_3] : memref<256x1xf32, #tpu.memory_space<vmem>>, vector<256x1xf32>
    %mul3A = vector.broadcast %get3A_4 : vector<256x1xf32> to vector<256x256xf32>
    %mul3A_5 = arith.mulf %get3A_1, %mul3A : vector<256x256xf32>
    %get3A_6 = arith.constant 0 : index
    %get3A_7 = arith.constant 0 : index
    %get3A_8 = vector.load %arg2[%get3A_6, %get3A_7] : memref<256x256xf32, #tpu.memory_space<vmem>>, vector<256x256xf32>
    %dot_general3A = arith.constant dense<0.000000e+00> : vector<256x256xf32>
    %dot_general3A_9 = tpu.matmul %mul3A_5, %get3A_8, %dot_general3A {dimension_numbers = #tpu.dot_dimension_numbers<[1], [0], [0], [1], [0, 0, 1, 1], [], []>, transpose_lhs_hint = false} : vector<256x256xf32>, vector<256x256xf32>, vector<256x256xf32> -> vector<256x256xf32>
    %get3A_10 = arith.constant 0 : index
    %get3A_11 = arith.constant 0 : index
    %get3A_12 = vector.load %arg3[%get3A_10, %get3A_11] : memref<1x256xf32, #tpu.memory_space<vmem>>, vector<1x256xf32>
    %add3A = vector.broadcast %get3A_12 : vector<1x256xf32> to vector<256x256xf32>
    %add3A_13 = arith.addf %dot_general3A_9, %add3A : vector<256x256xf32>
    %get3A_14 = arith.constant 0 : index
    %get3A_15 = arith.constant 0 : index
    %get3A_16 = vector.load %arg5[%get3A_14, %get3A_15] : memref<256x1xf32, #tpu.memory_space<vmem>>, vector<256x1xf32>
    %mul3A_17 = vector.broadcast %get3A_16 : vector<256x1xf32> to vector<256x256xf32>
    %mul3A_18 = arith.mulf %add3A_13, %mul3A_17 : vector<256x256xf32>
    %swap3A = arith.constant 0 : index
    %swap3A_19 = arith.constant 0 : index
    %swap3A_20 = vector.load %arg6[%swap3A, %swap3A_19] : memref<256x256xf32, #tpu.memory_space<vmem>>, vector<256x256xf32>
    tpu.vector_store %arg6[%swap3A, %swap3A_19], %mul3A_18 {strides = array<i32>} : memref<256x256xf32, #tpu.memory_space<vmem>>, vector<256x256xf32>,
    return
  }
  func.func @transform_0(%arg0: i32) -> (i32, i32) {
    %c0_i32 = arith.constant 0 : i32
    %c0_i32_0 = arith.constant 0 : i32
    return %arg0, %c0_i32 : i32, i32
  }
  func.func @transform_1(%arg0: i32) -> (i32, i32) {
    %c0_i32 = arith.constant 0 : i32
    %c0_i32_0 = arith.constant 0 : i32
    %c0_i32_1 = arith.constant 0 : i32
    return %c0_i32, %c0_i32_0 : i32, i32
  }
  func.func @transform_2(%arg0: i32) -> (i32, i32) {
    %c0_i32 = arith.constant 0 : i32
    %c0_i32_0 = arith.constant 0 : i32
    %c0_i32_1 = arith.constant 0 : i32
    return %c0_i32, %c0_i32_0 : i32, i32
  }
  func.func @transform_3(%arg0: i32) -> (i32, i32) {
    %c0_i32 = arith.constant 0 : i32
    %c0_i32_0 = arith.constant 0 : i32
    return %arg0, %c0_i32 : i32, i32
  }
  func.func @transform_4(%arg0: i32) -> (i32, i32) {
    %c0_i32 = arith.constant 0 : i32
    %c0_i32_0 = arith.constant 0 : i32
    return %arg0, %c0_i32 : i32, i32
  }
  func.func @transform_5(%arg0: i32) -> (i32, i32) {
    %c0_i32 = arith.constant 0 : i32
    %c0_i32_0 = arith.constant 0 : i32
    return %arg0, %c0_i32 : i32, i32
  }
}

module attributes {stable_mosaic.version = 14 : i64} {
  func.func @body(%arg0: i32, %arg1: memref<256x2048xf32, #tpu.memory_space<vmem>>, %arg2: memref<2048x256xf32, #tpu.memory_space<vmem>>, %arg3: memref<1x256xf32, #tpu.memory_space<vmem>>, %arg4: memref<256x256xf32, #tpu.memory_space<vmem>>) attributes {dimension_semantics = [#tpu.dimension_semantics<arbitrary>], iteration_bounds = array<i64: 16>, scalar_prefetch = 0 : i64, scratch_operands = 0 : i64, tpu.core_type = #tpu.core_type<tc>, window_params = [{transform_indices = @transform_0, window_bounds = array<i64: 256, 2048>}, {pipeline_mode = #tpu.pipeline_mode<synchronous>, transform_indices = @transform_1, window_bounds = array<i64: 2048, 256>}, {pipeline_mode = #tpu.pipeline_mode<synchronous>, transform_indices = @transform_2, window_bounds = array<i64: 1, 256>}, {transform_indices = @transform_3, window_bounds = array<i64: 256, 256>}]} {
    %get3A = arith.constant 0 : index
    %get3A_0 = arith.constant 0 : index
    %get3A_1 = vector.load %arg1[%get3A, %get3A_0] : memref<256x2048xf32, #tpu.memory_space<vmem>>, vector<256x2048xf32>
    %get3A_2 = arith.constant 0 : index
    %get3A_3 = arith.constant 0 : index
    %get3A_4 = vector.load %arg2[%get3A_2, %get3A_3] : memref<2048x256xf32, #tpu.memory_space<vmem>>, vector<2048x256xf32>
    %dot_general3A = arith.constant dense<0.000000e+00> : vector<256x256xf32>
    %dot_general3A_5 = tpu.matmul %get3A_1, %get3A_4, %dot_general3A {dimension_numbers = #tpu.dot_dimension_numbers<[1], [0], [0], [1], [0, 0, 1, 1], [], []>, transpose_lhs_hint = false} : vector<256x2048xf32>, vector<2048x256xf32>, vector<256x256xf32> -> vector<256x256xf32>
    %get3A_6 = arith.constant 0 : index
    %get3A_7 = arith.constant 0 : index
    %get3A_8 = vector.load %arg3[%get3A_6, %get3A_7] : memref<1x256xf32, #tpu.memory_space<vmem>>, vector<1x256xf32>
    %add3A = vector.broadcast %get3A_8 : vector<1x256xf32> to vector<256x256xf32>
    %add3A_9 = arith.addf %dot_general3A_5, %add3A : vector<256x256xf32>
    %swap3A = arith.constant 0 : index
    %swap3A_10 = arith.constant 0 : index
    %swap3A_11 = vector.load %arg4[%swap3A, %swap3A_10] : memref<256x256xf32, #tpu.memory_space<vmem>>, vector<256x256xf32>
    tpu.vector_store %arg4[%swap3A, %swap3A_10], %add3A_9 {strides = array<i32>} : memref<256x256xf32, #tpu.memory_space<vmem>>, vector<256x256xf32>,
    return
  }
  func.func @transform_0(%arg0: i32) -> (i32, i32) {
    %c0_i32 = arith.constant 0 : i32
    %c0_i32_0 = arith.constant 0 : i32
    return %arg0, %c0_i32 : i32, i32
  }
  func.func @transform_1(%arg0: i32) -> (i32, i32) {
    %c0_i32 = arith.constant 0 : i32
    %c0_i32_0 = arith.constant 0 : i32
    %c0_i32_1 = arith.constant 0 : i32
    return %c0_i32, %c0_i32_0 : i32, i32
  }
  func.func @transform_2(%arg0: i32) -> (i32, i32) {
    %c0_i32 = arith.constant 0 : i32
    %c0_i32_0 = arith.constant 0 : i32
    %c0_i32_1 = arith.constant 0 : i32
    return %c0_i32, %c0_i32_0 : i32, i32
  }
  func.func @transform_3(%arg0: i32) -> (i32, i32) {
    %c0_i32 = arith.constant 0 : i32
    %c0_i32_0 = arith.constant 0 : i32
    return %arg0, %c0_i32 : i32, i32
  }
}

module attributes {stable_mosaic.version = 14 : i64} {
  func.func @body(%arg0: i32, %arg1: memref<256x4096xf32, #tpu.memory_space<vmem>>, %arg2: memref<4096x256xf32, #tpu.memory_space<vmem>>, %arg3: memref<256x1xf32, #tpu.memory_space<vmem>>, %arg4: memref<256x256xf32, #tpu.memory_space<vmem>>, %arg5: memref<256x256xf32, #tpu.memory_space<vmem>>) attributes {dimension_semantics = [#tpu.dimension_semantics<arbitrary>], iteration_bounds = array<i64: 8>, scalar_prefetch = 0 : i64, scratch_operands = 0 : i64, tpu.core_type = #tpu.core_type<tc>, window_params = [{transform_indices = @transform_0, window_bounds = array<i64: 256, 4096>}, {pipeline_mode = #tpu.pipeline_mode<synchronous>, transform_indices = @transform_1, window_bounds = array<i64: 4096, 256>}, {transform_indices = @transform_2, window_bounds = array<i64: 256, 1>}, {transform_indices = @transform_3, window_bounds = array<i64: 256, 256>}, {transform_indices = @transform_4, window_bounds = array<i64: 256, 256>}]} {
    %get3A = arith.constant 0 : index
    %get3A_0 = arith.constant 0 : index
    %get3A_1 = vector.load %arg1[%get3A, %get3A_0] : memref<256x4096xf32, #tpu.memory_space<vmem>>, vector<256x4096xf32>
    %get3A_2 = arith.constant 0 : index
    %get3A_3 = arith.constant 0 : index
    %get3A_4 = vector.load %arg2[%get3A_2, %get3A_3] : memref<4096x256xf32, #tpu.memory_space<vmem>>, vector<4096x256xf32>
    %dot_general3A = arith.constant dense<0.000000e+00> : vector<256x256xf32>
    %dot_general3A_5 = tpu.matmul %get3A_1, %get3A_4, %dot_general3A {dimension_numbers = #tpu.dot_dimension_numbers<[1], [0], [0], [1], [0, 0, 1, 1], [], []>, transpose_lhs_hint = false} : vector<256x4096xf32>, vector<4096x256xf32>, vector<256x256xf32> -> vector<256x256xf32>
    %get3A_6 = arith.constant 0 : index
    %get3A_7 = arith.constant 0 : index
    %get3A_8 = vector.load %arg3[%get3A_6, %get3A_7] : memref<256x1xf32, #tpu.memory_space<vmem>>, vector<256x1xf32>
    %mul3A = vector.broadcast %get3A_8 : vector<256x1xf32> to vector<256x256xf32>
    %mul3A_9 = arith.mulf %dot_general3A_5, %mul3A : vector<256x256xf32>
    %max3A = arith.constant 0.000000e+00 : f32
    %max3A_10 = vector.broadcast %max3A : f32 to vector<256x256xf32>
    %max3A_11 = arith.maximumf %mul3A_9, %max3A_10 : vector<256x256xf32>
    %swap3A = arith.constant 0 : index
    %swap3A_12 = arith.constant 0 : index
    %swap3A_13 = vector.load %arg4[%swap3A, %swap3A_12] : memref<256x256xf32, #tpu.memory_space<vmem>>, vector<256x256xf32>
    tpu.vector_store %arg4[%swap3A, %swap3A_12], %mul3A_9 {strides = array<i32>} : memref<256x256xf32, #tpu.memory_space<vmem>>, vector<256x256xf32>,
    %swap3A_14 = arith.constant 0 : index
    %swap3A_15 = arith.constant 0 : index
    %swap3A_16 = vector.load %arg5[%swap3A_14, %swap3A_15] : memref<256x256xf32, #tpu.memory_space<vmem>>, vector<256x256xf32>
    tpu.vector_store %arg5[%swap3A_14, %swap3A_15], %max3A_11 {strides = array<i32>} : memref<256x256xf32, #tpu.memory_space<vmem>>, vector<256x256xf32>,
    return
  }
  func.func @transform_0(%arg0: i32) -> (i32, i32) {
    %c0_i32 = arith.constant 0 : i32
    %c0_i32_0 = arith.constant 0 : i32
    return %arg0, %c0_i32 : i32, i32
  }
  func.func @transform_1(%arg0: i32) -> (i32, i32) {
    %c0_i32 = arith.constant 0 : i32
    %c0_i32_0 = arith.constant 0 : i32
    %c0_i32_1 = arith.constant 0 : i32
    return %c0_i32, %c0_i32_0 : i32, i32
  }
  func.func @transform_2(%arg0: i32) -> (i32, i32) {
    %c0_i32 = arith.constant 0 : i32
    %c0_i32_0 = arith.constant 0 : i32
    return %arg0, %c0_i32 : i32, i32
  }
  func.func @transform_3(%arg0: i32) -> (i32, i32) {
    %c0_i32 = arith.constant 0 : i32
    %c0_i32_0 = arith.constant 0 : i32
    return %arg0, %c0_i32 : i32, i32
  }
  func.func @transform_4(%arg0: i32) -> (i32, i32) {
    %c0_i32 = arith.constant 0 : i32
    %c0_i32_0 = arith.constant 0 : i32
    return %arg0, %c0_i32 : i32, i32
  }
}

module attributes {stable_mosaic.version = 14 : i64} {
  func.func @body(%arg0: i32, %arg1: memref<256x256xf32, #tpu.memory_space<vmem>>, %arg2: memref<256x384xf32, #tpu.memory_space<vmem>>, %arg3: memref<1x384xf32, #tpu.memory_space<vmem>>, %arg4: memref<256x384xf32, #tpu.memory_space<vmem>>) attributes {dimension_semantics = [#tpu.dimension_semantics<arbitrary>], iteration_bounds = array<i64: 8>, scalar_prefetch = 0 : i64, scratch_operands = 0 : i64, tpu.core_type = #tpu.core_type<tc>, window_params = [{transform_indices = @transform_0, window_bounds = array<i64: 256, 256>}, {pipeline_mode = #tpu.pipeline_mode<synchronous>, transform_indices = @transform_1, window_bounds = array<i64: 256, 384>}, {pipeline_mode = #tpu.pipeline_mode<synchronous>, transform_indices = @transform_2, window_bounds = array<i64: 1, 384>}, {transform_indices = @transform_3, window_bounds = array<i64: 256, 384>}]} {
    %get3A = arith.constant 0 : index
    %get3A_0 = arith.constant 0 : index
    %get3A_1 = vector.load %arg1[%get3A, %get3A_0] : memref<256x256xf32, #tpu.memory_space<vmem>>, vector<256x256xf32>
    %get3A_2 = arith.constant 0 : index
    %get3A_3 = arith.constant 0 : index
    %get3A_4 = vector.load %arg2[%get3A_2, %get3A_3] : memref<256x384xf32, #tpu.memory_space<vmem>>, vector<256x384xf32>
    %dot_general3A = arith.constant dense<0.000000e+00> : vector<256x384xf32>
    %dot_general3A_5 = tpu.matmul %get3A_1, %get3A_4, %dot_general3A {dimension_numbers = #tpu.dot_dimension_numbers<[1], [0], [0], [1], [0, 0, 1, 1], [], []>, transpose_lhs_hint = false} : vector<256x256xf32>, vector<256x384xf32>, vector<256x384xf32> -> vector<256x384xf32>
    %get3A_6 = arith.constant 0 : index
    %get3A_7 = arith.constant 0 : index
    %get3A_8 = vector.load %arg3[%get3A_6, %get3A_7] : memref<1x384xf32, #tpu.memory_space<vmem>>, vector<1x384xf32>
    %add3A = vector.broadcast %get3A_8 : vector<1x384xf32> to vector<256x384xf32>
    %add3A_9 = arith.addf %dot_general3A_5, %add3A : vector<256x384xf32>
    %swap3A = arith.constant 0 : index
    %swap3A_10 = arith.constant 0 : index
    %swap3A_11 = vector.load %arg4[%swap3A, %swap3A_10] : memref<256x384xf32, #tpu.memory_space<vmem>>, vector<256x384xf32>
    tpu.vector_store %arg4[%swap3A, %swap3A_10], %add3A_9 {strides = array<i32>} : memref<256x384xf32, #tpu.memory_space<vmem>>, vector<256x384xf32>,
    return
  }
  func.func @transform_0(%arg0: i32) -> (i32, i32) {
    %c0_i32 = arith.constant 0 : i32
    %c0_i32_0 = arith.constant 0 : i32
    return %arg0, %c0_i32 : i32, i32
  }
  func.func @transform_1(%arg0: i32) -> (i32, i32) {
    %c0_i32 = arith.constant 0 : i32
    %c0_i32_0 = arith.constant 0 : i32
    %c0_i32_1 = arith.constant 0 : i32
    return %c0_i32, %c0_i32_0 : i32, i32
  }
  func.func @transform_2(%arg0: i32) -> (i32, i32) {
    %c0_i32 = arith.constant 0 : i32
    %c0_i32_0 = arith.constant 0 : i32
    %c0_i32_1 = arith.constant 0 : i32
    return %c0_i32, %c0_i32_0 : i32, i32
  }
  func.func @transform_3(%arg0: i32) -> (i32, i32) {
    %c0_i32 = arith.constant 0 : i32
    %c0_i32_0 = arith.constant 0 : i32
    return %arg0, %c0_i32 : i32, i32
  }
}

module attributes {stable_mosaic.version = 14 : i64} {
  func.func @body(%arg0: i32, %arg1: memref<256x256xf32, #tpu.memory_space<vmem>>, %arg2: memref<2056x256xf32, #tpu.memory_space<vmem>>, %arg3: memref<8x128xf32, #tpu.memory_space<vmem>>) attributes {dimension_semantics = [#tpu.dimension_semantics<arbitrary>], iteration_bounds = array<i64: 8>, scalar_prefetch = 0 : i64, scratch_operands = 0 : i64, tpu.core_type = #tpu.core_type<tc>, window_params = [{transform_indices = @transform_0, window_bounds = array<i64: 256, 256>}, {pipeline_mode = #tpu.pipeline_mode<synchronous>, transform_indices = @transform_1, window_bounds = array<i64: 2056, 256>}, {pipeline_mode = #tpu.pipeline_mode<synchronous>, transform_indices = @transform_2, window_bounds = array<i64: 8, 128>}]} {
    %eq3A = arith.constant 0 : i32
    %eq3A_0 = arith.cmpi eq, %arg0, %eq3A : i32
    %convert_element_type3A = arith.extui %eq3A_0 : i1 to i32
    %cond3A = arith.constant 0 : i32
    %cond3A_1 = arith.cmpi ne, %convert_element_type3A, %cond3A : i32
    scf.if %cond3A_1 {
      %broadcast_in_dim3A_234 = arith.constant 0.000000e+00 : f32
      %broadcast_in_dim3A_235 = vector.broadcast %broadcast_in_dim3A_234 : f32 to vector<8x128xf32>
      %swap3A_236 = arith.constant 0 : index
      %swap3A_237 = arith.constant 0 : index
      %swap3A_238 = vector.load %arg3[%swap3A_236, %swap3A_237] : memref<8x128xf32, #tpu.memory_space<vmem>>, vector<8x128xf32>
      tpu.vector_store %arg3[%swap3A_236, %swap3A_237], %broadcast_in_dim3A_235 {strides = array<i32>} : memref<8x128xf32, #tpu.memory_space<vmem>>, vector<8x128xf32>,
    } else {
    }
    %get3A = arith.constant 0 : index
    %get3A_2 = arith.constant 0 : index
    %get3A_3 = vector.load %arg1[%get3A, %get3A_2] : memref<256x256xf32, #tpu.memory_space<vmem>>, vector<256x256xf32>
    %mul3A = arith.constant 256 : i32
    %mul3A_4 = arith.muli %arg0, %mul3A : i32
    %iota3A = tpu.iota {dimensions = array<i32: 0>} : vector<256x1xi32>
    %add3A = vector.broadcast %mul3A_4 : i32 to vector<256x1xi32>
    %add3A_5 = arith.addi %add3A, %iota3A : vector<256x1xi32>
    %lt3A = arith.constant 1967 : i32
    %lt3A_6 = vector.broadcast %lt3A : i32 to vector<256x1xi32>
    %lt3A_7 = arith.cmpi slt, %add3A_5, %lt3A_6 : vector<256x1xi32>
    %convert_element_type3A_8 = arith.extui %lt3A_7 : vector<256x1xi1> to vector<256x1xi32>
    %convert_element_type3A_9 = arith.sitofp %convert_element_type3A_8 : vector<256x1xi32> to vector<256x1xf32>
    %mul3A_10 = arith.constant 256 : i32
    %mul3A_11 = arith.muli %arg0, %mul3A_10 : i32
    %get3A_12 = arith.index_cast %mul3A_11 : i32 to index
    %get3A_13 = arith.constant 0 : index
    %get3A_14 = vector.load %arg2[%get3A_12, %get3A_13] : memref<2056x256xf32, #tpu.memory_space<vmem>>, vector<264x256xf32>
    %slice3A = vector.extract_strided_slice %get3A_14 {offsets = [5, 0], sizes = [256, 256], strides = [1, 1]} : vector<264x256xf32> to vector<256x256xf32>
    %mul3A_15 = arith.mulf %get3A_3, %slice3A : vector<256x256xf32>
    %reduce_sum3A = arith.constant dense<0.000000e+00> : vector<256xf32>
    %reduce_sum3A_16 = vector.multi_reduction <add>, %mul3A_15, %reduce_sum3A [1] : vector<256x256xf32> to vector<256xf32>
    %broadcast_in_dim3A = vector.shape_cast %reduce_sum3A_16 : vector<256xf32> to vector<256x1xf32>
    %neg3A = arith.constant 0.000000e+00 : f32
    %neg3A_17 = vector.broadcast %neg3A : f32 to vector<256x1xf32>
    %neg3A_18 = arith.subf %neg3A_17, %broadcast_in_dim3A : vector<256x1xf32>
    %custom_jvp_call3A = arith.constant 0.000000e+00 : f32
    %max3A = vector.broadcast %custom_jvp_call3A : f32 to vector<256x1xf32>
    %max3A_19 = arith.maximumf %neg3A_18, %max3A : vector<256x1xf32>
    %sub3A = vector.broadcast %custom_jvp_call3A : f32 to vector<256x1xf32>
    %sub3A_20 = arith.subf %neg3A_18, %sub3A : vector<256x1xf32>
    %ne3A = arith.cmpf one, %sub3A_20, %sub3A_20 : vector<256x1xf32>
    %add3A_21 = vector.broadcast %custom_jvp_call3A : f32 to vector<256x1xf32>
    %add3A_22 = arith.addf %neg3A_18, %add3A_21 : vector<256x1xf32>
    %abs3A = math.absf %sub3A_20 : vector<256x1xf32>
    %neg3A_23 = arith.constant 0.000000e+00 : f32
    %neg3A_24 = vector.broadcast %neg3A_23 : f32 to vector<256x1xf32>
    %neg3A_25 = arith.subf %neg3A_24, %abs3A : vector<256x1xf32>
    %exp3A = math.exp %neg3A_25 : vector<256x1xf32>
    %log1p3A = math.log1p %exp3A : vector<256x1xf32>
    %add3A_26 = arith.addf %max3A_19, %log1p3A : vector<256x1xf32>
    %select_n3A = arith.select %ne3A, %add3A_22, %add3A_26 : vector<256x1xi1>, vector<256x1xf32>
    %neg3A_27 = arith.constant 0.000000e+00 : f32
    %neg3A_28 = vector.broadcast %neg3A_27 : f32 to vector<256x1xf32>
    %neg3A_29 = arith.subf %neg3A_28, %select_n3A : vector<256x1xf32>
    %mul3A_30 = arith.mulf %neg3A_29, %convert_element_type3A_9 : vector<256x1xf32>
    %reduce_sum3A_31 = vector.shape_cast %mul3A_30 : vector<256x1xf32> to vector<1x256x1xf32>
    %reduce_sum3A_32 = arith.constant dense<0.000000e+00> : vector<1xf32>
    %reduce_sum3A_33 = vector.multi_reduction <add>, %reduce_sum3A_31, %reduce_sum3A_32 [1, 2] : vector<1x256x1xf32> to vector<1xf32>
    %reduce_sum3A_34 = vector.shape_cast %reduce_sum3A_33 : vector<1xf32> to vector<1x1x1xf32>
    %reduce_sum3A_35 = vector.extract %reduce_sum3A_34[0, 0, 0] : f32 from vector<1x1x1xf32>
    %slice3A_36 = vector.extract_strided_slice %get3A_14 {offsets = [4, 0], sizes = [256, 256], strides = [1, 1]} : vector<264x256xf32> to vector<256x256xf32>
    %mul3A_37 = arith.mulf %get3A_3, %slice3A_36 : vector<256x256xf32>
    %reduce_sum3A_38 = arith.constant dense<0.000000e+00> : vector<256xf32>
    %reduce_sum3A_39 = vector.multi_reduction <add>, %mul3A_37, %reduce_sum3A_38 [1] : vector<256x256xf32> to vector<256xf32>
    %broadcast_in_dim3A_40 = vector.shape_cast %reduce_sum3A_39 : vector<256xf32> to vector<256x1xf32>
    %neg3A_41 = arith.constant 0.000000e+00 : f32
    %neg3A_42 = vector.broadcast %neg3A_41 : f32 to vector<256x1xf32>
    %neg3A_43 = arith.subf %neg3A_42, %broadcast_in_dim3A_40 : vector<256x1xf32>
    %neg3A_44 = arith.constant 0.000000e+00 : f32
    %neg3A_45 = vector.broadcast %neg3A_44 : f32 to vector<256x1xf32>
    %neg3A_46 = arith.subf %neg3A_45, %neg3A_43 : vector<256x1xf32>
    %custom_jvp_call3A_47 = arith.constant 0.000000e+00 : f32
    %max3A_48 = vector.broadcast %custom_jvp_call3A_47 : f32 to vector<256x1xf32>
    %max3A_49 = arith.maximumf %neg3A_46, %max3A_48 : vector<256x1xf32>
    %sub3A_50 = vector.broadcast %custom_jvp_call3A_47 : f32 to vector<256x1xf32>
    %sub3A_51 = arith.subf %neg3A_46, %sub3A_50 : vector<256x1xf32>
    %ne3A_52 = arith.cmpf one, %sub3A_51, %sub3A_51 : vector<256x1xf32>
    %add3A_53 = vector.broadcast %custom_jvp_call3A_47 : f32 to vector<256x1xf32>
    %add3A_54 = arith.addf %neg3A_46, %add3A_53 : vector<256x1xf32>
    %abs3A_55 = math.absf %sub3A_51 : vector<256x1xf32>
    %neg3A_56 = arith.constant 0.000000e+00 : f32
    %neg3A_57 = vector.broadcast %neg3A_56 : f32 to vector<256x1xf32>
    %neg3A_58 = arith.subf %neg3A_57, %abs3A_55 : vector<256x1xf32>
    %exp3A_59 = math.exp %neg3A_58 : vector<256x1xf32>
    %log1p3A_60 = math.log1p %exp3A_59 : vector<256x1xf32>
    %add3A_61 = arith.addf %max3A_49, %log1p3A_60 : vector<256x1xf32>
    %select_n3A_62 = arith.select %ne3A_52, %add3A_54, %add3A_61 : vector<256x1xi1>, vector<256x1xf32>
    %neg3A_63 = arith.constant 0.000000e+00 : f32
    %neg3A_64 = vector.broadcast %neg3A_63 : f32 to vector<256x1xf32>
    %neg3A_65 = arith.subf %neg3A_64, %select_n3A_62 : vector<256x1xf32>
    %mul3A_66 = arith.mulf %neg3A_65, %convert_element_type3A_9 : vector<256x1xf32>
    %reduce_sum3A_67 = vector.shape_cast %mul3A_66 : vector<256x1xf32> to vector<1x256x1xf32>
    %reduce_sum3A_68 = arith.constant dense<0.000000e+00> : vector<1xf32>
    %reduce_sum3A_69 = vector.multi_reduction <add>, %reduce_sum3A_67, %reduce_sum3A_68 [1, 2] : vector<1x256x1xf32> to vector<1xf32>
    %reduce_sum3A_70 = vector.shape_cast %reduce_sum3A_69 : vector<1xf32> to vector<1x1x1xf32>
    %reduce_sum3A_71 = vector.extract %reduce_sum3A_70[0, 0, 0] : f32 from vector<1x1x1xf32>
    %slice3A_72 = vector.extract_strided_slice %get3A_14 {offsets = [3, 0], sizes = [256, 256], strides = [1, 1]} : vector<264x256xf32> to vector<256x256xf32>
    %mul3A_73 = arith.mulf %get3A_3, %slice3A_72 : vector<256x256xf32>
    %reduce_sum3A_74 = arith.constant dense<0.000000e+00> : vector<256xf32>
    %reduce_sum3A_75 = vector.multi_reduction <add>, %mul3A_73, %reduce_sum3A_74 [1] : vector<256x256xf32> to vector<256xf32>
    %broadcast_in_dim3A_76 = vector.shape_cast %reduce_sum3A_75 : vector<256xf32> to vector<256x1xf32>
    %neg3A_77 = arith.constant 0.000000e+00 : f32
    %neg3A_78 = vector.broadcast %neg3A_77 : f32 to vector<256x1xf32>
    %neg3A_79 = arith.subf %neg3A_78, %broadcast_in_dim3A_76 : vector<256x1xf32>
    %neg3A_80 = arith.constant 0.000000e+00 : f32
    %neg3A_81 = vector.broadcast %neg3A_80 : f32 to vector<256x1xf32>
    %neg3A_82 = arith.subf %neg3A_81, %neg3A_79 : vector<256x1xf32>
    %custom_jvp_call3A_83 = arith.constant 0.000000e+00 : f32
    %max3A_84 = vector.broadcast %custom_jvp_call3A_83 : f32 to vector<256x1xf32>
    %max3A_85 = arith.maximumf %neg3A_82, %max3A_84 : vector<256x1xf32>
    %sub3A_86 = vector.broadcast %custom_jvp_call3A_83 : f32 to vector<256x1xf32>
    %sub3A_87 = arith.subf %neg3A_82, %sub3A_86 : vector<256x1xf32>
    %ne3A_88 = arith.cmpf one, %sub3A_87, %sub3A_87 : vector<256x1xf32>
    %add3A_89 = vector.broadcast %custom_jvp_call3A_83 : f32 to vector<256x1xf32>
    %add3A_90 = arith.addf %neg3A_82, %add3A_89 : vector<256x1xf32>
    %abs3A_91 = math.absf %sub3A_87 : vector<256x1xf32>
    %neg3A_92 = arith.constant 0.000000e+00 : f32
    %neg3A_93 = vector.broadcast %neg3A_92 : f32 to vector<256x1xf32>
    %neg3A_94 = arith.subf %neg3A_93, %abs3A_91 : vector<256x1xf32>
    %exp3A_95 = math.exp %neg3A_94 : vector<256x1xf32>
    %log1p3A_96 = math.log1p %exp3A_95 : vector<256x1xf32>
    %add3A_97 = arith.addf %max3A_85, %log1p3A_96 : vector<256x1xf32>
    %select_n3A_98 = arith.select %ne3A_88, %add3A_90, %add3A_97 : vector<256x1xi1>, vector<256x1xf32>
    %neg3A_99 = arith.constant 0.000000e+00 : f32
    %neg3A_100 = vector.broadcast %neg3A_99 : f32 to vector<256x1xf32>
    %neg3A_101 = arith.subf %neg3A_100, %select_n3A_98 : vector<256x1xf32>
    %mul3A_102 = arith.mulf %neg3A_101, %convert_element_type3A_9 : vector<256x1xf32>
    %reduce_sum3A_103 = vector.shape_cast %mul3A_102 : vector<256x1xf32> to vector<1x256x1xf32>
    %reduce_sum3A_104 = arith.constant dense<0.000000e+00> : vector<1xf32>
    %reduce_sum3A_105 = vector.multi_reduction <add>, %reduce_sum3A_103, %reduce_sum3A_104 [1, 2] : vector<1x256x1xf32> to vector<1xf32>
    %reduce_sum3A_106 = vector.shape_cast %reduce_sum3A_105 : vector<1xf32> to vector<1x1x1xf32>
    %reduce_sum3A_107 = vector.extract %reduce_sum3A_106[0, 0, 0] : f32 from vector<1x1x1xf32>
    %slice3A_108 = vector.extract_strided_slice %get3A_14 {offsets = [2, 0], sizes = [256, 256], strides = [1, 1]} : vector<264x256xf32> to vector<256x256xf32>
    %mul3A_109 = arith.mulf %get3A_3, %slice3A_108 : vector<256x256xf32>
    %reduce_sum3A_110 = arith.constant dense<0.000000e+00> : vector<256xf32>
    %reduce_sum3A_111 = vector.multi_reduction <add>, %mul3A_109, %reduce_sum3A_110 [1] : vector<256x256xf32> to vector<256xf32>
    %broadcast_in_dim3A_112 = vector.shape_cast %reduce_sum3A_111 : vector<256xf32> to vector<256x1xf32>
    %neg3A_113 = arith.constant 0.000000e+00 : f32
    %neg3A_114 = vector.broadcast %neg3A_113 : f32 to vector<256x1xf32>
    %neg3A_115 = arith.subf %neg3A_114, %broadcast_in_dim3A_112 : vector<256x1xf32>
    %neg3A_116 = arith.constant 0.000000e+00 : f32
    %neg3A_117 = vector.broadcast %neg3A_116 : f32 to vector<256x1xf32>
    %neg3A_118 = arith.subf %neg3A_117, %neg3A_115 : vector<256x1xf32>
    %custom_jvp_call3A_119 = arith.constant 0.000000e+00 : f32
    %max3A_120 = vector.broadcast %custom_jvp_call3A_119 : f32 to vector<256x1xf32>
    %max3A_121 = arith.maximumf %neg3A_118, %max3A_120 : vector<256x1xf32>
    %sub3A_122 = vector.broadcast %custom_jvp_call3A_119 : f32 to vector<256x1xf32>
    %sub3A_123 = arith.subf %neg3A_118, %sub3A_122 : vector<256x1xf32>
    %ne3A_124 = arith.cmpf one, %sub3A_123, %sub3A_123 : vector<256x1xf32>
    %add3A_125 = vector.broadcast %custom_jvp_call3A_119 : f32 to vector<256x1xf32>
    %add3A_126 = arith.addf %neg3A_118, %add3A_125 : vector<256x1xf32>
    %abs3A_127 = math.absf %sub3A_123 : vector<256x1xf32>
    %neg3A_128 = arith.constant 0.000000e+00 : f32
    %neg3A_129 = vector.broadcast %neg3A_128 : f32 to vector<256x1xf32>
    %neg3A_130 = arith.subf %neg3A_129, %abs3A_127 : vector<256x1xf32>
    %exp3A_131 = math.exp %neg3A_130 : vector<256x1xf32>
    %log1p3A_132 = math.log1p %exp3A_131 : vector<256x1xf32>
    %add3A_133 = arith.addf %max3A_121, %log1p3A_132 : vector<256x1xf32>
    %select_n3A_134 = arith.select %ne3A_124, %add3A_126, %add3A_133 : vector<256x1xi1>, vector<256x1xf32>
    %neg3A_135 = arith.constant 0.000000e+00 : f32
    %neg3A_136 = vector.broadcast %neg3A_135 : f32 to vector<256x1xf32>
    %neg3A_137 = arith.subf %neg3A_136, %select_n3A_134 : vector<256x1xf32>
    %mul3A_138 = arith.mulf %neg3A_137, %convert_element_type3A_9 : vector<256x1xf32>
    %reduce_sum3A_139 = vector.shape_cast %mul3A_138 : vector<256x1xf32> to vector<1x256x1xf32>
    %reduce_sum3A_140 = arith.constant dense<0.000000e+00> : vector<1xf32>
    %reduce_sum3A_141 = vector.multi_reduction <add>, %reduce_sum3A_139, %reduce_sum3A_140 [1, 2] : vector<1x256x1xf32> to vector<1xf32>
    %reduce_sum3A_142 = vector.shape_cast %reduce_sum3A_141 : vector<1xf32> to vector<1x1x1xf32>
    %reduce_sum3A_143 = vector.extract %reduce_sum3A_142[0, 0, 0] : f32 from vector<1x1x1xf32>
    %slice3A_144 = vector.extract_strided_slice %get3A_14 {offsets = [1, 0], sizes = [256, 256], strides = [1, 1]} : vector<264x256xf32> to vector<256x256xf32>
    %mul3A_145 = arith.mulf %get3A_3, %slice3A_144 : vector<256x256xf32>
    %reduce_sum3A_146 = arith.constant dense<0.000000e+00> : vector<256xf32>
    %reduce_sum3A_147 = vector.multi_reduction <add>, %mul3A_145, %reduce_sum3A_146 [1] : vector<256x256xf32> to vector<256xf32>
    %broadcast_in_dim3A_148 = vector.shape_cast %reduce_sum3A_147 : vector<256xf32> to vector<256x1xf32>
    %neg3A_149 = arith.constant 0.000000e+00 : f32
    %neg3A_150 = vector.broadcast %neg3A_149 : f32 to vector<256x1xf32>
    %neg3A_151 = arith.subf %neg3A_150, %broadcast_in_dim3A_148 : vector<256x1xf32>
    %neg3A_152 = arith.constant 0.000000e+00 : f32
    %neg3A_153 = vector.broadcast %neg3A_152 : f32 to vector<256x1xf32>
    %neg3A_154 = arith.subf %neg3A_153, %neg3A_151 : vector<256x1xf32>
    %custom_jvp_call3A_155 = arith.constant 0.000000e+00 : f32
    %max3A_156 = vector.broadcast %custom_jvp_call3A_155 : f32 to vector<256x1xf32>
    %max3A_157 = arith.maximumf %neg3A_154, %max3A_156 : vector<256x1xf32>
    %sub3A_158 = vector.broadcast %custom_jvp_call3A_155 : f32 to vector<256x1xf32>
    %sub3A_159 = arith.subf %neg3A_154, %sub3A_158 : vector<256x1xf32>
    %ne3A_160 = arith.cmpf one, %sub3A_159, %sub3A_159 : vector<256x1xf32>
    %add3A_161 = vector.broadcast %custom_jvp_call3A_155 : f32 to vector<256x1xf32>
    %add3A_162 = arith.addf %neg3A_154, %add3A_161 : vector<256x1xf32>
    %abs3A_163 = math.absf %sub3A_159 : vector<256x1xf32>
    %neg3A_164 = arith.constant 0.000000e+00 : f32
    %neg3A_165 = vector.broadcast %neg3A_164 : f32 to vector<256x1xf32>
    %neg3A_166 = arith.subf %neg3A_165, %abs3A_163 : vector<256x1xf32>
    %exp3A_167 = math.exp %neg3A_166 : vector<256x1xf32>
    %log1p3A_168 = math.log1p %exp3A_167 : vector<256x1xf32>
    %add3A_169 = arith.addf %max3A_157, %log1p3A_168 : vector<256x1xf32>
    %select_n3A_170 = arith.select %ne3A_160, %add3A_162, %add3A_169 : vector<256x1xi1>, vector<256x1xf32>
    %neg3A_171 = arith.constant 0.000000e+00 : f32
    %neg3A_172 = vector.broadcast %neg3A_171 : f32 to vector<256x1xf32>
    %neg3A_173 = arith.subf %neg3A_172, %select_n3A_170 : vector<256x1xf32>
    %mul3A_174 = arith.mulf %neg3A_173, %convert_element_type3A_9 : vector<256x1xf32>
    %reduce_sum3A_175 = vector.shape_cast %mul3A_174 : vector<256x1xf32> to vector<1x256x1xf32>
    %reduce_sum3A_176 = arith.constant dense<0.000000e+00> : vector<1xf32>
    %reduce_sum3A_177 = vector.multi_reduction <add>, %reduce_sum3A_175, %reduce_sum3A_176 [1, 2] : vector<1x256x1xf32> to vector<1xf32>
    %reduce_sum3A_178 = vector.shape_cast %reduce_sum3A_177 : vector<1xf32> to vector<1x1x1xf32>
    %reduce_sum3A_179 = vector.extract %reduce_sum3A_178[0, 0, 0] : f32 from vector<1x1x1xf32>
    %slice3A_180 = vector.extract_strided_slice %get3A_14 {offsets = [0, 0], sizes = [256, 256], strides = [1, 1]} : vector<264x256xf32> to vector<256x256xf32>
    %mul3A_181 = arith.mulf %get3A_3, %slice3A_180 : vector<256x256xf32>
    %reduce_sum3A_182 = arith.constant dense<0.000000e+00> : vector<256xf32>
    %reduce_sum3A_183 = vector.multi_reduction <add>, %mul3A_181, %reduce_sum3A_182 [1] : vector<256x256xf32> to vector<256xf32>
    %broadcast_in_dim3A_184 = vector.shape_cast %reduce_sum3A_183 : vector<256xf32> to vector<256x1xf32>
    %neg3A_185 = arith.constant 0.000000e+00 : f32
    %neg3A_186 = vector.broadcast %neg3A_185 : f32 to vector<256x1xf32>
    %neg3A_187 = arith.subf %neg3A_186, %broadcast_in_dim3A_184 : vector<256x1xf32>
    %neg3A_188 = arith.constant 0.000000e+00 : f32
    %neg3A_189 = vector.broadcast %neg3A_188 : f32 to vector<256x1xf32>
    %neg3A_190 = arith.subf %neg3A_189, %neg3A_187 : vector<256x1xf32>
    %custom_jvp_call3A_191 = arith.constant 0.000000e+00 : f32
    %max3A_192 = vector.broadcast %custom_jvp_call3A_191 : f32 to vector<256x1xf32>
    %max3A_193 = arith.maximumf %neg3A_190, %max3A_192 : vector<256x1xf32>
    %sub3A_194 = vector.broadcast %custom_jvp_call3A_191 : f32 to vector<256x1xf32>
    %sub3A_195 = arith.subf %neg3A_190, %sub3A_194 : vector<256x1xf32>
    %ne3A_196 = arith.cmpf one, %sub3A_195, %sub3A_195 : vector<256x1xf32>
    %add3A_197 = vector.broadcast %custom_jvp_call3A_191 : f32 to vector<256x1xf32>
    %add3A_198 = arith.addf %neg3A_190, %add3A_197 : vector<256x1xf32>
    %abs3A_199 = math.absf %sub3A_195 : vector<256x1xf32>
    %neg3A_200 = arith.constant 0.000000e+00 : f32
    %neg3A_201 = vector.broadcast %neg3A_200 : f32 to vector<256x1xf32>
    %neg3A_202 = arith.subf %neg3A_201, %abs3A_199 : vector<256x1xf32>
    %exp3A_203 = math.exp %neg3A_202 : vector<256x1xf32>
    %log1p3A_204 = math.log1p %exp3A_203 : vector<256x1xf32>
    %add3A_205 = arith.addf %max3A_193, %log1p3A_204 : vector<256x1xf32>
    %select_n3A_206 = arith.select %ne3A_196, %add3A_198, %add3A_205 : vector<256x1xi1>, vector<256x1xf32>
    %neg3A_207 = arith.constant 0.000000e+00 : f32
    %neg3A_208 = vector.broadcast %neg3A_207 : f32 to vector<256x1xf32>
    %neg3A_209 = arith.subf %neg3A_208, %select_n3A_206 : vector<256x1xf32>
    %mul3A_210 = arith.mulf %neg3A_209, %convert_element_type3A_9 : vector<256x1xf32>
    %reduce_sum3A_211 = vector.shape_cast %mul3A_210 : vector<256x1xf32> to vector<1x256x1xf32>
    %reduce_sum3A_212 = arith.constant dense<0.000000e+00> : vector<1xf32>
    %reduce_sum3A_213 = vector.multi_reduction <add>, %reduce_sum3A_211, %reduce_sum3A_212 [1, 2] : vector<1x256x1xf32> to vector<1xf32>
    %reduce_sum3A_214 = vector.shape_cast %reduce_sum3A_213 : vector<1xf32> to vector<1x1x1xf32>
    %reduce_sum3A_215 = vector.extract %reduce_sum3A_214[0, 0, 0] : f32 from vector<1x1x1xf32>
    %stack3A = arith.constant 0.000000e+00 : f32
    %stack3A_216 = arith.constant 0.000000e+00 : f32
    %stack3A_217 = vector.broadcast %reduce_sum3A_35 : f32 to vector<1xf32>
    %stack3A_218 = vector.broadcast %reduce_sum3A_71 : f32 to vector<1xf32>
    %stack3A_219 = vector.broadcast %reduce_sum3A_107 : f32 to vector<1xf32>
    %stack3A_220 = vector.broadcast %reduce_sum3A_143 : f32 to vector<1xf32>
    %stack3A_221 = vector.broadcast %reduce_sum3A_179 : f32 to vector<1xf32>
    %stack3A_222 = vector.broadcast %reduce_sum3A_215 : f32 to vector<1xf32>
    %stack3A_223 = vector.broadcast %stack3A : f32 to vector<1xf32>
    %stack3A_224 = vector.broadcast %stack3A_216 : f32 to vector<1xf32>
    %stack3A_225 = tpu.concatenate %stack3A_217, %stack3A_218, %stack3A_219, %stack3A_220, %stack3A_221, %stack3A_222, %stack3A_223, %stack3A_224 in 0 : vector<1xf32>, vector<1xf32>, vector<1xf32>, vector<1xf32>, vector<1xf32>, vector<1xf32>, vector<1xf32>, vector<1xf32> -> vector<8xf32>
    %get3A_226 = arith.constant 0 : index
    %get3A_227 = arith.constant 0 : index
    %get3A_228 = vector.load %arg3[%get3A_226, %get3A_227] : memref<8x128xf32, #tpu.memory_space<vmem>>, vector<8x128xf32>
    %broadcast_in_dim3A_229 = vector.shape_cast %stack3A_225 : vector<8xf32> to vector<8x1xf32>
    %add3A_230 = vector.broadcast %broadcast_in_dim3A_229 : vector<8x1xf32> to vector<8x128xf32>
    %add3A_231 = arith.addf %get3A_228, %add3A_230 : vector<8x128xf32>
    %swap3A = arith.constant 0 : index
    %swap3A_232 = arith.constant 0 : index
    %swap3A_233 = vector.load %arg3[%swap3A, %swap3A_232] : memref<8x128xf32, #tpu.memory_space<vmem>>, vector<8x128xf32>
    tpu.vector_store %arg3[%swap3A, %swap3A_232], %add3A_231 {strides = array<i32>} : memref<8x128xf32, #tpu.memory_space<vmem>>, vector<8x128xf32>,
    return
  }
  func.func @transform_0(%arg0: i32) -> (i32, i32) {
    %c0_i32 = arith.constant 0 : i32
    %c0_i32_0 = arith.constant 0 : i32
    return %arg0, %c0_i32 : i32, i32
  }
  func.func @transform_1(%arg0: i32) -> (i32, i32) {
    %c0_i32 = arith.constant 0 : i32
    %c0_i32_0 = arith.constant 0 : i32
    %c0_i32_1 = arith.constant 0 : i32
    return %c0_i32, %c0_i32_0 : i32, i32
  }
  func.func @transform_2(%arg0: i32) -> (i32, i32) {
    %c0_i32 = arith.constant 0 : i32
    %c0_i32_0 = arith.constant 0 : i32
    %c0_i32_1 = arith.constant 0 : i32
    return %c0_i32, %c0_i32_0 : i32, i32
  }
}

module attributes {stable_mosaic.version = 14 : i64} {
  func.func @body(%arg0: i32, %arg1: memref<256x2048xf32, #tpu.memory_space<vmem>>, %arg2: memref<2048x256xf32, #tpu.memory_space<vmem>>, %arg3: memref<1x256xf32, #tpu.memory_space<vmem>>, %arg4: memref<256x256xf32, #tpu.memory_space<vmem>>) attributes {dimension_semantics = [#tpu.dimension_semantics<arbitrary>], iteration_bounds = array<i64: 4>, scalar_prefetch = 0 : i64, scratch_operands = 0 : i64, tpu.core_type = #tpu.core_type<tc>, window_params = [{transform_indices = @transform_0, window_bounds = array<i64: 256, 2048>}, {pipeline_mode = #tpu.pipeline_mode<synchronous>, transform_indices = @transform_1, window_bounds = array<i64: 2048, 256>}, {pipeline_mode = #tpu.pipeline_mode<synchronous>, transform_indices = @transform_2, window_bounds = array<i64: 1, 256>}, {transform_indices = @transform_3, window_bounds = array<i64: 256, 256>}]} {
    %get3A = arith.constant 0 : index
    %get3A_0 = arith.constant 0 : index
    %get3A_1 = vector.load %arg1[%get3A, %get3A_0] : memref<256x2048xf32, #tpu.memory_space<vmem>>, vector<256x2048xf32>
    %get3A_2 = arith.constant 0 : index
    %get3A_3 = arith.constant 0 : index
    %get3A_4 = vector.load %arg2[%get3A_2, %get3A_3] : memref<2048x256xf32, #tpu.memory_space<vmem>>, vector<2048x256xf32>
    %dot_general3A = arith.constant dense<0.000000e+00> : vector<256x256xf32>
    %dot_general3A_5 = tpu.matmul %get3A_1, %get3A_4, %dot_general3A {dimension_numbers = #tpu.dot_dimension_numbers<[1], [0], [0], [1], [0, 0, 1, 1], [], []>, transpose_lhs_hint = false} : vector<256x2048xf32>, vector<2048x256xf32>, vector<256x256xf32> -> vector<256x256xf32>
    %get3A_6 = arith.constant 0 : index
    %get3A_7 = arith.constant 0 : index
    %get3A_8 = vector.load %arg3[%get3A_6, %get3A_7] : memref<1x256xf32, #tpu.memory_space<vmem>>, vector<1x256xf32>
    %add3A = vector.broadcast %get3A_8 : vector<1x256xf32> to vector<256x256xf32>
    %add3A_9 = arith.addf %dot_general3A_5, %add3A : vector<256x256xf32>
    %swap3A = arith.constant 0 : index
    %swap3A_10 = arith.constant 0 : index
    %swap3A_11 = vector.load %arg4[%swap3A, %swap3A_10] : memref<256x256xf32, #tpu.memory_space<vmem>>, vector<256x256xf32>
    tpu.vector_store %arg4[%swap3A, %swap3A_10], %add3A_9 {strides = array<i32>} : memref<256x256xf32, #tpu.memory_space<vmem>>, vector<256x256xf32>,
    return
  }
  func.func @transform_0(%arg0: i32) -> (i32, i32) {
    %c0_i32 = arith.constant 0 : i32
    %c0_i32_0 = arith.constant 0 : i32
    return %arg0, %c0_i32 : i32, i32
  }
  func.func @transform_1(%arg0: i32) -> (i32, i32) {
    %c0_i32 = arith.constant 0 : i32
    %c0_i32_0 = arith.constant 0 : i32
    %c0_i32_1 = arith.constant 0 : i32
    return %c0_i32, %c0_i32_0 : i32, i32
  }
  func.func @transform_2(%arg0: i32) -> (i32, i32) {
    %c0_i32 = arith.constant 0 : i32
    %c0_i32_0 = arith.constant 0 : i32
    %c0_i32_1 = arith.constant 0 : i32
    return %c0_i32, %c0_i32_0 : i32, i32
  }
  func.func @transform_3(%arg0: i32) -> (i32, i32) {
    %c0_i32 = arith.constant 0 : i32
    %c0_i32_0 = arith.constant 0 : i32
    return %arg0, %c0_i32 : i32, i32
  }
}

module attributes {stable_mosaic.version = 14 : i64} {
  func.func @body(%arg0: i32, %arg1: memref<256x256xf32, #tpu.memory_space<vmem>>, %arg2: memref<256x256xf32, #tpu.memory_space<vmem>>, %arg3: memref<1x256xf32, #tpu.memory_space<vmem>>, %arg4: memref<256x1xf32, #tpu.memory_space<vmem>>, %arg5: memref<256x1xf32, #tpu.memory_space<vmem>>, %arg6: memref<256x256xf32, #tpu.memory_space<vmem>>) attributes {dimension_semantics = [#tpu.dimension_semantics<arbitrary>], iteration_bounds = array<i64: 4>, scalar_prefetch = 0 : i64, scratch_operands = 0 : i64, tpu.core_type = #tpu.core_type<tc>, window_params = [{transform_indices = @transform_0, window_bounds = array<i64: 256, 256>}, {pipeline_mode = #tpu.pipeline_mode<synchronous>, transform_indices = @transform_1, window_bounds = array<i64: 256, 256>}, {pipeline_mode = #tpu.pipeline_mode<synchronous>, transform_indices = @transform_2, window_bounds = array<i64: 1, 256>}, {transform_indices = @transform_3, window_bounds = array<i64: 256, 1>}, {transform_indices = @transform_4, window_bounds = array<i64: 256, 1>}, {transform_indices = @transform_5, window_bounds = array<i64: 256, 256>}]} {
    %get3A = arith.constant 0 : index
    %get3A_0 = arith.constant 0 : index
    %get3A_1 = vector.load %arg1[%get3A, %get3A_0] : memref<256x256xf32, #tpu.memory_space<vmem>>, vector<256x256xf32>
    %get3A_2 = arith.constant 0 : index
    %get3A_3 = arith.constant 0 : index
    %get3A_4 = vector.load %arg4[%get3A_2, %get3A_3] : memref<256x1xf32, #tpu.memory_space<vmem>>, vector<256x1xf32>
    %mul3A = vector.broadcast %get3A_4 : vector<256x1xf32> to vector<256x256xf32>
    %mul3A_5 = arith.mulf %get3A_1, %mul3A : vector<256x256xf32>
    %get3A_6 = arith.constant 0 : index
    %get3A_7 = arith.constant 0 : index
    %get3A_8 = vector.load %arg2[%get3A_6, %get3A_7] : memref<256x256xf32, #tpu.memory_space<vmem>>, vector<256x256xf32>
    %dot_general3A = arith.constant dense<0.000000e+00> : vector<256x256xf32>
    %dot_general3A_9 = tpu.matmul %mul3A_5, %get3A_8, %dot_general3A {dimension_numbers = #tpu.dot_dimension_numbers<[1], [0], [0], [1], [0, 0, 1, 1], [], []>, transpose_lhs_hint = false} : vector<256x256xf32>, vector<256x256xf32>, vector<256x256xf32> -> vector<256x256xf32>
    %get3A_10 = arith.constant 0 : index
    %get3A_11 = arith.constant 0 : index
    %get3A_12 = vector.load %arg3[%get3A_10, %get3A_11] : memref<1x256xf32, #tpu.memory_space<vmem>>, vector<1x256xf32>
    %add3A = vector.broadcast %get3A_12 : vector<1x256xf32> to vector<256x256xf32>
    %add3A_13 = arith.addf %dot_general3A_9, %add3A : vector<256x256xf32>
    %get3A_14 = arith.constant 0 : index
    %get3A_15 = arith.constant 0 : index
    %get3A_16 = vector.load %arg5[%get3A_14, %get3A_15] : memref<256x1xf32, #tpu.memory_space<vmem>>, vector<256x1xf32>
    %mul3A_17 = vector.broadcast %get3A_16 : vector<256x1xf32> to vector<256x256xf32>
    %mul3A_18 = arith.mulf %add3A_13, %mul3A_17 : vector<256x256xf32>
    %swap3A = arith.constant 0 : index
    %swap3A_19 = arith.constant 0 : index
    %swap3A_20 = vector.load %arg6[%swap3A, %swap3A_19] : memref<256x256xf32, #tpu.memory_space<vmem>>, vector<256x256xf32>
    tpu.vector_store %arg6[%swap3A, %swap3A_19], %mul3A_18 {strides = array<i32>} : memref<256x256xf32, #tpu.memory_space<vmem>>, vector<256x256xf32>,
    return
  }
  func.func @transform_0(%arg0: i32) -> (i32, i32) {
    %c0_i32 = arith.constant 0 : i32
    %c0_i32_0 = arith.constant 0 : i32
    return %arg0, %c0_i32 : i32, i32
  }
  func.func @transform_1(%arg0: i32) -> (i32, i32) {
    %c0_i32 = arith.constant 0 : i32
    %c0_i32_0 = arith.constant 0 : i32
    %c0_i32_1 = arith.constant 0 : i32
    return %c0_i32, %c0_i32_0 : i32, i32
  }
  func.func @transform_2(%arg0: i32) -> (i32, i32) {
    %c0_i32 = arith.constant 0 : i32
    %c0_i32_0 = arith.constant 0 : i32
    %c0_i32_1 = arith.constant 0 : i32
    return %c0_i32, %c0_i32_0 : i32, i32
  }
  func.func @transform_3(%arg0: i32) -> (i32, i32) {
    %c0_i32 = arith.constant 0 : i32
    %c0_i32_0 = arith.constant 0 : i32
    return %arg0, %c0_i32 : i32, i32
  }
  func.func @transform_4(%arg0: i32) -> (i32, i32) {
    %c0_i32 = arith.constant 0 : i32
    %c0_i32_0 = arith.constant 0 : i32
    return %arg0, %c0_i32 : i32, i32
  }
  func.func @transform_5(%arg0: i32) -> (i32, i32) {
    %c0_i32 = arith.constant 0 : i32
    %c0_i32_0 = arith.constant 0 : i32
    return %arg0, %c0_i32 : i32, i32
  }
}

module attributes {stable_mosaic.version = 14 : i64} {
  func.func @body(%arg0: i32, %arg1: memref<256x1024xf32, #tpu.memory_space<vmem>>, %arg2: memref<1024x256xf32, #tpu.memory_space<vmem>>, %arg3: memref<1x256xf32, #tpu.memory_space<vmem>>, %arg4: memref<256x256xf32, #tpu.memory_space<vmem>>) attributes {dimension_semantics = [#tpu.dimension_semantics<arbitrary>], iteration_bounds = array<i64: 16>, scalar_prefetch = 0 : i64, scratch_operands = 0 : i64, tpu.core_type = #tpu.core_type<tc>, window_params = [{transform_indices = @transform_0, window_bounds = array<i64: 256, 1024>}, {pipeline_mode = #tpu.pipeline_mode<synchronous>, transform_indices = @transform_1, window_bounds = array<i64: 1024, 256>}, {pipeline_mode = #tpu.pipeline_mode<synchronous>, transform_indices = @transform_2, window_bounds = array<i64: 1, 256>}, {transform_indices = @transform_3, window_bounds = array<i64: 256, 256>}]} {
    %get3A = arith.constant 0 : index
    %get3A_0 = arith.constant 0 : index
    %get3A_1 = vector.load %arg1[%get3A, %get3A_0] : memref<256x1024xf32, #tpu.memory_space<vmem>>, vector<256x1024xf32>
    %get3A_2 = arith.constant 0 : index
    %get3A_3 = arith.constant 0 : index
    %get3A_4 = vector.load %arg2[%get3A_2, %get3A_3] : memref<1024x256xf32, #tpu.memory_space<vmem>>, vector<1024x256xf32>
    %dot_general3A = arith.constant dense<0.000000e+00> : vector<256x256xf32>
    %dot_general3A_5 = tpu.matmul %get3A_1, %get3A_4, %dot_general3A {dimension_numbers = #tpu.dot_dimension_numbers<[1], [0], [0], [1], [0, 0, 1, 1], [], []>, transpose_lhs_hint = false} : vector<256x1024xf32>, vector<1024x256xf32>, vector<256x256xf32> -> vector<256x256xf32>
    %get3A_6 = arith.constant 0 : index
    %get3A_7 = arith.constant 0 : index
    %get3A_8 = vector.load %arg3[%get3A_6, %get3A_7] : memref<1x256xf32, #tpu.memory_space<vmem>>, vector<1x256xf32>
    %add3A = vector.broadcast %get3A_8 : vector<1x256xf32> to vector<256x256xf32>
    %add3A_9 = arith.addf %dot_general3A_5, %add3A : vector<256x256xf32>
    %swap3A = arith.constant 0 : index
    %swap3A_10 = arith.constant 0 : index
    %swap3A_11 = vector.load %arg4[%swap3A, %swap3A_10] : memref<256x256xf32, #tpu.memory_space<vmem>>, vector<256x256xf32>
    tpu.vector_store %arg4[%swap3A, %swap3A_10], %add3A_9 {strides = array<i32>} : memref<256x256xf32, #tpu.memory_space<vmem>>, vector<256x256xf32>,
    return
  }
  func.func @transform_0(%arg0: i32) -> (i32, i32) {
    %c0_i32 = arith.constant 0 : i32
    %c0_i32_0 = arith.constant 0 : i32
    return %arg0, %c0_i32 : i32, i32
  }
  func.func @transform_1(%arg0: i32) -> (i32, i32) {
    %c0_i32 = arith.constant 0 : i32
    %c0_i32_0 = arith.constant 0 : i32
    %c0_i32_1 = arith.constant 0 : i32
    return %c0_i32, %c0_i32_0 : i32, i32
  }
  func.func @transform_2(%arg0: i32) -> (i32, i32) {
    %c0_i32 = arith.constant 0 : i32
    %c0_i32_0 = arith.constant 0 : i32
    %c0_i32_1 = arith.constant 0 : i32
    return %c0_i32, %c0_i32_0 : i32, i32
  }
  func.func @transform_3(%arg0: i32) -> (i32, i32) {
    %c0_i32 = arith.constant 0 : i32
    %c0_i32_0 = arith.constant 0 : i32
    return %arg0, %c0_i32 : i32, i32
  }
}

module attributes {stable_mosaic.version = 14 : i64} {
  func.func @body(%arg0: i32, %arg1: memref<256x4096xf32, #tpu.memory_space<vmem>>, %arg2: memref<4096x256xf32, #tpu.memory_space<vmem>>, %arg3: memref<256x1xf32, #tpu.memory_space<vmem>>, %arg4: memref<256x256xf32, #tpu.memory_space<vmem>>, %arg5: memref<256x256xf32, #tpu.memory_space<vmem>>) attributes {dimension_semantics = [#tpu.dimension_semantics<arbitrary>], iteration_bounds = array<i64: 4>, scalar_prefetch = 0 : i64, scratch_operands = 0 : i64, tpu.core_type = #tpu.core_type<tc>, window_params = [{transform_indices = @transform_0, window_bounds = array<i64: 256, 4096>}, {pipeline_mode = #tpu.pipeline_mode<synchronous>, transform_indices = @transform_1, window_bounds = array<i64: 4096, 256>}, {transform_indices = @transform_2, window_bounds = array<i64: 256, 1>}, {transform_indices = @transform_3, window_bounds = array<i64: 256, 256>}, {transform_indices = @transform_4, window_bounds = array<i64: 256, 256>}]} {
    %get3A = arith.constant 0 : index
    %get3A_0 = arith.constant 0 : index
    %get3A_1 = vector.load %arg1[%get3A, %get3A_0] : memref<256x4096xf32, #tpu.memory_space<vmem>>, vector<256x4096xf32>
    %get3A_2 = arith.constant 0 : index
    %get3A_3 = arith.constant 0 : index
    %get3A_4 = vector.load %arg2[%get3A_2, %get3A_3] : memref<4096x256xf32, #tpu.memory_space<vmem>>, vector<4096x256xf32>
    %dot_general3A = arith.constant dense<0.000000e+00> : vector<256x256xf32>
    %dot_general3A_5 = tpu.matmul %get3A_1, %get3A_4, %dot_general3A {dimension_numbers = #tpu.dot_dimension_numbers<[1], [0], [0], [1], [0, 0, 1, 1], [], []>, transpose_lhs_hint = false} : vector<256x4096xf32>, vector<4096x256xf32>, vector<256x256xf32> -> vector<256x256xf32>
    %get3A_6 = arith.constant 0 : index
    %get3A_7 = arith.constant 0 : index
    %get3A_8 = vector.load %arg3[%get3A_6, %get3A_7] : memref<256x1xf32, #tpu.memory_space<vmem>>, vector<256x1xf32>
    %mul3A = vector.broadcast %get3A_8 : vector<256x1xf32> to vector<256x256xf32>
    %mul3A_9 = arith.mulf %dot_general3A_5, %mul3A : vector<256x256xf32>
    %max3A = arith.constant 0.000000e+00 : f32
    %max3A_10 = vector.broadcast %max3A : f32 to vector<256x256xf32>
    %max3A_11 = arith.maximumf %mul3A_9, %max3A_10 : vector<256x256xf32>
    %swap3A = arith.constant 0 : index
    %swap3A_12 = arith.constant 0 : index
    %swap3A_13 = vector.load %arg4[%swap3A, %swap3A_12] : memref<256x256xf32, #tpu.memory_space<vmem>>, vector<256x256xf32>
    tpu.vector_store %arg4[%swap3A, %swap3A_12], %mul3A_9 {strides = array<i32>} : memref<256x256xf32, #tpu.memory_space<vmem>>, vector<256x256xf32>,
    %swap3A_14 = arith.constant 0 : index
    %swap3A_15 = arith.constant 0 : index
    %swap3A_16 = vector.load %arg5[%swap3A_14, %swap3A_15] : memref<256x256xf32, #tpu.memory_space<vmem>>, vector<256x256xf32>
    tpu.vector_store %arg5[%swap3A_14, %swap3A_15], %max3A_11 {strides = array<i32>} : memref<256x256xf32, #tpu.memory_space<vmem>>, vector<256x256xf32>,
    return
  }
  func.func @transform_0(%arg0: i32) -> (i32, i32) {
    %c0_i32 = arith.constant 0 : i32
    %c0_i32_0 = arith.constant 0 : i32
    return %arg0, %c0_i32 : i32, i32
  }
  func.func @transform_1(%arg0: i32) -> (i32, i32) {
    %c0_i32 = arith.constant 0 : i32
    %c0_i32_0 = arith.constant 0 : i32
    %c0_i32_1 = arith.constant 0 : i32
    return %c0_i32, %c0_i32_0 : i32, i32
  }
  func.func @transform_2(%arg0: i32) -> (i32, i32) {
    %c0_i32 = arith.constant 0 : i32
    %c0_i32_0 = arith.constant 0 : i32
    return %arg0, %c0_i32 : i32, i32
  }
  func.func @transform_3(%arg0: i32) -> (i32, i32) {
    %c0_i32 = arith.constant 0 : i32
    %c0_i32_0 = arith.constant 0 : i32
    return %arg0, %c0_i32 : i32, i32
  }
  func.func @transform_4(%arg0: i32) -> (i32, i32) {
    %c0_i32 = arith.constant 0 : i32
    %c0_i32_0 = arith.constant 0 : i32
    return %arg0, %c0_i32 : i32, i32
  }
}

module attributes {stable_mosaic.version = 14 : i64} {
  func.func @body(%arg0: i32, %arg1: memref<256x256xf32, #tpu.memory_space<vmem>>, %arg2: memref<256x256xf32, #tpu.memory_space<vmem>>, %arg3: memref<1x256xf32, #tpu.memory_space<vmem>>, %arg4: memref<256x1xf32, #tpu.memory_space<vmem>>, %arg5: memref<256x256xf32, #tpu.memory_space<vmem>>) attributes {dimension_semantics = [#tpu.dimension_semantics<arbitrary>], iteration_bounds = array<i64: 4>, scalar_prefetch = 0 : i64, scratch_operands = 0 : i64, tpu.core_type = #tpu.core_type<tc>, window_params = [{transform_indices = @transform_0, window_bounds = array<i64: 256, 256>}, {pipeline_mode = #tpu.pipeline_mode<synchronous>, transform_indices = @transform_1, window_bounds = array<i64: 256, 256>}, {pipeline_mode = #tpu.pipeline_mode<synchronous>, transform_indices = @transform_2, window_bounds = array<i64: 1, 256>}, {transform_indices = @transform_3, window_bounds = array<i64: 256, 1>}, {transform_indices = @transform_4, window_bounds = array<i64: 256, 256>}]} {
    %get3A = arith.constant 0 : index
    %get3A_0 = arith.constant 0 : index
    %get3A_1 = vector.load %arg1[%get3A, %get3A_0] : memref<256x256xf32, #tpu.memory_space<vmem>>, vector<256x256xf32>
    %get3A_2 = arith.constant 0 : index
    %get3A_3 = arith.constant 0 : index
    %get3A_4 = vector.load %arg2[%get3A_2, %get3A_3] : memref<256x256xf32, #tpu.memory_space<vmem>>, vector<256x256xf32>
    %dot_general3A = arith.constant dense<0.000000e+00> : vector<256x256xf32>
    %dot_general3A_5 = tpu.matmul %get3A_1, %get3A_4, %dot_general3A {dimension_numbers = #tpu.dot_dimension_numbers<[1], [0], [0], [1], [0, 0, 1, 1], [], []>, transpose_lhs_hint = false} : vector<256x256xf32>, vector<256x256xf32>, vector<256x256xf32> -> vector<256x256xf32>
    %get3A_6 = arith.constant 0 : index
    %get3A_7 = arith.constant 0 : index
    %get3A_8 = vector.load %arg3[%get3A_6, %get3A_7] : memref<1x256xf32, #tpu.memory_space<vmem>>, vector<1x256xf32>
    %add3A = vector.broadcast %get3A_8 : vector<1x256xf32> to vector<256x256xf32>
    %add3A_9 = arith.addf %dot_general3A_5, %add3A : vector<256x256xf32>
    %get3A_10 = arith.constant 0 : index
    %get3A_11 = arith.constant 0 : index
    %get3A_12 = vector.load %arg4[%get3A_10, %get3A_11] : memref<256x1xf32, #tpu.memory_space<vmem>>, vector<256x1xf32>
    %mul3A = vector.broadcast %get3A_12 : vector<256x1xf32> to vector<256x256xf32>
    %mul3A_13 = arith.mulf %add3A_9, %mul3A : vector<256x256xf32>
    %swap3A = arith.constant 0 : index
    %swap3A_14 = arith.constant 0 : index
    %swap3A_15 = vector.load %arg5[%swap3A, %swap3A_14] : memref<256x256xf32, #tpu.memory_space<vmem>>, vector<256x256xf32>
    tpu.vector_store %arg5[%swap3A, %swap3A_14], %mul3A_13 {strides = array<i32>} : memref<256x256xf32, #tpu.memory_space<vmem>>, vector<256x256xf32>,
    return
  }
  func.func @transform_0(%arg0: i32) -> (i32, i32) {
    %c0_i32 = arith.constant 0 : i32
    %c0_i32_0 = arith.constant 0 : i32
    return %arg0, %c0_i32 : i32, i32
  }
  func.func @transform_1(%arg0: i32) -> (i32, i32) {
    %c0_i32 = arith.constant 0 : i32
    %c0_i32_0 = arith.constant 0 : i32
    %c0_i32_1 = arith.constant 0 : i32
    return %c0_i32, %c0_i32_0 : i32, i32
  }
  func.func @transform_2(%arg0: i32) -> (i32, i32) {
    %c0_i32 = arith.constant 0 : i32
    %c0_i32_0 = arith.constant 0 : i32
    %c0_i32_1 = arith.constant 0 : i32
    return %c0_i32, %c0_i32_0 : i32, i32
  }
  func.func @transform_3(%arg0: i32) -> (i32, i32) {
    %c0_i32 = arith.constant 0 : i32
    %c0_i32_0 = arith.constant 0 : i32
    return %arg0, %c0_i32 : i32, i32
  }
  func.func @transform_4(%arg0: i32) -> (i32, i32) {
    %c0_i32 = arith.constant 0 : i32
    %c0_i32_0 = arith.constant 0 : i32
    return %arg0, %c0_i32 : i32, i32
  }
}

module attributes {stable_mosaic.version = 14 : i64} {
  func.func @body(%arg0: i32, %arg1: memref<256x256xf32, #tpu.memory_space<vmem>>, %arg2: memref<256x256xf32, #tpu.memory_space<vmem>>, %arg3: memref<1x256xf32, #tpu.memory_space<vmem>>, %arg4: memref<256x1xf32, #tpu.memory_space<vmem>>, %arg5: memref<256x256xf32, #tpu.memory_space<vmem>>) attributes {dimension_semantics = [#tpu.dimension_semantics<arbitrary>], iteration_bounds = array<i64: 8>, scalar_prefetch = 0 : i64, scratch_operands = 0 : i64, tpu.core_type = #tpu.core_type<tc>, window_params = [{transform_indices = @transform_0, window_bounds = array<i64: 256, 256>}, {pipeline_mode = #tpu.pipeline_mode<synchronous>, transform_indices = @transform_1, window_bounds = array<i64: 256, 256>}, {pipeline_mode = #tpu.pipeline_mode<synchronous>, transform_indices = @transform_2, window_bounds = array<i64: 1, 256>}, {transform_indices = @transform_3, window_bounds = array<i64: 256, 1>}, {transform_indices = @transform_4, window_bounds = array<i64: 256, 256>}]} {
    %get3A = arith.constant 0 : index
    %get3A_0 = arith.constant 0 : index
    %get3A_1 = vector.load %arg1[%get3A, %get3A_0] : memref<256x256xf32, #tpu.memory_space<vmem>>, vector<256x256xf32>
    %get3A_2 = arith.constant 0 : index
    %get3A_3 = arith.constant 0 : index
    %get3A_4 = vector.load %arg2[%get3A_2, %get3A_3] : memref<256x256xf32, #tpu.memory_space<vmem>>, vector<256x256xf32>
    %dot_general3A = arith.constant dense<0.000000e+00> : vector<256x256xf32>
    %dot_general3A_5 = tpu.matmul %get3A_1, %get3A_4, %dot_general3A {dimension_numbers = #tpu.dot_dimension_numbers<[1], [0], [0], [1], [0, 0, 1, 1], [], []>, transpose_lhs_hint = false} : vector<256x256xf32>, vector<256x256xf32>, vector<256x256xf32> -> vector<256x256xf32>
    %get3A_6 = arith.constant 0 : index
    %get3A_7 = arith.constant 0 : index
    %get3A_8 = vector.load %arg3[%get3A_6, %get3A_7] : memref<1x256xf32, #tpu.memory_space<vmem>>, vector<1x256xf32>
    %add3A = vector.broadcast %get3A_8 : vector<1x256xf32> to vector<256x256xf32>
    %add3A_9 = arith.addf %dot_general3A_5, %add3A : vector<256x256xf32>
    %get3A_10 = arith.constant 0 : index
    %get3A_11 = arith.constant 0 : index
    %get3A_12 = vector.load %arg4[%get3A_10, %get3A_11] : memref<256x1xf32, #tpu.memory_space<vmem>>, vector<256x1xf32>
    %mul3A = vector.broadcast %get3A_12 : vector<256x1xf32> to vector<256x256xf32>
    %mul3A_13 = arith.mulf %add3A_9, %mul3A : vector<256x256xf32>
    %swap3A = arith.constant 0 : index
    %swap3A_14 = arith.constant 0 : index
    %swap3A_15 = vector.load %arg5[%swap3A, %swap3A_14] : memref<256x256xf32, #tpu.memory_space<vmem>>, vector<256x256xf32>
    tpu.vector_store %arg5[%swap3A, %swap3A_14], %mul3A_13 {strides = array<i32>} : memref<256x256xf32, #tpu.memory_space<vmem>>, vector<256x256xf32>,
    return
  }
  func.func @transform_0(%arg0: i32) -> (i32, i32) {
    %c0_i32 = arith.constant 0 : i32
    %c0_i32_0 = arith.constant 0 : i32
    return %arg0, %c0_i32 : i32, i32
  }
  func.func @transform_1(%arg0: i32) -> (i32, i32) {
    %c0_i32 = arith.constant 0 : i32
    %c0_i32_0 = arith.constant 0 : i32
    %c0_i32_1 = arith.constant 0 : i32
    return %c0_i32, %c0_i32_0 : i32, i32
  }
  func.func @transform_2(%arg0: i32) -> (i32, i32) {
    %c0_i32 = arith.constant 0 : i32
    %c0_i32_0 = arith.constant 0 : i32
    %c0_i32_1 = arith.constant 0 : i32
    return %c0_i32, %c0_i32_0 : i32, i32
  }
  func.func @transform_3(%arg0: i32) -> (i32, i32) {
    %c0_i32 = arith.constant 0 : i32
    %c0_i32_0 = arith.constant 0 : i32
    return %arg0, %c0_i32 : i32, i32
  }
  func.func @transform_4(%arg0: i32) -> (i32, i32) {
    %c0_i32 = arith.constant 0 : i32
    %c0_i32_0 = arith.constant 0 : i32
    return %arg0, %c0_i32 : i32, i32
  }
}

module attributes {stable_mosaic.version = 14 : i64} {
  func.func @body(%arg0: i32, %arg1: memref<256x4096xf32, #tpu.memory_space<vmem>>, %arg2: memref<4096x256xf32, #tpu.memory_space<vmem>>, %arg3: memref<256x1xf32, #tpu.memory_space<vmem>>, %arg4: memref<256x256xf32, #tpu.memory_space<vmem>>, %arg5: memref<256x256xf32, #tpu.memory_space<vmem>>, %arg6: memref<256x256xf32, #tpu.memory_space<vmem>>) attributes {dimension_semantics = [#tpu.dimension_semantics<arbitrary>], iteration_bounds = array<i64: 8>, scalar_prefetch = 0 : i64, scratch_operands = 0 : i64, tpu.core_type = #tpu.core_type<tc>, window_params = [{transform_indices = @transform_0, window_bounds = array<i64: 256, 4096>}, {pipeline_mode = #tpu.pipeline_mode<synchronous>, transform_indices = @transform_1, window_bounds = array<i64: 4096, 256>}, {transform_indices = @transform_2, window_bounds = array<i64: 256, 1>}, {transform_indices = @transform_3, window_bounds = array<i64: 256, 256>}, {transform_indices = @transform_4, window_bounds = array<i64: 256, 256>}, {transform_indices = @transform_5, window_bounds = array<i64: 256, 256>}]} {
    %get3A = arith.constant 0 : index
    %get3A_0 = arith.constant 0 : index
    %get3A_1 = vector.load %arg1[%get3A, %get3A_0] : memref<256x4096xf32, #tpu.memory_space<vmem>>, vector<256x4096xf32>
    %get3A_2 = arith.constant 0 : index
    %get3A_3 = arith.constant 0 : index
    %get3A_4 = vector.load %arg2[%get3A_2, %get3A_3] : memref<4096x256xf32, #tpu.memory_space<vmem>>, vector<4096x256xf32>
    %dot_general3A = arith.constant dense<0.000000e+00> : vector<256x256xf32>
    %dot_general3A_5 = tpu.matmul %get3A_1, %get3A_4, %dot_general3A {dimension_numbers = #tpu.dot_dimension_numbers<[1], [0], [0], [1], [0, 0, 1, 1], [], []>, transpose_lhs_hint = false} : vector<256x4096xf32>, vector<4096x256xf32>, vector<256x256xf32> -> vector<256x256xf32>
    %get3A_6 = arith.constant 0 : index
    %get3A_7 = arith.constant 0 : index
    %get3A_8 = vector.load %arg3[%get3A_6, %get3A_7] : memref<256x1xf32, #tpu.memory_space<vmem>>, vector<256x1xf32>
    %mul3A = vector.broadcast %get3A_8 : vector<256x1xf32> to vector<256x256xf32>
    %mul3A_9 = arith.mulf %dot_general3A_5, %mul3A : vector<256x256xf32>
    %max3A = arith.constant 0.000000e+00 : f32
    %max3A_10 = vector.broadcast %max3A : f32 to vector<256x256xf32>
    %max3A_11 = arith.maximumf %mul3A_9, %max3A_10 : vector<256x256xf32>
    %get3A_12 = arith.constant 0 : index
    %get3A_13 = arith.constant 0 : index
    %get3A_14 = vector.load %arg4[%get3A_12, %get3A_13] : memref<256x256xf32, #tpu.memory_space<vmem>>, vector<256x256xf32>
    %add3A = arith.addf %max3A_11, %get3A_14 : vector<256x256xf32>
    %swap3A = arith.constant 0 : index
    %swap3A_15 = arith.constant 0 : index
    %swap3A_16 = vector.load %arg5[%swap3A, %swap3A_15] : memref<256x256xf32, #tpu.memory_space<vmem>>, vector<256x256xf32>
    tpu.vector_store %arg5[%swap3A, %swap3A_15], %mul3A_9 {strides = array<i32>} : memref<256x256xf32, #tpu.memory_space<vmem>>, vector<256x256xf32>,
    %swap3A_17 = arith.constant 0 : index
    %swap3A_18 = arith.constant 0 : index
    %swap3A_19 = vector.load %arg6[%swap3A_17, %swap3A_18] : memref<256x256xf32, #tpu.memory_space<vmem>>, vector<256x256xf32>
    tpu.vector_store %arg6[%swap3A_17, %swap3A_18], %add3A {strides = array<i32>} : memref<256x256xf32, #tpu.memory_space<vmem>>, vector<256x256xf32>,
    return
  }
  func.func @transform_0(%arg0: i32) -> (i32, i32) {
    %c0_i32 = arith.constant 0 : i32
    %c0_i32_0 = arith.constant 0 : i32
    return %arg0, %c0_i32 : i32, i32
  }
  func.func @transform_1(%arg0: i32) -> (i32, i32) {
    %c0_i32 = arith.constant 0 : i32
    %c0_i32_0 = arith.constant 0 : i32
    %c0_i32_1 = arith.constant 0 : i32
    return %c0_i32, %c0_i32_0 : i32, i32
  }
  func.func @transform_2(%arg0: i32) -> (i32, i32) {
    %c0_i32 = arith.constant 0 : i32
    %c0_i32_0 = arith.constant 0 : i32
    return %arg0, %c0_i32 : i32, i32
  }
  func.func @transform_3(%arg0: i32) -> (i32, i32) {
    %c0_i32 = arith.constant 0 : i32
    %c0_i32_0 = arith.constant 0 : i32
    return %arg0, %c0_i32 : i32, i32
  }
  func.func @transform_4(%arg0: i32) -> (i32, i32) {
    %c0_i32 = arith.constant 0 : i32
    %c0_i32_0 = arith.constant 0 : i32
    return %arg0, %c0_i32 : i32, i32
  }
  func.func @transform_5(%arg0: i32) -> (i32, i32) {
    %c0_i32 = arith.constant 0 : i32
    %c0_i32_0 = arith.constant 0 : i32
    return %arg0, %c0_i32 : i32, i32
  }
}

module attributes {stable_mosaic.version = 14 : i64} {
  func.func @body(%arg0: i32, %arg1: memref<256x4096xf32, #tpu.memory_space<vmem>>, %arg2: memref<4096x256xf32, #tpu.memory_space<vmem>>, %arg3: memref<256x1xf32, #tpu.memory_space<vmem>>, %arg4: memref<256x256xf32, #tpu.memory_space<vmem>>, %arg5: memref<256x256xf32, #tpu.memory_space<vmem>>, %arg6: memref<256x256xf32, #tpu.memory_space<vmem>>) attributes {dimension_semantics = [#tpu.dimension_semantics<arbitrary>], iteration_bounds = array<i64: 13>, scalar_prefetch = 0 : i64, scratch_operands = 0 : i64, tpu.core_type = #tpu.core_type<tc>, window_params = [{transform_indices = @transform_0, window_bounds = array<i64: 256, 4096>}, {pipeline_mode = #tpu.pipeline_mode<synchronous>, transform_indices = @transform_1, window_bounds = array<i64: 4096, 256>}, {transform_indices = @transform_2, window_bounds = array<i64: 256, 1>}, {transform_indices = @transform_3, window_bounds = array<i64: 256, 256>}, {transform_indices = @transform_4, window_bounds = array<i64: 256, 256>}, {transform_indices = @transform_5, window_bounds = array<i64: 256, 256>}]} {
    %get3A = arith.constant 0 : index
    %get3A_0 = arith.constant 0 : index
    %get3A_1 = vector.load %arg1[%get3A, %get3A_0] : memref<256x4096xf32, #tpu.memory_space<vmem>>, vector<256x4096xf32>
    %get3A_2 = arith.constant 0 : index
    %get3A_3 = arith.constant 0 : index
    %get3A_4 = vector.load %arg2[%get3A_2, %get3A_3] : memref<4096x256xf32, #tpu.memory_space<vmem>>, vector<4096x256xf32>
    %dot_general3A = arith.constant dense<0.000000e+00> : vector<256x256xf32>
    %dot_general3A_5 = tpu.matmul %get3A_1, %get3A_4, %dot_general3A {dimension_numbers = #tpu.dot_dimension_numbers<[1], [0], [0], [1], [0, 0, 1, 1], [], []>, transpose_lhs_hint = false} : vector<256x4096xf32>, vector<4096x256xf32>, vector<256x256xf32> -> vector<256x256xf32>
    %get3A_6 = arith.constant 0 : index
    %get3A_7 = arith.constant 0 : index
    %get3A_8 = vector.load %arg3[%get3A_6, %get3A_7] : memref<256x1xf32, #tpu.memory_space<vmem>>, vector<256x1xf32>
    %mul3A = vector.broadcast %get3A_8 : vector<256x1xf32> to vector<256x256xf32>
    %mul3A_9 = arith.mulf %dot_general3A_5, %mul3A : vector<256x256xf32>
    %max3A = arith.constant 0.000000e+00 : f32
    %max3A_10 = vector.broadcast %max3A : f32 to vector<256x256xf32>
    %max3A_11 = arith.maximumf %mul3A_9, %max3A_10 : vector<256x256xf32>
    %get3A_12 = arith.constant 0 : index
    %get3A_13 = arith.constant 0 : index
    %get3A_14 = vector.load %arg4[%get3A_12, %get3A_13] : memref<256x256xf32, #tpu.memory_space<vmem>>, vector<256x256xf32>
    %add3A = arith.addf %max3A_11, %get3A_14 : vector<256x256xf32>
    %swap3A = arith.constant 0 : index
    %swap3A_15 = arith.constant 0 : index
    %swap3A_16 = vector.load %arg5[%swap3A, %swap3A_15] : memref<256x256xf32, #tpu.memory_space<vmem>>, vector<256x256xf32>
    tpu.vector_store %arg5[%swap3A, %swap3A_15], %mul3A_9 {strides = array<i32>} : memref<256x256xf32, #tpu.memory_space<vmem>>, vector<256x256xf32>,
    %swap3A_17 = arith.constant 0 : index
    %swap3A_18 = arith.constant 0 : index
    %swap3A_19 = vector.load %arg6[%swap3A_17, %swap3A_18] : memref<256x256xf32, #tpu.memory_space<vmem>>, vector<256x256xf32>
    tpu.vector_store %arg6[%swap3A_17, %swap3A_18], %add3A {strides = array<i32>} : memref<256x256xf32, #tpu.memory_space<vmem>>, vector<256x256xf32>,
    return
  }
  func.func @transform_0(%arg0: i32) -> (i32, i32) {
    %c0_i32 = arith.constant 0 : i32
    %c0_i32_0 = arith.constant 0 : i32
    return %arg0, %c0_i32 : i32, i32
  }
  func.func @transform_1(%arg0: i32) -> (i32, i32) {
    %c0_i32 = arith.constant 0 : i32
    %c0_i32_0 = arith.constant 0 : i32
    %c0_i32_1 = arith.constant 0 : i32
    return %c0_i32, %c0_i32_0 : i32, i32
  }
  func.func @transform_2(%arg0: i32) -> (i32, i32) {
    %c0_i32 = arith.constant 0 : i32
    %c0_i32_0 = arith.constant 0 : i32
    return %arg0, %c0_i32 : i32, i32
  }
  func.func @transform_3(%arg0: i32) -> (i32, i32) {
    %c0_i32 = arith.constant 0 : i32
    %c0_i32_0 = arith.constant 0 : i32
    return %arg0, %c0_i32 : i32, i32
  }
  func.func @transform_4(%arg0: i32) -> (i32, i32) {
    %c0_i32 = arith.constant 0 : i32
    %c0_i32_0 = arith.constant 0 : i32
    return %arg0, %c0_i32 : i32, i32
  }
  func.func @transform_5(%arg0: i32) -> (i32, i32) {
    %c0_i32 = arith.constant 0 : i32
    %c0_i32_0 = arith.constant 0 : i32
    return %arg0, %c0_i32 : i32, i32
  }
}

module attributes {stable_mosaic.version = 14 : i64} {
  func.func @body(%arg0: i32, %arg1: memref<256x256xf32, #tpu.memory_space<vmem>>, %arg2: memref<256x256xf32, #tpu.memory_space<vmem>>, %arg3: memref<1x256xf32, #tpu.memory_space<vmem>>, %arg4: memref<256x1xf32, #tpu.memory_space<vmem>>, %arg5: memref<256x256xf32, #tpu.memory_space<vmem>>) attributes {dimension_semantics = [#tpu.dimension_semantics<arbitrary>], iteration_bounds = array<i64: 13>, scalar_prefetch = 0 : i64, scratch_operands = 0 : i64, tpu.core_type = #tpu.core_type<tc>, window_params = [{transform_indices = @transform_0, window_bounds = array<i64: 256, 256>}, {pipeline_mode = #tpu.pipeline_mode<synchronous>, transform_indices = @transform_1, window_bounds = array<i64: 256, 256>}, {pipeline_mode = #tpu.pipeline_mode<synchronous>, transform_indices = @transform_2, window_bounds = array<i64: 1, 256>}, {transform_indices = @transform_3, window_bounds = array<i64: 256, 1>}, {transform_indices = @transform_4, window_bounds = array<i64: 256, 256>}]} {
    %get3A = arith.constant 0 : index
    %get3A_0 = arith.constant 0 : index
    %get3A_1 = vector.load %arg1[%get3A, %get3A_0] : memref<256x256xf32, #tpu.memory_space<vmem>>, vector<256x256xf32>
    %get3A_2 = arith.constant 0 : index
    %get3A_3 = arith.constant 0 : index
    %get3A_4 = vector.load %arg2[%get3A_2, %get3A_3] : memref<256x256xf32, #tpu.memory_space<vmem>>, vector<256x256xf32>
    %dot_general3A = arith.constant dense<0.000000e+00> : vector<256x256xf32>
    %dot_general3A_5 = tpu.matmul %get3A_1, %get3A_4, %dot_general3A {dimension_numbers = #tpu.dot_dimension_numbers<[1], [0], [0], [1], [0, 0, 1, 1], [], []>, transpose_lhs_hint = false} : vector<256x256xf32>, vector<256x256xf32>, vector<256x256xf32> -> vector<256x256xf32>
    %get3A_6 = arith.constant 0 : index
    %get3A_7 = arith.constant 0 : index
    %get3A_8 = vector.load %arg3[%get3A_6, %get3A_7] : memref<1x256xf32, #tpu.memory_space<vmem>>, vector<1x256xf32>
    %add3A = vector.broadcast %get3A_8 : vector<1x256xf32> to vector<256x256xf32>
    %add3A_9 = arith.addf %dot_general3A_5, %add3A : vector<256x256xf32>
    %get3A_10 = arith.constant 0 : index
    %get3A_11 = arith.constant 0 : index
    %get3A_12 = vector.load %arg4[%get3A_10, %get3A_11] : memref<256x1xf32, #tpu.memory_space<vmem>>, vector<256x1xf32>
    %mul3A = vector.broadcast %get3A_12 : vector<256x1xf32> to vector<256x256xf32>
    %mul3A_13 = arith.mulf %add3A_9, %mul3A : vector<256x256xf32>
    %swap3A = arith.constant 0 : index
    %swap3A_14 = arith.constant 0 : index
    %swap3A_15 = vector.load %arg5[%swap3A, %swap3A_14] : memref<256x256xf32, #tpu.memory_space<vmem>>, vector<256x256xf32>
    tpu.vector_store %arg5[%swap3A, %swap3A_14], %mul3A_13 {strides = array<i32>} : memref<256x256xf32, #tpu.memory_space<vmem>>, vector<256x256xf32>,
    return
  }
  func.func @transform_0(%arg0: i32) -> (i32, i32) {
    %c0_i32 = arith.constant 0 : i32
    %c0_i32_0 = arith.constant 0 : i32
    return %arg0, %c0_i32 : i32, i32
  }
  func.func @transform_1(%arg0: i32) -> (i32, i32) {
    %c0_i32 = arith.constant 0 : i32
    %c0_i32_0 = arith.constant 0 : i32
    %c0_i32_1 = arith.constant 0 : i32
    return %c0_i32, %c0_i32_0 : i32, i32
  }
  func.func @transform_2(%arg0: i32) -> (i32, i32) {
    %c0_i32 = arith.constant 0 : i32
    %c0_i32_0 = arith.constant 0 : i32
    %c0_i32_1 = arith.constant 0 : i32
    return %c0_i32, %c0_i32_0 : i32, i32
  }
  func.func @transform_3(%arg0: i32) -> (i32, i32) {
    %c0_i32 = arith.constant 0 : i32
    %c0_i32_0 = arith.constant 0 : i32
    return %arg0, %c0_i32 : i32, i32
  }
  func.func @transform_4(%arg0: i32) -> (i32, i32) {
    %c0_i32 = arith.constant 0 : i32
    %c0_i32_0 = arith.constant 0 : i32
    return %arg0, %c0_i32 : i32, i32
  }
}

module attributes {stable_mosaic.version = 14 : i64} {
  func.func @body(%arg0: i32, %arg1: memref<4096x256xf32, #tpu.memory_space<vmem>>, %arg2: memref<4096x256xf32, #tpu.memory_space<vmem>>, %arg3: memref<256x1xf32, #tpu.memory_space<vmem>>, %arg4: memref<256x256xf32, #tpu.memory_space<vmem>>, %arg5: memref<256x256xf32, #tpu.memory_space<vmem>>, %arg6: memref<256x256xf32, #tpu.memory_space<vmem>>) attributes {dimension_semantics = [#tpu.dimension_semantics<arbitrary>], iteration_bounds = array<i64: 16>, scalar_prefetch = 0 : i64, scratch_operands = 0 : i64, tpu.core_type = #tpu.core_type<tc>, window_params = [{transform_indices = @transform_0, window_bounds = array<i64: 4096, 256>}, {pipeline_mode = #tpu.pipeline_mode<synchronous>, transform_indices = @transform_1, window_bounds = array<i64: 4096, 256>}, {transform_indices = @transform_2, window_bounds = array<i64: 256, 1>}, {transform_indices = @transform_3, window_bounds = array<i64: 256, 256>}, {transform_indices = @transform_4, window_bounds = array<i64: 256, 256>}, {transform_indices = @transform_5, window_bounds = array<i64: 256, 256>}]} {
    %get3A = arith.constant 0 : index
    %get3A_0 = arith.constant 0 : index
    %get3A_1 = vector.load %arg1[%get3A, %get3A_0] : memref<4096x256xf32, #tpu.memory_space<vmem>>, vector<4096x256xf32>
    %get3A_2 = arith.constant 0 : index
    %get3A_3 = arith.constant 0 : index
    %get3A_4 = vector.load %arg2[%get3A_2, %get3A_3] : memref<4096x256xf32, #tpu.memory_space<vmem>>, vector<4096x256xf32>
    %dot_general3A = arith.constant dense<0.000000e+00> : vector<256x256xf32>
    %dot_general3A_5 = tpu.matmul %get3A_1, %get3A_4, %dot_general3A {dimension_numbers = #tpu.dot_dimension_numbers<[0], [0], [1], [1], [0, 1, 1, 1], [], []>, transpose_lhs_hint = false} : vector<4096x256xf32>, vector<4096x256xf32>, vector<256x256xf32> -> vector<256x256xf32>
    %get3A_6 = arith.constant 0 : index
    %get3A_7 = arith.constant 0 : index
    %get3A_8 = vector.load %arg3[%get3A_6, %get3A_7] : memref<256x1xf32, #tpu.memory_space<vmem>>, vector<256x1xf32>
    %mul3A = vector.broadcast %get3A_8 : vector<256x1xf32> to vector<256x256xf32>
    %mul3A_9 = arith.mulf %dot_general3A_5, %mul3A : vector<256x256xf32>
    %max3A = arith.constant 0.000000e+00 : f32
    %max3A_10 = vector.broadcast %max3A : f32 to vector<256x256xf32>
    %max3A_11 = arith.maximumf %mul3A_9, %max3A_10 : vector<256x256xf32>
    %get3A_12 = arith.constant 0 : index
    %get3A_13 = arith.constant 0 : index
    %get3A_14 = vector.load %arg4[%get3A_12, %get3A_13] : memref<256x256xf32, #tpu.memory_space<vmem>>, vector<256x256xf32>
    %add3A = arith.addf %max3A_11, %get3A_14 : vector<256x256xf32>
    %swap3A = arith.constant 0 : index
    %swap3A_15 = arith.constant 0 : index
    %swap3A_16 = vector.load %arg5[%swap3A, %swap3A_15] : memref<256x256xf32, #tpu.memory_space<vmem>>, vector<256x256xf32>
    tpu.vector_store %arg5[%swap3A, %swap3A_15], %mul3A_9 {strides = array<i32>} : memref<256x256xf32, #tpu.memory_space<vmem>>, vector<256x256xf32>,
    %swap3A_17 = arith.constant 0 : index
    %swap3A_18 = arith.constant 0 : index
    %swap3A_19 = vector.load %arg6[%swap3A_17, %swap3A_18] : memref<256x256xf32, #tpu.memory_space<vmem>>, vector<256x256xf32>
    tpu.vector_store %arg6[%swap3A_17, %swap3A_18], %add3A {strides = array<i32>} : memref<256x256xf32, #tpu.memory_space<vmem>>, vector<256x256xf32>,
    return
  }
  func.func @transform_0(%arg0: i32) -> (i32, i32) {
    %c0_i32 = arith.constant 0 : i32
    %c0_i32_0 = arith.constant 0 : i32
    return %c0_i32, %arg0 : i32, i32
  }
  func.func @transform_1(%arg0: i32) -> (i32, i32) {
    %c0_i32 = arith.constant 0 : i32
    %c0_i32_0 = arith.constant 0 : i32
    %c0_i32_1 = arith.constant 0 : i32
    return %c0_i32, %c0_i32_0 : i32, i32
  }
  func.func @transform_2(%arg0: i32) -> (i32, i32) {
    %c0_i32 = arith.constant 0 : i32
    %c0_i32_0 = arith.constant 0 : i32
    return %arg0, %c0_i32 : i32, i32
  }
  func.func @transform_3(%arg0: i32) -> (i32, i32) {
    %c0_i32 = arith.constant 0 : i32
    %c0_i32_0 = arith.constant 0 : i32
    return %arg0, %c0_i32 : i32, i32
  }
  func.func @transform_4(%arg0: i32) -> (i32, i32) {
    %c0_i32 = arith.constant 0 : i32
    %c0_i32_0 = arith.constant 0 : i32
    return %arg0, %c0_i32 : i32, i32
  }
  func.func @transform_5(%arg0: i32) -> (i32, i32) {
    %c0_i32 = arith.constant 0 : i32
    %c0_i32_0 = arith.constant 0 : i32
    return %arg0, %c0_i32 : i32, i32
  }
}

module attributes {stable_mosaic.version = 14 : i64} {
  func.func @body(%arg0: i32, %arg1: memref<256x256xf32, #tpu.memory_space<vmem>>, %arg2: memref<4096x256xf32, #tpu.memory_space<vmem>>, %arg3: memref<256x4096xf32, #tpu.memory_space<vmem>>, %arg4: memref<8x128xf32, #tpu.memory_space<vmem>>) attributes {dimension_semantics = [#tpu.dimension_semantics<arbitrary>], iteration_bounds = array<i64: 16>, scalar_prefetch = 0 : i64, scratch_operands = 0 : i64, tpu.core_type = #tpu.core_type<tc>, window_params = [{transform_indices = @transform_0, window_bounds = array<i64: 256, 256>}, {pipeline_mode = #tpu.pipeline_mode<synchronous>, transform_indices = @transform_1, window_bounds = array<i64: 4096, 256>}, {transform_indices = @transform_2, window_bounds = array<i64: 256, 4096>}, {pipeline_mode = #tpu.pipeline_mode<synchronous>, transform_indices = @transform_3, window_bounds = array<i64: 8, 128>}]} {
    %eq3A = arith.constant 0 : i32
    %eq3A_0 = arith.cmpi eq, %arg0, %eq3A : i32
    %convert_element_type3A = arith.extui %eq3A_0 : i1 to i32
    %cond3A = arith.constant 0 : i32
    %cond3A_1 = arith.cmpi ne, %convert_element_type3A, %cond3A : i32
    scf.if %cond3A_1 {
      %broadcast_in_dim3A_146 = arith.constant 0.000000e+00 : f32
      %broadcast_in_dim3A_147 = vector.broadcast %broadcast_in_dim3A_146 : f32 to vector<8x128xf32>
      %swap3A_148 = arith.constant 0 : index
      %swap3A_149 = arith.constant 0 : index
      %swap3A_150 = vector.load %arg4[%swap3A_148, %swap3A_149] : memref<8x128xf32, #tpu.memory_space<vmem>>, vector<8x128xf32>
      tpu.vector_store %arg4[%swap3A_148, %swap3A_149], %broadcast_in_dim3A_147 {strides = array<i32>} : memref<8x128xf32, #tpu.memory_space<vmem>>, vector<8x128xf32>,
    } else {
    }
    %get3A = arith.constant 0 : index
    %get3A_2 = arith.constant 0 : index
    %get3A_3 = vector.load %arg1[%get3A, %get3A_2] : memref<256x256xf32, #tpu.memory_space<vmem>>, vector<256x256xf32>
    %get3A_4 = arith.constant 0 : index
    %get3A_5 = arith.constant 0 : index
    %get3A_6 = vector.load %arg2[%get3A_4, %get3A_5] : memref<4096x256xf32, #tpu.memory_space<vmem>>, vector<1024x256xf32>
    %dot_general3A = arith.constant dense<0.000000e+00> : vector<256x1024xf32>
    %dot_general3A_7 = tpu.matmul %get3A_3, %get3A_6, %dot_general3A {dimension_numbers = #tpu.dot_dimension_numbers<[1], [1], [0], [0], [0, 0, 1, 0], [], []>, transpose_lhs_hint = false} : vector<256x256xf32>, vector<1024x256xf32>, vector<256x1024xf32> -> vector<256x1024xf32>
    %logistic3A = arith.negf %dot_general3A_7 : vector<256x1024xf32>
    %logistic3A_8 = math.exp %logistic3A : vector<256x1024xf32>
    %logistic3A_9 = arith.constant 1.000000e+00 : f32
    %logistic3A_10 = vector.broadcast %logistic3A_9 : f32 to vector<256x1024xf32>
    %logistic3A_11 = arith.addf %logistic3A_10, %logistic3A_8 : vector<256x1024xf32>
    %logistic3A_12 = arith.divf %logistic3A_10, %logistic3A_11 : vector<256x1024xf32>
    %jit3A = arith.constant 1.000000e-07 : f32
    %jit3A_13 = arith.constant 0.99999988 : f32
    %max3A = vector.broadcast %jit3A : f32 to vector<256x1024xf32>
    %max3A_14 = arith.maximumf %max3A, %logistic3A_12 : vector<256x1024xf32>
    %min3A = vector.broadcast %jit3A_13 : f32 to vector<256x1024xf32>
    %min3A_15 = arith.minimumf %min3A, %max3A_14 : vector<256x1024xf32>
    %get3A_16 = arith.constant 0 : index
    %get3A_17 = arith.constant 0 : index
    %get3A_18 = vector.load %arg3[%get3A_16, %get3A_17] : memref<256x4096xf32, #tpu.memory_space<vmem>>, vector<256x1024xf32>
    %gt3A = arith.constant 0.000000e+00 : f32
    %gt3A_19 = vector.broadcast %gt3A : f32 to vector<256x1024xf32>
    %gt3A_20 = arith.cmpf ogt, %get3A_18, %gt3A_19 : vector<256x1024xf32>
    %log3A = math.log %min3A_15 : vector<256x1024xf32>
    %sub3A = arith.constant 1.000000e+00 : f32
    %sub3A_21 = vector.broadcast %sub3A : f32 to vector<256x1024xf32>
    %sub3A_22 = arith.subf %sub3A_21, %min3A_15 : vector<256x1024xf32>
    %log3A_23 = math.log %sub3A_22 : vector<256x1024xf32>
    %select_n3A = arith.select %gt3A_20, %log3A, %log3A_23 : vector<256x1024xi1>, vector<256x1024xf32>
    %reduce_sum3A = vector.shape_cast %select_n3A : vector<256x1024xf32> to vector<1x256x1024xf32>
    %reduce_sum3A_24 = arith.constant dense<0.000000e+00> : vector<1xf32>
    %reduce_sum3A_25 = vector.multi_reduction <add>, %reduce_sum3A, %reduce_sum3A_24 [1, 2] : vector<1x256x1024xf32> to vector<1xf32>
    %reduce_sum3A_26 = vector.shape_cast %reduce_sum3A_25 : vector<1xf32> to vector<1x1x1xf32>
    %reduce_sum3A_27 = vector.extract %reduce_sum3A_26[0, 0, 0] : f32 from vector<1x1x1xf32>
    %add3A = arith.constant 0.000000e+00 : f32
    %add3A_28 = arith.addf %add3A, %reduce_sum3A_27 : f32
    %get3A_29 = arith.constant 1024 : index
    %get3A_30 = arith.constant 0 : index
    %get3A_31 = vector.load %arg2[%get3A_29, %get3A_30] : memref<4096x256xf32, #tpu.memory_space<vmem>>, vector<1024x256xf32>
    %dot_general3A_32 = arith.constant dense<0.000000e+00> : vector<256x1024xf32>
    %dot_general3A_33 = tpu.matmul %get3A_3, %get3A_31, %dot_general3A_32 {dimension_numbers = #tpu.dot_dimension_numbers<[1], [1], [0], [0], [0, 0, 1, 0], [], []>, transpose_lhs_hint = false} : vector<256x256xf32>, vector<1024x256xf32>, vector<256x1024xf32> -> vector<256x1024xf32>
    %logistic3A_34 = arith.negf %dot_general3A_33 : vector<256x1024xf32>
    %logistic3A_35 = math.exp %logistic3A_34 : vector<256x1024xf32>
    %logistic3A_36 = arith.constant 1.000000e+00 : f32
    %logistic3A_37 = vector.broadcast %logistic3A_36 : f32 to vector<256x1024xf32>
    %logistic3A_38 = arith.addf %logistic3A_37, %logistic3A_35 : vector<256x1024xf32>
    %logistic3A_39 = arith.divf %logistic3A_37, %logistic3A_38 : vector<256x1024xf32>
    %jit3A_40 = arith.constant 1.000000e-07 : f32
    %jit3A_41 = arith.constant 0.99999988 : f32
    %max3A_42 = vector.broadcast %jit3A_40 : f32 to vector<256x1024xf32>
    %max3A_43 = arith.maximumf %max3A_42, %logistic3A_39 : vector<256x1024xf32>
    %min3A_44 = vector.broadcast %jit3A_41 : f32 to vector<256x1024xf32>
    %min3A_45 = arith.minimumf %min3A_44, %max3A_43 : vector<256x1024xf32>
    %get3A_46 = arith.constant 0 : index
    %get3A_47 = arith.constant 1024 : index
    %get3A_48 = vector.load %arg3[%get3A_46, %get3A_47] : memref<256x4096xf32, #tpu.memory_space<vmem>>, vector<256x1024xf32>
    %gt3A_49 = arith.constant 0.000000e+00 : f32
    %gt3A_50 = vector.broadcast %gt3A_49 : f32 to vector<256x1024xf32>
    %gt3A_51 = arith.cmpf ogt, %get3A_48, %gt3A_50 : vector<256x1024xf32>
    %log3A_52 = math.log %min3A_45 : vector<256x1024xf32>
    %sub3A_53 = arith.constant 1.000000e+00 : f32
    %sub3A_54 = vector.broadcast %sub3A_53 : f32 to vector<256x1024xf32>
    %sub3A_55 = arith.subf %sub3A_54, %min3A_45 : vector<256x1024xf32>
    %log3A_56 = math.log %sub3A_55 : vector<256x1024xf32>
    %select_n3A_57 = arith.select %gt3A_51, %log3A_52, %log3A_56 : vector<256x1024xi1>, vector<256x1024xf32>
    %reduce_sum3A_58 = vector.shape_cast %select_n3A_57 : vector<256x1024xf32> to vector<1x256x1024xf32>
    %reduce_sum3A_59 = arith.constant dense<0.000000e+00> : vector<1xf32>
    %reduce_sum3A_60 = vector.multi_reduction <add>, %reduce_sum3A_58, %reduce_sum3A_59 [1, 2] : vector<1x256x1024xf32> to vector<1xf32>
    %reduce_sum3A_61 = vector.shape_cast %reduce_sum3A_60 : vector<1xf32> to vector<1x1x1xf32>
    %reduce_sum3A_62 = vector.extract %reduce_sum3A_61[0, 0, 0] : f32 from vector<1x1x1xf32>
    %add3A_63 = arith.addf %add3A_28, %reduce_sum3A_62 : f32
    %get3A_64 = arith.constant 2048 : index
    %get3A_65 = arith.constant 0 : index
    %get3A_66 = vector.load %arg2[%get3A_64, %get3A_65] : memref<4096x256xf32, #tpu.memory_space<vmem>>, vector<1024x256xf32>
    %dot_general3A_67 = arith.constant dense<0.000000e+00> : vector<256x1024xf32>
    %dot_general3A_68 = tpu.matmul %get3A_3, %get3A_66, %dot_general3A_67 {dimension_numbers = #tpu.dot_dimension_numbers<[1], [1], [0], [0], [0, 0, 1, 0], [], []>, transpose_lhs_hint = false} : vector<256x256xf32>, vector<1024x256xf32>, vector<256x1024xf32> -> vector<256x1024xf32>
    %logistic3A_69 = arith.negf %dot_general3A_68 : vector<256x1024xf32>
    %logistic3A_70 = math.exp %logistic3A_69 : vector<256x1024xf32>
    %logistic3A_71 = arith.constant 1.000000e+00 : f32
    %logistic3A_72 = vector.broadcast %logistic3A_71 : f32 to vector<256x1024xf32>
    %logistic3A_73 = arith.addf %logistic3A_72, %logistic3A_70 : vector<256x1024xf32>
    %logistic3A_74 = arith.divf %logistic3A_72, %logistic3A_73 : vector<256x1024xf32>
    %jit3A_75 = arith.constant 1.000000e-07 : f32
    %jit3A_76 = arith.constant 0.99999988 : f32
    %max3A_77 = vector.broadcast %jit3A_75 : f32 to vector<256x1024xf32>
    %max3A_78 = arith.maximumf %max3A_77, %logistic3A_74 : vector<256x1024xf32>
    %min3A_79 = vector.broadcast %jit3A_76 : f32 to vector<256x1024xf32>
    %min3A_80 = arith.minimumf %min3A_79, %max3A_78 : vector<256x1024xf32>
    %get3A_81 = arith.constant 0 : index
    %get3A_82 = arith.constant 2048 : index
    %get3A_83 = vector.load %arg3[%get3A_81, %get3A_82] : memref<256x4096xf32, #tpu.memory_space<vmem>>, vector<256x1024xf32>
    %gt3A_84 = arith.constant 0.000000e+00 : f32
    %gt3A_85 = vector.broadcast %gt3A_84 : f32 to vector<256x1024xf32>
    %gt3A_86 = arith.cmpf ogt, %get3A_83, %gt3A_85 : vector<256x1024xf32>
    %log3A_87 = math.log %min3A_80 : vector<256x1024xf32>
    %sub3A_88 = arith.constant 1.000000e+00 : f32
    %sub3A_89 = vector.broadcast %sub3A_88 : f32 to vector<256x1024xf32>
    %sub3A_90 = arith.subf %sub3A_89, %min3A_80 : vector<256x1024xf32>
    %log3A_91 = math.log %sub3A_90 : vector<256x1024xf32>
    %select_n3A_92 = arith.select %gt3A_86, %log3A_87, %log3A_91 : vector<256x1024xi1>, vector<256x1024xf32>
    %reduce_sum3A_93 = vector.shape_cast %select_n3A_92 : vector<256x1024xf32> to vector<1x256x1024xf32>
    %reduce_sum3A_94 = arith.constant dense<0.000000e+00> : vector<1xf32>
    %reduce_sum3A_95 = vector.multi_reduction <add>, %reduce_sum3A_93, %reduce_sum3A_94 [1, 2] : vector<1x256x1024xf32> to vector<1xf32>
    %reduce_sum3A_96 = vector.shape_cast %reduce_sum3A_95 : vector<1xf32> to vector<1x1x1xf32>
    %reduce_sum3A_97 = vector.extract %reduce_sum3A_96[0, 0, 0] : f32 from vector<1x1x1xf32>
    %add3A_98 = arith.addf %add3A_63, %reduce_sum3A_97 : f32
    %get3A_99 = arith.constant 3072 : index
    %get3A_100 = arith.constant 0 : index
    %get3A_101 = vector.load %arg2[%get3A_99, %get3A_100] : memref<4096x256xf32, #tpu.memory_space<vmem>>, vector<1024x256xf32>
    %dot_general3A_102 = arith.constant dense<0.000000e+00> : vector<256x1024xf32>
    %dot_general3A_103 = tpu.matmul %get3A_3, %get3A_101, %dot_general3A_102 {dimension_numbers = #tpu.dot_dimension_numbers<[1], [1], [0], [0], [0, 0, 1, 0], [], []>, transpose_lhs_hint = false} : vector<256x256xf32>, vector<1024x256xf32>, vector<256x1024xf32> -> vector<256x1024xf32>
    %logistic3A_104 = arith.negf %dot_general3A_103 : vector<256x1024xf32>
    %logistic3A_105 = math.exp %logistic3A_104 : vector<256x1024xf32>
    %logistic3A_106 = arith.constant 1.000000e+00 : f32
    %logistic3A_107 = vector.broadcast %logistic3A_106 : f32 to vector<256x1024xf32>
    %logistic3A_108 = arith.addf %logistic3A_107, %logistic3A_105 : vector<256x1024xf32>
    %logistic3A_109 = arith.divf %logistic3A_107, %logistic3A_108 : vector<256x1024xf32>
    %jit3A_110 = arith.constant 1.000000e-07 : f32
    %jit3A_111 = arith.constant 0.99999988 : f32
    %max3A_112 = vector.broadcast %jit3A_110 : f32 to vector<256x1024xf32>
    %max3A_113 = arith.maximumf %max3A_112, %logistic3A_109 : vector<256x1024xf32>
    %min3A_114 = vector.broadcast %jit3A_111 : f32 to vector<256x1024xf32>
    %min3A_115 = arith.minimumf %min3A_114, %max3A_113 : vector<256x1024xf32>
    %get3A_116 = arith.constant 0 : index
    %get3A_117 = arith.constant 3072 : index
    %get3A_118 = vector.load %arg3[%get3A_116, %get3A_117] : memref<256x4096xf32, #tpu.memory_space<vmem>>, vector<256x1024xf32>
    %gt3A_119 = arith.constant 0.000000e+00 : f32
    %gt3A_120 = vector.broadcast %gt3A_119 : f32 to vector<256x1024xf32>
    %gt3A_121 = arith.cmpf ogt, %get3A_118, %gt3A_120 : vector<256x1024xf32>
    %log3A_122 = math.log %min3A_115 : vector<256x1024xf32>
    %sub3A_123 = arith.constant 1.000000e+00 : f32
    %sub3A_124 = vector.broadcast %sub3A_123 : f32 to vector<256x1024xf32>
    %sub3A_125 = arith.subf %sub3A_124, %min3A_115 : vector<256x1024xf32>
    %log3A_126 = math.log %sub3A_125 : vector<256x1024xf32>
    %select_n3A_127 = arith.select %gt3A_121, %log3A_122, %log3A_126 : vector<256x1024xi1>, vector<256x1024xf32>
    %reduce_sum3A_128 = vector.shape_cast %select_n3A_127 : vector<256x1024xf32> to vector<1x256x1024xf32>
    %reduce_sum3A_129 = arith.constant dense<0.000000e+00> : vector<1xf32>
    %reduce_sum3A_130 = vector.multi_reduction <add>, %reduce_sum3A_128, %reduce_sum3A_129 [1, 2] : vector<1x256x1024xf32> to vector<1xf32>
    %reduce_sum3A_131 = vector.shape_cast %reduce_sum3A_130 : vector<1xf32> to vector<1x1x1xf32>
    %reduce_sum3A_132 = vector.extract %reduce_sum3A_131[0, 0, 0] : f32 from vector<1x1x1xf32>
    %add3A_133 = arith.addf %add3A_98, %reduce_sum3A_132 : f32
    %iota3A = tpu.iota {dimensions = array<i32: 0>} : vector<8x128xi32>
    %eq3A_134 = arith.constant 0 : i32
    %eq3A_135 = vector.broadcast %eq3A_134 : i32 to vector<8x128xi32>
    %eq3A_136 = arith.cmpi eq, %iota3A, %eq3A_135 : vector<8x128xi32>
    %get3A_137 = arith.constant 0 : index
    %get3A_138 = arith.constant 0 : index
    %get3A_139 = vector.load %arg4[%get3A_137, %get3A_138] : memref<8x128xf32, #tpu.memory_space<vmem>>, vector<8x128xf32>
    %jit3A_140 = arith.constant 0.000000e+00 : f32
    %broadcast_in_dim3A = vector.broadcast %add3A_133 : f32 to vector<8x128xf32>
    %broadcast_in_dim3A_141 = vector.broadcast %jit3A_140 : f32 to vector<8x128xf32>
    %select_n3A_142 = arith.select %eq3A_136, %broadcast_in_dim3A, %broadcast_in_dim3A_141 : vector<8x128xi1>, vector<8x128xf32>
    %add3A_143 = arith.addf %get3A_139, %select_n3A_142 : vector<8x128xf32>
    %swap3A = arith.constant 0 : index
    %swap3A_144 = arith.constant 0 : index
    %swap3A_145 = vector.load %arg4[%swap3A, %swap3A_144] : memref<8x128xf32, #tpu.memory_space<vmem>>, vector<8x128xf32>
    tpu.vector_store %arg4[%swap3A, %swap3A_144], %add3A_143 {strides = array<i32>} : memref<8x128xf32, #tpu.memory_space<vmem>>, vector<8x128xf32>,
    return
  }
  func.func @transform_0(%arg0: i32) -> (i32, i32) {
    %c0_i32 = arith.constant 0 : i32
    %c0_i32_0 = arith.constant 0 : i32
    return %arg0, %c0_i32 : i32, i32
  }
  func.func @transform_1(%arg0: i32) -> (i32, i32) {
    %c0_i32 = arith.constant 0 : i32
    %c0_i32_0 = arith.constant 0 : i32
    %c0_i32_1 = arith.constant 0 : i32
    return %c0_i32, %c0_i32_0 : i32, i32
  }
  func.func @transform_2(%arg0: i32) -> (i32, i32) {
    %c0_i32 = arith.constant 0 : i32
    %c0_i32_0 = arith.constant 0 : i32
    return %arg0, %c0_i32 : i32, i32
  }
  func.func @transform_3(%arg0: i32) -> (i32, i32) {
    %c0_i32 = arith.constant 0 : i32
    %c0_i32_0 = arith.constant 0 : i32
    %c0_i32_1 = arith.constant 0 : i32
    return %c0_i32, %c0_i32_0 : i32, i32
  }
}

module attributes {stable_mosaic.version = 14 : i64} {
  func.func @body(%arg0: i32, %arg1: memref<256x256xf32, #tpu.memory_space<vmem>>, %arg2: memref<256x128xf32, #tpu.memory_space<vmem>>, %arg3: memref<1x128xf32, #tpu.memory_space<vmem>>, %arg4: memref<256x1xf32, #tpu.memory_space<vmem>>, %arg5: memref<256x128xf32, #tpu.memory_space<vmem>>) attributes {dimension_semantics = [#tpu.dimension_semantics<arbitrary>], iteration_bounds = array<i64: 16>, scalar_prefetch = 0 : i64, scratch_operands = 0 : i64, tpu.core_type = #tpu.core_type<tc>, window_params = [{transform_indices = @transform_0, window_bounds = array<i64: 256, 256>}, {pipeline_mode = #tpu.pipeline_mode<synchronous>, transform_indices = @transform_1, window_bounds = array<i64: 256, 128>}, {pipeline_mode = #tpu.pipeline_mode<synchronous>, transform_indices = @transform_2, window_bounds = array<i64: 1, 128>}, {transform_indices = @transform_3, window_bounds = array<i64: 256, 1>}, {transform_indices = @transform_4, window_bounds = array<i64: 256, 128>}]} {
    %get3A = arith.constant 0 : index
    %get3A_0 = arith.constant 0 : index
    %get3A_1 = vector.load %arg1[%get3A, %get3A_0] : memref<256x256xf32, #tpu.memory_space<vmem>>, vector<256x256xf32>
    %get3A_2 = arith.constant 0 : index
    %get3A_3 = arith.constant 0 : index
    %get3A_4 = vector.load %arg2[%get3A_2, %get3A_3] : memref<256x128xf32, #tpu.memory_space<vmem>>, vector<256x128xf32>
    %dot_general3A = arith.constant dense<0.000000e+00> : vector<256x128xf32>
    %dot_general3A_5 = tpu.matmul %get3A_1, %get3A_4, %dot_general3A {dimension_numbers = #tpu.dot_dimension_numbers<[1], [0], [0], [1], [0, 0, 1, 1], [], []>, transpose_lhs_hint = false} : vector<256x256xf32>, vector<256x128xf32>, vector<256x128xf32> -> vector<256x128xf32>
    %get3A_6 = arith.constant 0 : index
    %get3A_7 = arith.constant 0 : index
    %get3A_8 = vector.load %arg3[%get3A_6, %get3A_7] : memref<1x128xf32, #tpu.memory_space<vmem>>, vector<1x128xf32>
    %add3A = vector.broadcast %get3A_8 : vector<1x128xf32> to vector<256x128xf32>
    %add3A_9 = arith.addf %dot_general3A_5, %add3A : vector<256x128xf32>
    %get3A_10 = arith.constant 0 : index
    %get3A_11 = arith.constant 0 : index
    %get3A_12 = vector.load %arg4[%get3A_10, %get3A_11] : memref<256x1xf32, #tpu.memory_space<vmem>>, vector<256x1xf32>
    %mul3A = vector.broadcast %get3A_12 : vector<256x1xf32> to vector<256x128xf32>
    %mul3A_13 = arith.mulf %add3A_9, %mul3A : vector<256x128xf32>
    %swap3A = arith.constant 0 : index
    %swap3A_14 = arith.constant 0 : index
    %swap3A_15 = vector.load %arg5[%swap3A, %swap3A_14] : memref<256x128xf32, #tpu.memory_space<vmem>>, vector<256x128xf32>
    tpu.vector_store %arg5[%swap3A, %swap3A_14], %mul3A_13 {strides = array<i32>} : memref<256x128xf32, #tpu.memory_space<vmem>>, vector<256x128xf32>,
    return
  }
  func.func @transform_0(%arg0: i32) -> (i32, i32) {
    %c0_i32 = arith.constant 0 : i32
    %c0_i32_0 = arith.constant 0 : i32
    return %arg0, %c0_i32 : i32, i32
  }
  func.func @transform_1(%arg0: i32) -> (i32, i32) {
    %c0_i32 = arith.constant 0 : i32
    %c0_i32_0 = arith.constant 0 : i32
    %c0_i32_1 = arith.constant 0 : i32
    return %c0_i32, %c0_i32_0 : i32, i32
  }
  func.func @transform_2(%arg0: i32) -> (i32, i32) {
    %c0_i32 = arith.constant 0 : i32
    %c0_i32_0 = arith.constant 0 : i32
    %c0_i32_1 = arith.constant 0 : i32
    return %c0_i32, %c0_i32_0 : i32, i32
  }
  func.func @transform_3(%arg0: i32) -> (i32, i32) {
    %c0_i32 = arith.constant 0 : i32
    %c0_i32_0 = arith.constant 0 : i32
    return %arg0, %c0_i32 : i32, i32
  }
  func.func @transform_4(%arg0: i32) -> (i32, i32) {
    %c0_i32 = arith.constant 0 : i32
    %c0_i32_0 = arith.constant 0 : i32
    return %arg0, %c0_i32 : i32, i32
  }
}

module attributes {stable_mosaic.version = 14 : i64} {
  func.func @body(%arg0: i32, %arg1: memref<4096x256xf32, #tpu.memory_space<vmem>>, %arg2: memref<4096x128xf32, #tpu.memory_space<vmem>>, %arg3: memref<256x1xf32, #tpu.memory_space<vmem>>, %arg4: memref<256x128xf32, #tpu.memory_space<vmem>>, %arg5: memref<256x128xf32, #tpu.memory_space<vmem>>) attributes {dimension_semantics = [#tpu.dimension_semantics<arbitrary>], iteration_bounds = array<i64: 16>, scalar_prefetch = 0 : i64, scratch_operands = 0 : i64, tpu.core_type = #tpu.core_type<tc>, window_params = [{transform_indices = @transform_0, window_bounds = array<i64: 4096, 256>}, {pipeline_mode = #tpu.pipeline_mode<synchronous>, transform_indices = @transform_1, window_bounds = array<i64: 4096, 128>}, {transform_indices = @transform_2, window_bounds = array<i64: 256, 1>}, {transform_indices = @transform_3, window_bounds = array<i64: 256, 128>}, {transform_indices = @transform_4, window_bounds = array<i64: 256, 128>}]} {
    %get3A = arith.constant 0 : index
    %get3A_0 = arith.constant 0 : index
    %get3A_1 = vector.load %arg1[%get3A, %get3A_0] : memref<4096x256xf32, #tpu.memory_space<vmem>>, vector<4096x256xf32>
    %get3A_2 = arith.constant 0 : index
    %get3A_3 = arith.constant 0 : index
    %get3A_4 = vector.load %arg2[%get3A_2, %get3A_3] : memref<4096x128xf32, #tpu.memory_space<vmem>>, vector<4096x128xf32>
    %dot_general3A = arith.constant dense<0.000000e+00> : vector<256x128xf32>
    %dot_general3A_5 = tpu.matmul %get3A_1, %get3A_4, %dot_general3A {dimension_numbers = #tpu.dot_dimension_numbers<[0], [0], [1], [1], [0, 1, 1, 1], [], []>, transpose_lhs_hint = false} : vector<4096x256xf32>, vector<4096x128xf32>, vector<256x128xf32> -> vector<256x128xf32>
    %get3A_6 = arith.constant 0 : index
    %get3A_7 = arith.constant 0 : index
    %get3A_8 = vector.load %arg3[%get3A_6, %get3A_7] : memref<256x1xf32, #tpu.memory_space<vmem>>, vector<256x1xf32>
    %mul3A = vector.broadcast %get3A_8 : vector<256x1xf32> to vector<256x128xf32>
    %mul3A_9 = arith.mulf %dot_general3A_5, %mul3A : vector<256x128xf32>
    %swap3A = arith.constant 0 : index
    %swap3A_10 = arith.constant 0 : index
    %swap3A_11 = vector.load %arg4[%swap3A, %swap3A_10] : memref<256x128xf32, #tpu.memory_space<vmem>>, vector<256x128xf32>
    tpu.vector_store %arg4[%swap3A, %swap3A_10], %mul3A_9 {strides = array<i32>} : memref<256x128xf32, #tpu.memory_space<vmem>>, vector<256x128xf32>,
    %swap3A_12 = arith.constant 0 : index
    %swap3A_13 = arith.constant 0 : index
    %swap3A_14 = vector.load %arg5[%swap3A_12, %swap3A_13] : memref<256x128xf32, #tpu.memory_space<vmem>>, vector<256x128xf32>
    tpu.vector_store %arg5[%swap3A_12, %swap3A_13], %mul3A_9 {strides = array<i32>} : memref<256x128xf32, #tpu.memory_space<vmem>>, vector<256x128xf32>,
    return
  }
  func.func @transform_0(%arg0: i32) -> (i32, i32) {
    %c0_i32 = arith.constant 0 : i32
    %c0_i32_0 = arith.constant 0 : i32
    return %c0_i32, %arg0 : i32, i32
  }
  func.func @transform_1(%arg0: i32) -> (i32, i32) {
    %c0_i32 = arith.constant 0 : i32
    %c0_i32_0 = arith.constant 0 : i32
    %c0_i32_1 = arith.constant 0 : i32
    return %c0_i32, %c0_i32_0 : i32, i32
  }
  func.func @transform_2(%arg0: i32) -> (i32, i32) {
    %c0_i32 = arith.constant 0 : i32
    %c0_i32_0 = arith.constant 0 : i32
    return %arg0, %c0_i32 : i32, i32
  }
  func.func @transform_3(%arg0: i32) -> (i32, i32) {
    %c0_i32 = arith.constant 0 : i32
    %c0_i32_0 = arith.constant 0 : i32
    return %arg0, %c0_i32 : i32, i32
  }
  func.func @transform_4(%arg0: i32) -> (i32, i32) {
    %c0_i32 = arith.constant 0 : i32
    %c0_i32_0 = arith.constant 0 : i32
    return %arg0, %c0_i32 : i32, i32
  }
}

</mosaic_0001>

<sc_bundles>
// kernel: gather_offload_async_start.1
scs
__scs_entry_jumppad:
0x0: {  	(pc) =	sbr.rel $0x88, $3  }
0x1: {  	(tag) =	ssettag $0x0;
	lr =	simm.s32 $0x1  }
0x2: {  	[smem:$0x3F88] =	sst lr;
	_ =	strace $0xD0000000  }
0x3: {  	_ = 	snop  }
0x4: {  	_ = 	snop  }
0x5: {  	_ = 	snop  }
0x6: {  	_ = 	snop  }
0x7: {  	_ = 	snop  }
__scs_overlays_trampoline_lowered:
0x8: {  	[smem:$0x3F97] =	sst s0  }
0x9: {  	[smem:$0x3F98] =	sst s1  }
0xa: {  	[smem:$0x3F99] =	sst s2  }
0xb: {  	[smem:$0x3F9A] =	sst s3  }
0xc: {  	[smem:$0x3F9B] =	sst s4  }
0xd: {  	[smem:$0x3F9C] =	sst s5  }
0xe: {  	[smem:$0x3F9D] =	sst s6  }
0xf: {  	[smem:$0x3F9E] =	sst s7  }
0x10: {  	[smem:$0x3F9F] =	sst s8  }
0x11: {  	[smem:$0x3FA0] =	sst s9;
	s0 =	simm.s32 @!p0 $0x0  }
0x12: {  	s1 =	sld [smem:$0x3F86];
	s0 =	simm.s32 @p0 $0x1  }
0x13: {  	[smem:$0x3FA1] =	sst s0;
	s0 =	simm.s32 @!p1 $0x0  }
0x14: {  	s2 =	sld [smem:$0x3F85];
	s0 =	simm.s32 @p1 $0x1  }
0x15: {  	[smem:$0x3FA2] =	sst s0;
	s0 =	simm.s32 @!p2 $0x0  }
0x16: {  	s3 =	sld [smem:$0x3FDB];
	s0 =	simm.s32 @p2 $0x1  }
0x17: {  	s4 =	simm.s32 $0x1BF5;
	[smem:$0x3FA4] =	sst s0  }
0x18: {  	s0 =	sld [smem:$0x3F87];
	_ =	swait.ge [sflag:s4], $0x0  }
0x19: {  	s7 =	sld [smem:$0x3F88]  }
0x1a: {  	s8 =	sadd.s32 $0xFFFFE003, lr  }
0x1b: {  	s9 =	sadd.s32 $0xFFFFFEF7, lr;
	s5 =	simm.s32 $0xFFFFFFFF;
	p2 =	slt.u32 s8, $0xFFFFF086  }
0x1c: {  	p1 =	slt.u32 s9, $0xF7A;
	s5 =	simm.s32 @!p2 $0x0  }
0x1d: {  	s5 =	simm.s32 @p1 $0x1;
	p0 =	seq.s32 s7, s2  }
0x1e: {  	s7 =	smul.u32 @!p0 $0xF7A, s2;
	p2 =	seq.s32 @!p0 s5, $0x0  }
0x1f: {  	s9 =	smul.u32 $0xF7A, s1;
	s8 =	simm.s32 @!p0 $0x1BF5;
	p2 =	por !p2, p0  }
0x20: {  	[sflag:s8] =	ssyncset.s32 @!p0 $0xFFFFF086;
	s6 =	sadd.s32 @!p0 s3, s7;
	s7 =	simm.s32 @!p0 $0x108  }
0x21: {  	s3 =	sadd.s32 s3, s9;
	s6 =	sadd.s32 @!p0 $0x88, s6;
	s7 =	simm.s32 @p2 $0x1082  }
0x22: {  	[simem:s7], [sflag:s8] =	dma.local @!p0 [hbm:s6], $0xF7A  }
0x23: {  	s9 =	sor.u32 $0xD0000000, s2;
	s6 =	simm.s32 $0x108;
	_ =	swait.ge @!p0 [sflag:s8], $0x0  }
0x24: {  	s3 =	sadd.s32 $0x88, s3;
	s6 =	simm.s32 @!p1 $0x1082;
	[sflag:s4] =	ssyncset.s32 $0xFFFFF086  }
0x25: {  	[simem:s6], [sflag:s4] =	dma.local [hbm:s3], $0xF7A  }
0x26: {  	[smem:$0x3F88] =	sst s1;
	(tag) =	ssettag s2;
	_ =	strace s9  }
0x27: {  	s1 =	sld [smem:$0x3F98]  }
0x28: {  	s2 =	sld [smem:$0x3F99]  }
0x29: {  	s4 =	sld [smem:$0x3F9B]  }
0x2a: {  	p0 =	seq.s32 s5, $0x0;
	s5 =	sld [smem:$0x3F9C]  }
0x2b: {  	s6 =	sld [smem:$0x3F9D]  }
0x2c: {  	s7 =	sld [smem:$0x3F9E]  }
0x2d: {  	s3 =	simm.s32 $0x108;
	s8 =	sld [smem:$0x3F9F]  }
0x2e: {  	s3 =	simm.s32 @!p0 $0x1082;
	s9 =	sld [smem:$0x3FA0]  }
0x2f: {  	lr =	sadd.s32 s0, s3;
	s0 =	sld [smem:$0x3F97]  }
0x30: {  	s3 =	sld [smem:$0x3F9A]  }
0x31: {  	[smem:$0x3FA3] =	sst s10  }
0x32: {  	s10 =	sld [smem:$0x3FA1];
	_ =	sdelay $0x3  }
0x33: {  	p0 =	seq.s32 s10, $0x1;
	s10 =	sld [smem:$0x3FA3];
	_ =	sdelay $0x3  }
0x34: {  	[smem:$0x3FA3] =	sst s10  }
0x35: {  	s10 =	sld [smem:$0x3FA2];
	_ =	sdelay $0x3  }
0x36: {  	p1 =	seq.s32 s10, $0x1;
	s10 =	sld [smem:$0x3FA3];
	_ =	sdelay $0x3  }
0x37: {  	[smem:$0x3FA3] =	sst s10  }
0x38: {  	s10 =	sld [smem:$0x3FA4]  }
0x39: {  	_ = 	snop;
	(pc) =	sbr.ind lr, $3  }
0x3a: {  	_ = 	snop  }
0x3b: {  	_ = 	snop  }
0x3c: {  	p2 =	seq.s32 s10, $0x1;
	s10 =	sld [smem:$0x3FA3]  }
0x3d: {  	_ =	shalt  }
0x3e: {  	_ =	shalt  }
0x3f: {  	_ =	shalt  }
0x40: {  	_ =	shalt  }
0x41: {  	_ =	shalt  }
0x42: {  	_ =	shalt  }
0x43: {  	_ =	shalt  }
0x44: {  	_ =	shalt  }
0x45: {  	_ =	shalt  }
0x46: {  	_ =	shalt  }
0x47: {  	_ =	shalt  }
0x48: {  	_ =	shalt  }
0x49: {  	_ =	shalt  }
0x4a: {  	_ =	shalt  }
0x4b: {  	_ =	shalt  }
0x4c: {  	_ =	shalt  }
0x4d: {  	_ =	shalt  }
0x4e: {  	_ =	shalt  }
0x4f: {  	_ =	shalt  }
0x50: {  	_ =	shalt  }
0x51: {  	_ =	shalt  }
0x52: {  	_ =	shalt  }
0x53: {  	_ =	shalt  }
0x54: {  	_ =	shalt  }
0x55: {  	_ =	shalt  }
0x56: {  	_ =	shalt  }
0x57: {  	_ =	shalt  }
0x58: {  	_ =	shalt  }
0x59: {  	_ =	shalt  }
0x5a: {  	_ =	shalt  }
0x5b: {  	_ =	shalt  }
0x5c: {  	_ =	shalt  }
0x5d: {  	_ =	shalt  }
0x5e: {  	_ =	shalt  }
0x5f: {  	_ =	shalt  }
0x60: {  	_ =	shalt  }
0x61: {  	_ =	shalt  }
0x62: {  	_ =	shalt  }
0x63: {  	_ =	shalt  }
0x64: {  	_ =	shalt  }
0x65: {  	_ =	shalt  }
0x66: {  	_ =	shalt  }
0x67: {  	_ =	shalt  }
0x68: {  	_ =	shalt  }
0x69: {  	_ =	shalt  }
0x6a: {  	_ =	shalt  }
0x6b: {  	_ =	shalt  }
0x6c: {  	_ =	shalt  }
0x6d: {  	_ =	shalt  }
0x6e: {  	_ =	shalt  }
0x6f: {  	_ =	shalt  }
0x70: {  	_ =	shalt  }
0x71: {  	_ =	shalt  }
0x72: {  	_ =	shalt  }
0x73: {  	_ =	shalt  }
0x74: {  	_ =	shalt  }
0x75: {  	_ =	shalt  }
0x76: {  	_ =	shalt  }
0x77: {  	_ =	shalt  }
0x78: {  	_ =	shalt  }
0x79: {  	_ =	shalt  }
0x7a: {  	_ =	shalt  }
0x7b: {  	_ =	shalt  }
0x7c: {  	_ =	shalt  }
0x7d: {  	_ =	shalt  }
0x7e: {  	_ =	shalt  }
0x7f: {  	_ =	shalt  }
0x80: {  	_ =	shalt  }
0x81: {  	_ =	shalt  }
0x82: {  	_ =	shalt  }
0x83: {  	_ =	shalt  }
0x84: {  	_ =	shalt  }
0x85: {  	_ =	shalt  }
0x86: {  	_ =	shalt  }
0x87: {  	_ =	shalt  }
.Lfunc_end0:
.L_simem_size_0:
called_computation.2_lowered:
.L_overlay_start_0:
0x88: {  	s2 =	sld [smem:$0x3FD9]  }
0x89: {  	s3 =	sld [smem:$0x3FFE];
	_ =	sdelay $0x1  }
0x8a: {  	s1 =	srdreg.scid  }
0x8b: {  	s0 =	sand.u32 $0x1, s1  }
0x8c: {  	s16 =	sshll.u32 s0, $0xA;
	s2 =	sadd.s32 s3, s2  }
0x8d: {  	s2 =	sadd.s32 s2, s16  }
0x8e: {  	[smem:$0x3FAF] =	sst s2  }
0x8f: {  	_ = 	snop  }
0x90: {  	(tm) =	ssettm $0x1  }
0x91: {  	s17 =	sld [smem:$0x3FFB];
	_ =	sdelay $0x3  }
0x92: {  	_ =	strace s17  }
0x93: {  	s2 =	sld [smem:$0x3FFC];
	_ =	sdelay $0x3  }
0x94: {  	_ =	strace s2  }
0x95: {  	s2 =	sld [smem:$0x3FFD];
	_ =	sdelay $0x3  }
0x96: {  	_ =	strace s2  }
0x97: {  	_ =	strace $0x8FFFFFFF  }
0x98: {  	s18 =	sld [smem:$0x3FDB];
	_ =	sdelay $0x1  }
0x99: {  	s19 =	simm.s32 $_scs_section_size  }
0x9a: {  	s4 =	simm.s32 $_size__tile_overlayer_lowered;
	s5 =	simm.s32 $_tile_overlayer_lowered  }
0x9b: {  	s22 =	simm.s32 $0x1BFF;
	s21 =	sshll.u32 s5, $0x1;
	s2 =	sadd.s32 s19, s18  }
0x9c: {  	s6 =	simm.s32 $0x0;
	s20 =	sshll.u32 s4, $0x1;
	s4 =	sadd.s32 s21, s2  }
0x9d: {  	[timem:s6], [sflag:s22] =	dma.local [hbm:s4], s20  }
0x9e: {  	_ =	swait.ge [sflag:s22], s20  }
0x9f: {  	s3 =	ssub.s32 $0x0, s20;
	[sflag:s22] =	ssyncset.done $0x0  }
0xa0: {  	[sflag:s22] =	ssyncadd.s32 s3;
	_ =	sdelay $0x1  }
0xa1: {  	s23 =	simm.s32 $0x1B8B  }
0xa2: {  	_ =	swait.ge [sflag:s23], $0x1  }
0xa3: {  	[sflag:s23] =	ssyncset.done $0x0  }
0xa4: {  	s25 =	simm.s32 $0x1B8E;
	s24 =	sld [smem:$0x3FFE];
	[sflag:s23] =	ssyncadd.s32 $0xFFFFFFFF  }
0xa5: {  	s26 =	simm.s32 $execute0_lowered;
	[smem:$0x3FD2] =	sst s25  }
0xa6: {  	s4 =	sshll.u32 s26, $0x1;
	_ =	strace $0x8000004C;
	[dreg:$0x1] =	wrdreg $0xFFFFFFFF  }
0xa7: {  	s28 =	simm.s32 $_size_execute0_lowered;
	s2 =	sadd.s32 s2, s4;
	[dreg:$0x0] =	wrdreg $0x0  }
0xa8: {  	s4 =	sshll.u32 s28, $0x1;
	[dreg:$0x2] =	wrdreg s2  }
0xa9: {  	[dreg:$0x3] =	wrdreg s4  }
0xaa: {  	[dreg:$0x4] =	wrdreg $0xC0  }
0xab: {  	_ =	task [dreg:s6], $0x5FFFF  }
0xac: {  	[dreg:$0x1] =	wrdreg $0xFFFFFFFF  }
0xad: {  	[dreg:$0x0] =	wrdreg $0x60  }
0xae: {  	[dreg:$0x2] =	wrdreg s24  }
0xaf: {  	[dreg:$0x3] =	wrdreg $0x9  }
0xb0: {  	_ =	task.clear_ibuf [dreg:s6], $0x4FFFF;
	_ =	strace $0x9000004C  }
0xb1: {  	s29 =	simm.s32 $0x9;
	_ =	strace $0x8000004E  }
0xb2: {  	_ =	swait.ge [sflag:s29], $0x1  }
0xb3: {  	[sflag:s29] =	ssyncadd.s32 $0xFFFFFFFF  }
0xb4: {  	_ =	strace $0x9000004E  }
0xb5: {  	_ =	sfence  }
0xb6: {  	s30 =	sld [smem:$0x0];
	_ =	sdelay $0x2  }
0xb7: {  	s31 =	sshll.u32 s1, $0xD;
	s1 =	sshrl.u32 s1, $0x2  }
0xb8: {  	s3 =	sand.u32 $0x4000, s31;
	s1 =	sadd.s32 s1, s30  }
0xb9: {  	s0 =	sor.u32 s3, s0;
	s1 =	sshll.u32 s1, $0x11  }
0xba: {  	s0 =	sor.u32 s1, s0  }
0xbb: {  	s0 =	sadd.s32 $0x8F2B, s0  }
0xbc: {  	[sflag:s0] =	ssyncadd.remote.s32 $0x1  }
0xbd: {  	_ =	sfence.sel $0xFFFF  }
0xbe: {  	[dreg:$0x0] =	wrdreg $0xFFFFFFFF;
	(pc) =	sbr.abs _section_cstart, $3  }
0xbf: {  	[dreg:$0x1] =	wrdreg $0xFFFFFFFF  }
0xc0: {  	_ =	task.clear_ibuf [dreg:s6], $0x2FFFF;
	_ =	strace $0x9FFFFFFF  }
0xc1: {  	(tm) =	ssettm $0x7FFFFFFF  }
tec
execute0_lowered:
.L_overlay_start_1:
0x0: {  	(tag) =	ssettag $0x1  }
0x1: {  	s1 =	srdreg.scid  }
0x2: {  	s0 =	stileid.u32;
	s2 =	rddreg [dreg:$0x0];
	s6 =	simm.s32 $0x1  }
0x3: {  	s9 =	simm.s32 $0x1;
	s10 =	simm.s32 $0x3;
	s1 =	sshll.u32 s1, $0x6  }
0x4: {  	s13 =	simm.s32 $0x0;
	s3 =	sshll.u32 s0, $0x7;
	s4 =	sand.u32 $0x40, s1  }
0x5: {  	s12 =	simm.s32 $0x0;
	s5 =	sadd.s32 $0x600, s2;
	s3 =	sor.u32 s3, s4  }
0x6: {  	s1 =	rddreg [dreg:$0x1];
	_ =	strace $0x8000004D;
	s8 =	ssub.s32 $0xD00, s3  }
.Ltmp0:
0x7: {  	s4 =	sadd.s32 $0x400, s2;
	s7 =	sand.u32 $0x7C0, s8;
	(pc) =	sbr.rel .LBB2_1-.Ltmp0, $4  }
0x8: {  	[sflag:s6] =	ssyncpa.u1 $0x0;
	s11 =	smov.u32 s3;
	p0 =	sne.s32 s7, $0x0  }
0x9: {  	s8 =	sshrl.u32 s8, $0xB;
	s7 =	simm.s32 $0x2;
	s9 =	simm.s32 @!p0 $0x0  }
0xa: {  	[sflag:s7] =	ssyncpa.u1 $0x0;
	p0 =	por $0x0, $0x0;
	s8 =	sadd.s32 s9, s8  }
0xb: {  	vm0 =	vmmov $0xffff;
	[sflag:s10] =	ssyncpa.u1 $0x0;
	s10 =	simm.s32 $0x0;
	s9 =	sadd.s32 $0x1, s8  }
.LBB2_4:
0xc: {  	v2 =	vnsel vm1, $0x0, v2  }
0xd: {  	vm1 =	vgt.s32 v0, $0x0;
	v2 =	vmin.u32 v2, $0xFFF  }
0xe: {  	v0 =	vnsel vm1, $0x0, v0  }
0xf: {  	v0 =	vmin.u32 v0, $0xFFF  }
0x10: {  	[tilespmem:s15], [sflag:$0x1] =	stream.indirect_vreg.gather [hbm4b:s2+s10], $0x1, v1, vm0, $0x4038;
	[tilespmem:$0x100] =	vst v63  }
0x11: {  	(ifvalue) =	ssetifvalue $0x7FFFFFFF  }
0x12: {  	[tilespmem:s16], [sflag:$0x1] =	stream.indirect_vreg.gather [hbm4b:s2+s10], $0x1, v2, vm0, $0x4038;
	[tilespmem:$0x100] =	vst v63  }
0x13: {  	s29 =	sadd.s32 $0x10, s16;
	(ifvalue) =	ssetifvalue $0x7FFFFFFF  }
0x14: {  	[tilespmem:s29], [sflag:$0x1] =	stream.indirect_vreg.gather [hbm4b:s2+s10], $0x1, v0, vm0, $0x4038;
	[tilespmem:$0x100] =	vst v63  }
0x15: {  	_ =	swait.ge [sflag:s6], $0x40  }
0x16: {  	s30 =	sshrl.u32 s13, $0x3;
	[sflag:s6] =	ssyncset.done $0x0  }
0x17: {  	s31 =	sand.u32 $0x7, s13;
	s15 =	sadd.s32 s5, s30;
	[sflag:s6] =	ssyncadd.s32 $0xFFFFFFC0  }
0x18: {  	[hbm4b:s15+s31] =	stream.linear.scatter [tilespmem:s14], [sflag:$0x3], $0x40, $0x38;
	[tilespmem:$0x100] =	vst v63  }
.LBB2_5:
0x19: {  	s15 =	sadd.s32 $0x800, s11  }
0x1a: {  	p2 =	sgt.s32 s15, $0xCFF  }
0x1b: {  	s15 =	smov.u32 @p2 s3;
	p2 =	sne.s32 s12, s9  }
.Ltmp1:
0x1c: {  	p1 =	slt.u32 s12, $0x2;
	(pc) =	sbr.rel @!p2 .LBB2_6-.Ltmp1, $4  }
0x1d: {  	s14 =	simm.s32 @!p1 $0x3  }
0x1e: {  	s16 =	sadd.s32 $0x1, s12;
	_ =	swait.ge @!p1 [sflag:s14], $0x40  }
0x1f: {  	s13 =	smov.u32 s11;
	p0 =	por !p0, !p0;
	[sflag:s14] =	ssyncset.done @!p1 $0x0  }
0x20: {  	s12 =	smov.u32 s16;
	s11 =	smov.u32 s15;
	[sflag:s14] =	ssyncadd.s32 @!p1 $0xFFFFFFC0  }
.LBB2_1:
0x21: {  	p1 =	sge.u32 s12, s8  }
0x22: {  	s14 =	sxor.u32 @!p1 $0xFFFFFFFF, s12  }
0x23: {  	s31 =	sadd.s32 $0xFFFFFFFF, s12;
	s15 =	sshrl.u32 @!p1 s11, $0x3;
	s14 =	sshll.u32 @!p1 s14, $0x6  }
0x24: {  	s16 =	sand.u32 @!p1 $0x7, s11;
	s15 =	sadd.s32 @!p1 s4, s15;
	s14 =	sand.u32 @!p1 $0x40, s14  }
0x25: {  	[tilespmem:s14], [sflag:$0x2] =	stream.linear.gather @!p1 [hbm4b:s15+s16], $0x40, $0x38;
	[tilespmem:$0x100] =	vst v63  }
0x26: {  	p1 =	sge.u32 s31, s8  }
.Ltmp2:
0x27: {  	_ = 	snop;
	(pc) =	sbr.rel @p1 .LBB2_5-.Ltmp2, $1  }
0x28: {  	_ =	sdelay $0x3  }
0x29: {  	s14 =	simm.s32 $0x1  }
0x2a: {  	_ =	swait.ge [sflag:s7], $0x40;
	s14 =	simm.s32 @!p0 $0x0  }
0x2b: {  	[sflag:s7] =	ssyncset.done $0x0;
	s14 =	sshll.u32 s14, $0x6  }
0x2c: {  	[sflag:s7] =	ssyncadd.s32 $0xFFFFFFC0;
	(ifvalue) =	ssetifvalue $0x7FFFFFFF;
	v0 =	vld.msk [tilespmem:s14+$0x0 ss:$0x1], $0xffff;
	_ =	sdelay $0x4  }
0x2d: {  	s15 =	sadd.s32 $0x10, s14;
	vm1 =	vgt.s32 v0, $0x0  }
0x2e: {  	v2 =	vld.msk [tilespmem:s15+$0x0 ss:$0x1], $0xffff;
	v1 =	vnsel vm1, $0x0, v0  }
0x2f: {  	v1 =	vmin.u32 v1, $0xFFF;
	_ =	sdelay $0x1  }
0x30: {  	s16 =	sshll.u32 s12, $0x6;
	s18 =	simm.s32 $0x20  }
0x31: {  	s16 =	sand.u32 $0x40, s16;
	s17 =	sadd.s32 $0x10, s15;
	s15 =	sor.u32 $0x80, s14  }
0x32: {  	s14 =	sor.u32 $0x80, s16;
	s16 =	sadd.s32 $0x10, s15;
	v0 =	vld.msk [tilespmem:s17+$0x0 ss:$0x1], $0xffff;
	vm1 =	vgt.s32 v2, $0x0;
	(ifvalue) =	ssetifvalue $0x7FFFFFFF  }
.LBB2_3:
0x33: {  	[tilespmem:s15], [sflag:$0x1] =	stream.indirect_vreg.gather [hbm4b:s2+s10], $0x1, v1, vm0, $0x4038;
	[tilespmem:$0x100] =	vst v63  }
0x34: {  	s18 =	sadd.s32 $0x10, s18  }
0x35: {  	v2 =	vnsel vm1, $0x0, v2;
	p1 =	slt.u32 s18, $0x30  }
.Ltmp3:
0x36: {  	s15 =	smov.u32 s16;
	v1 =	vmin.u32 v2, $0xFFF;
	(pc) =	sbr.rel @p1 .LBB2_3-.Ltmp3, $3  }
0x37: {  	_ =	sdelay $0x1  }
0x38: {  	s17 =	sadd.s32 $0x10, s17  }
0x39: {  	vm1 =	vgt.s32 v0, $0x0;
	s16 =	sadd.s32 $0x10, s16;
	v2 =	vmov v0;
	(ifvalue) =	ssetifvalue $0x7FFFFFFF;
	v0 =	vld.msk [tilespmem:s17+$0x0 ss:$0x1], $0xffff  }
.Ltmp4:
0x3a: {  	_ = 	snop;
	(pc) =	sbr.rel .LBB2_4-.Ltmp4, $1  }
0x3b: {  	_ =	sdelay $0x3  }
.LBB2_6:
0x3c: {  	_ =	sfence.sel $0x180000  }
0x3d: {  	s2 =	simm.s32 $0x2;
	[bflag:$0x0] =	sbarrier.arrive $0xFFFF  }
0x3e: {  	s30 =	simm.s32 $0x3;
	[sflag:s2] =	ssyncpa.u1 $0x1  }
0x3f: {  	s31 =	simm.s32 $0x1;
	[sflag:s30] =	ssyncpa.u1 $0x1  }
0x40: {  	[sflag:s31] =	ssyncpa.u1 $0x1  }
0x41: {  	p0 =	sne.s32 s0, $0x0;
	_ =	strace $0x9000004D  }
0x42: {  	s0 =	sadd.s32 @!p0 $0x100000, s1;
	[bflag:$0x2] =	sbarrier.arrive $0xFFFF  }
0x43: {  	[sflag:s0] =	ssyncadd.tile.s32 @!p0 $0x1;
	_ =	shalt  }
.Lfunc_end2:
_tile_overlayer_lowered:
.L_overlay_start_2:
0x44: {  	(tag) =	ssettag $0x2  }
0x45: {  	s0 =	rddreg [dreg:$0x0];
	s2 =	stileid.u32  }
0x46: {  	s1 =	rddreg [dreg:$0x1];
	p0 =	sne.s32 s2, $0x0  }
0x47: {  	s3 =	rddreg [dreg:$0x2];
	[bflag:$0x3] =	sbarrier.arrive $0xFFFF;
	s2 =	simm.s32 @!p0 $0x1C01  }
0x48: {  	[timem:s3], [sflag:s2] =	dma.local @!p0 [hbm:s0], s1  }
0x49: {  	s0 =	simm.s32 @!p0 $0x1  }
0x4a: {  	_ =	swait.ge @!p0 [sflag:s0], s1  }
0x4b: {  	s1 =	ssub.s32 @!p0 $0x0, s1;
	[sflag:s0] =	ssyncset.done @!p0 $0x0  }
0x4c: {  	[sflag:s0] =	ssyncadd.s32 @!p0 s1  }
0x4d: {  	[bflag:$0x3] =	sbarrier.arrive $0xFFFF  }
0x4e: {  	_ =	shalt  }

// kernel: gather_offload_async_start.2
scs
__scs_entry_jumppad:
0x0: {  	(pc) =	sbr.rel $0x88, $3  }
0x1: {  	(tag) =	ssettag $0x0;
	lr =	simm.s32 $0x1  }
0x2: {  	[smem:$0x3F88] =	sst lr;
	_ =	strace $0xD0000000  }
0x3: {  	_ = 	snop  }
0x4: {  	_ = 	snop  }
0x5: {  	_ = 	snop  }
0x6: {  	_ = 	snop  }
0x7: {  	_ = 	snop  }
__scs_overlays_trampoline_lowered:
0x8: {  	[smem:$0x3F97] =	sst s0  }
0x9: {  	[smem:$0x3F98] =	sst s1  }
0xa: {  	[smem:$0x3F99] =	sst s2  }
0xb: {  	[smem:$0x3F9A] =	sst s3  }
0xc: {  	[smem:$0x3F9B] =	sst s4  }
0xd: {  	[smem:$0x3F9C] =	sst s5  }
0xe: {  	[smem:$0x3F9D] =	sst s6  }
0xf: {  	[smem:$0x3F9E] =	sst s7  }
0x10: {  	[smem:$0x3F9F] =	sst s8  }
0x11: {  	[smem:$0x3FA0] =	sst s9;
	s0 =	simm.s32 @!p0 $0x0  }
0x12: {  	s1 =	sld [smem:$0x3F86];
	s0 =	simm.s32 @p0 $0x1  }
0x13: {  	[smem:$0x3FA1] =	sst s0;
	s0 =	simm.s32 @!p1 $0x0  }
0x14: {  	s2 =	sld [smem:$0x3F85];
	s0 =	simm.s32 @p1 $0x1  }
0x15: {  	[smem:$0x3FA2] =	sst s0;
	s0 =	simm.s32 @!p2 $0x0  }
0x16: {  	s3 =	sld [smem:$0x3FDB];
	s0 =	simm.s32 @p2 $0x1  }
0x17: {  	s4 =	simm.s32 $0x1BF5;
	[smem:$0x3FA4] =	sst s0  }
0x18: {  	s0 =	sld [smem:$0x3F87];
	_ =	swait.ge [sflag:s4], $0x0  }
0x19: {  	s7 =	sld [smem:$0x3F88]  }
0x1a: {  	s8 =	sadd.s32 $0xFFFFE003, lr  }
0x1b: {  	s9 =	sadd.s32 $0xFFFFFEF7, lr;
	s5 =	simm.s32 $0xFFFFFFFF;
	p2 =	slt.u32 s8, $0xFFFFF086  }
0x1c: {  	p1 =	slt.u32 s9, $0xF7A;
	s5 =	simm.s32 @!p2 $0x0  }
0x1d: {  	s5 =	simm.s32 @p1 $0x1;
	p0 =	seq.s32 s7, s2  }
0x1e: {  	s7 =	smul.u32 @!p0 $0xF7A, s2;
	p2 =	seq.s32 @!p0 s5, $0x0  }
0x1f: {  	s9 =	smul.u32 $0xF7A, s1;
	s8 =	simm.s32 @!p0 $0x1BF5;
	p2 =	por !p2, p0  }
0x20: {  	[sflag:s8] =	ssyncset.s32 @!p0 $0xFFFFF086;
	s6 =	sadd.s32 @!p0 s3, s7;
	s7 =	simm.s32 @!p0 $0x108  }
0x21: {  	s3 =	sadd.s32 s3, s9;
	s6 =	sadd.s32 @!p0 $0x88, s6;
	s7 =	simm.s32 @p2 $0x1082  }
0x22: {  	[simem:s7], [sflag:s8] =	dma.local @!p0 [hbm:s6], $0xF7A  }
0x23: {  	s9 =	sor.u32 $0xD0000000, s2;
	s6 =	simm.s32 $0x108;
	_ =	swait.ge @!p0 [sflag:s8], $0x0  }
0x24: {  	s3 =	sadd.s32 $0x88, s3;
	s6 =	simm.s32 @!p1 $0x1082;
	[sflag:s4] =	ssyncset.s32 $0xFFFFF086  }
0x25: {  	[simem:s6], [sflag:s4] =	dma.local [hbm:s3], $0xF7A  }
0x26: {  	[smem:$0x3F88] =	sst s1;
	(tag) =	ssettag s2;
	_ =	strace s9  }
0x27: {  	s1 =	sld [smem:$0x3F98]  }
0x28: {  	s2 =	sld [smem:$0x3F99]  }
0x29: {  	s4 =	sld [smem:$0x3F9B]  }
0x2a: {  	p0 =	seq.s32 s5, $0x0;
	s5 =	sld [smem:$0x3F9C]  }
0x2b: {  	s6 =	sld [smem:$0x3F9D]  }
0x2c: {  	s7 =	sld [smem:$0x3F9E]  }
0x2d: {  	s3 =	simm.s32 $0x108;
	s8 =	sld [smem:$0x3F9F]  }
0x2e: {  	s3 =	simm.s32 @!p0 $0x1082;
	s9 =	sld [smem:$0x3FA0]  }
0x2f: {  	lr =	sadd.s32 s0, s3;
	s0 =	sld [smem:$0x3F97]  }
0x30: {  	s3 =	sld [smem:$0x3F9A]  }
0x31: {  	[smem:$0x3FA3] =	sst s10  }
0x32: {  	s10 =	sld [smem:$0x3FA1];
	_ =	sdelay $0x3  }
0x33: {  	p0 =	seq.s32 s10, $0x1;
	s10 =	sld [smem:$0x3FA3];
	_ =	sdelay $0x3  }
0x34: {  	[smem:$0x3FA3] =	sst s10  }
0x35: {  	s10 =	sld [smem:$0x3FA2];
	_ =	sdelay $0x3  }
0x36: {  	p1 =	seq.s32 s10, $0x1;
	s10 =	sld [smem:$0x3FA3];
	_ =	sdelay $0x3  }
0x37: {  	[smem:$0x3FA3] =	sst s10  }
0x38: {  	s10 =	sld [smem:$0x3FA4]  }
0x39: {  	_ = 	snop;
	(pc) =	sbr.ind lr, $3  }
0x3a: {  	_ = 	snop  }
0x3b: {  	_ = 	snop  }
0x3c: {  	p2 =	seq.s32 s10, $0x1;
	s10 =	sld [smem:$0x3FA3]  }
0x3d: {  	_ =	shalt  }
0x3e: {  	_ =	shalt  }
0x3f: {  	_ =	shalt  }
0x40: {  	_ =	shalt  }
0x41: {  	_ =	shalt  }
0x42: {  	_ =	shalt  }
0x43: {  	_ =	shalt  }
0x44: {  	_ =	shalt  }
0x45: {  	_ =	shalt  }
0x46: {  	_ =	shalt  }
0x47: {  	_ =	shalt  }
0x48: {  	_ =	shalt  }
0x49: {  	_ =	shalt  }
0x4a: {  	_ =	shalt  }
0x4b: {  	_ =	shalt  }
0x4c: {  	_ =	shalt  }
0x4d: {  	_ =	shalt  }
0x4e: {  	_ =	shalt  }
0x4f: {  	_ =	shalt  }
0x50: {  	_ =	shalt  }
0x51: {  	_ =	shalt  }
0x52: {  	_ =	shalt  }
0x53: {  	_ =	shalt  }
0x54: {  	_ =	shalt  }
0x55: {  	_ =	shalt  }
0x56: {  	_ =	shalt  }
0x57: {  	_ =	shalt  }
0x58: {  	_ =	shalt  }
0x59: {  	_ =	shalt  }
0x5a: {  	_ =	shalt  }
0x5b: {  	_ =	shalt  }
0x5c: {  	_ =	shalt  }
0x5d: {  	_ =	shalt  }
0x5e: {  	_ =	shalt  }
0x5f: {  	_ =	shalt  }
0x60: {  	_ =	shalt  }
0x61: {  	_ =	shalt  }
0x62: {  	_ =	shalt  }
0x63: {  	_ =	shalt  }
0x64: {  	_ =	shalt  }
0x65: {  	_ =	shalt  }
0x66: {  	_ =	shalt  }
0x67: {  	_ =	shalt  }
0x68: {  	_ =	shalt  }
0x69: {  	_ =	shalt  }
0x6a: {  	_ =	shalt  }
0x6b: {  	_ =	shalt  }
0x6c: {  	_ =	shalt  }
0x6d: {  	_ =	shalt  }
0x6e: {  	_ =	shalt  }
0x6f: {  	_ =	shalt  }
0x70: {  	_ =	shalt  }
0x71: {  	_ =	shalt  }
0x72: {  	_ =	shalt  }
0x73: {  	_ =	shalt  }
0x74: {  	_ =	shalt  }
0x75: {  	_ =	shalt  }
0x76: {  	_ =	shalt  }
0x77: {  	_ =	shalt  }
0x78: {  	_ =	shalt  }
0x79: {  	_ =	shalt  }
0x7a: {  	_ =	shalt  }
0x7b: {  	_ =	shalt  }
0x7c: {  	_ =	shalt  }
0x7d: {  	_ =	shalt  }
0x7e: {  	_ =	shalt  }
0x7f: {  	_ =	shalt  }
0x80: {  	_ =	shalt  }
0x81: {  	_ =	shalt  }
0x82: {  	_ =	shalt  }
0x83: {  	_ =	shalt  }
0x84: {  	_ =	shalt  }
0x85: {  	_ =	shalt  }
0x86: {  	_ =	shalt  }
0x87: {  	_ =	shalt  }
.Lfunc_end0:
.L_simem_size_0:
called_computation.3_lowered:
.L_overlay_start_0:
0x88: {  	s2 =	sld [smem:$0x3FD9]  }
0x89: {  	s3 =	sld [smem:$0x3FFE];
	_ =	sdelay $0x1  }
0x8a: {  	s1 =	srdreg.scid  }
0x8b: {  	s0 =	sand.u32 $0x1, s1  }
0x8c: {  	s16 =	sshll.u32 s0, $0xA;
	s2 =	sadd.s32 s3, s2  }
0x8d: {  	s2 =	sadd.s32 s2, s16  }
0x8e: {  	[smem:$0x3FAF] =	sst s2  }
0x8f: {  	_ = 	snop  }
0x90: {  	(tm) =	ssettm $0x1  }
0x91: {  	s17 =	sld [smem:$0x3FFB];
	_ =	sdelay $0x3  }
0x92: {  	_ =	strace s17  }
0x93: {  	s2 =	sld [smem:$0x3FFC];
	_ =	sdelay $0x3  }
0x94: {  	_ =	strace s2  }
0x95: {  	s2 =	sld [smem:$0x3FFD];
	_ =	sdelay $0x3  }
0x96: {  	_ =	strace s2  }
0x97: {  	_ =	strace $0x8FFFFFFF  }
0x98: {  	s18 =	sld [smem:$0x3FDB];
	_ =	sdelay $0x1  }
0x99: {  	s19 =	simm.s32 $_scs_section_size  }
0x9a: {  	s4 =	simm.s32 $_size__tile_overlayer_lowered;
	s5 =	simm.s32 $_tile_overlayer_lowered  }
0x9b: {  	s22 =	simm.s32 $0x1BFF;
	s21 =	sshll.u32 s5, $0x1;
	s2 =	sadd.s32 s19, s18  }
0x9c: {  	s6 =	simm.s32 $0x0;
	s20 =	sshll.u32 s4, $0x1;
	s4 =	sadd.s32 s21, s2  }
0x9d: {  	[timem:s6], [sflag:s22] =	dma.local [hbm:s4], s20  }
0x9e: {  	_ =	swait.ge [sflag:s22], s20  }
0x9f: {  	s3 =	ssub.s32 $0x0, s20;
	[sflag:s22] =	ssyncset.done $0x0  }
0xa0: {  	[sflag:s22] =	ssyncadd.s32 s3;
	_ =	sdelay $0x1  }
0xa1: {  	s23 =	simm.s32 $0x1B8B  }
0xa2: {  	_ =	swait.ge [sflag:s23], $0x1  }
0xa3: {  	[sflag:s23] =	ssyncset.done $0x0  }
0xa4: {  	s25 =	simm.s32 $0x1B8E;
	s24 =	sld [smem:$0x3FFE];
	[sflag:s23] =	ssyncadd.s32 $0xFFFFFFFF  }
0xa5: {  	s26 =	simm.s32 $execute0_lowered;
	[smem:$0x3FD2] =	sst s25  }
0xa6: {  	s4 =	sshll.u32 s26, $0x1;
	_ =	strace $0x8000004F;
	[dreg:$0x1] =	wrdreg $0xFFFFFFFF  }
0xa7: {  	s28 =	simm.s32 $_size_execute0_lowered;
	s2 =	sadd.s32 s2, s4;
	[dreg:$0x0] =	wrdreg $0x0  }
0xa8: {  	s4 =	sshll.u32 s28, $0x1;
	[dreg:$0x2] =	wrdreg s2  }
0xa9: {  	[dreg:$0x3] =	wrdreg s4  }
0xaa: {  	[dreg:$0x4] =	wrdreg $0xC0  }
0xab: {  	_ =	task [dreg:s6], $0x5FFFF  }
0xac: {  	[dreg:$0x1] =	wrdreg $0xFFFFFFFF  }
0xad: {  	[dreg:$0x0] =	wrdreg $0x60  }
0xae: {  	[dreg:$0x2] =	wrdreg s24  }
0xaf: {  	[dreg:$0x3] =	wrdreg $0x9  }
0xb0: {  	_ =	task.clear_ibuf [dreg:s6], $0x4FFFF;
	_ =	strace $0x9000004F  }
0xb1: {  	s29 =	simm.s32 $0x9;
	_ =	strace $0x80000051  }
0xb2: {  	_ =	swait.ge [sflag:s29], $0x1  }
0xb3: {  	[sflag:s29] =	ssyncadd.s32 $0xFFFFFFFF  }
0xb4: {  	_ =	strace $0x90000051  }
0xb5: {  	_ =	sfence  }
0xb6: {  	s30 =	sld [smem:$0x0];
	_ =	sdelay $0x2  }
0xb7: {  	s31 =	sshll.u32 s1, $0xD;
	s1 =	sshrl.u32 s1, $0x2  }
0xb8: {  	s3 =	sand.u32 $0x4000, s31;
	s1 =	sadd.s32 s1, s30  }
0xb9: {  	s0 =	sor.u32 s3, s0;
	s1 =	sshll.u32 s1, $0x11  }
0xba: {  	s0 =	sor.u32 s1, s0  }
0xbb: {  	s0 =	sadd.s32 $0x8F2B, s0  }
0xbc: {  	[sflag:s0] =	ssyncadd.remote.s32 $0x1  }
0xbd: {  	_ =	sfence.sel $0xFFFF  }
0xbe: {  	[dreg:$0x0] =	wrdreg $0xFFFFFFFF;
	(pc) =	sbr.abs _section_cstart, $3  }
0xbf: {  	[dreg:$0x1] =	wrdreg $0xFFFFFFFF  }
0xc0: {  	_ =	task.clear_ibuf [dreg:s6], $0x2FFFF;
	_ =	strace $0x9FFFFFFF  }
0xc1: {  	(tm) =	ssettm $0x7FFFFFFF  }
tec
execute0_lowered:
.L_overlay_start_1:
0x0: {  	(tag) =	ssettag $0x1  }
0x1: {  	s1 =	srdreg.scid;
	s0 =	stileid.u32  }
0x2: {  	s6 =	rddreg [dreg:$0x0];
	s7 =	simm.s32 $0x1;
	s1 =	sshll.u32 s1, $0x5  }
0x3: {  	s30 =	simm.s32 $0x2;
	s2 =	sshll.u32 s0, $0x6;
	s3 =	sand.u32 $0x20, s1  }
0x4: {  	s31 =	simm.s32 $0x3;
	s11 =	simm.s32 $0x0;
	s2 =	sor.u32 s2, s3  }
0x5: {  	s9 =	simm.s32 $0x0;
	s4 =	sadd.s32 $0x400, s6;
	s5 =	ssub.s32 $0x800, s2  }
0x6: {  	s1 =	rddreg [dreg:$0x1];
	_ =	strace $0x80000050;
	s8 =	sand.u32 $0x3E0, s5  }
0x7: {  	s3 =	sadd.s32 $0xA00, s6;
	[sflag:s7] =	ssyncpa.u1 $0x0;
	p0 =	sne.s32 s8, $0x0  }
0x8: {  	s6 =	sadd.s32 $0x600, s6;
	s5 =	sshrl.u32 s5, $0xA;
	s7 =	simm.s32 @!p0 $0x0  }
0x9: {  	[sflag:s30] =	ssyncpa.u1 $0x0;
	s10 =	smov.u32 s2;
	s5 =	sadd.s32 s7, s5  }
0xa: {  	[sflag:s31] =	ssyncpa.u1 $0x0;
	s8 =	simm.s32 $0x0;
	s7 =	sadd.s32 $0x1, s5  }
.LBB2_1:
0xb: {  	p0 =	sge.u32 s9, s5  }
0xc: {  	s31 =	sadd.s32 $0xFFFFFFFF, s9;
	s12 =	sxor.u32 @!p0 $0xFFFFFFFF, s8;
	s13 =	sshrl.u32 @!p0 s10, $0x3  }
0xd: {  	s14 =	sand.u32 @!p0 $0x7, s10;
	s12 =	sand.u32 @!p0 $0x20, s12;
	s13 =	sadd.s32 @!p0 s4, s13  }
0xe: {  	[tilespmem:s12], [sflag:$0x2] =	stream.linear.gather @!p0 [hbm4b:s13+s14], $0x20, $0x38;
	[tilespmem:$0x80] =	vst v63  }
0xf: {  	p0 =	sge.u32 s31, s5  }
0x10: {  	s12 =	simm.s32 @!p0 $0x2  }
0x11: {  	_ =	swait.ge @!p0 [sflag:s12], $0x20  }
0x12: {  	[sflag:s12] =	ssyncset.done @!p0 $0x0  }
0x13: {  	[sflag:s12] =	ssyncadd.s32 @!p0 $0xFFFFFFE0;
	s12 =	sand.u32 @!p0 $0x20, s8  }
0x14: {  	(ifvalue) =	ssetifvalue @!p0 $0x7FFFFFFF;
	v0 =	vld.msk @!p0 [tilespmem:s12+$0x0 ss:$0x1], $0xffff;
	_ =	sdelay $0x4  }
0x15: {  	vm0 =	vgt.s32 @!p0 v0, $0x0  }
0x16: {  	v0 =	vnsel @!p0 vm0, $0x0, v0  }
0x17: {  	v0 =	vmin.u32 @!p0 v0, $0xCFF;
	_ =	sdelay $0x2  }
0x18: {  	s14 =	simm.s32 @!p0 $0x0  }
0x19: {  	s13 =	sor.u32 @!p0 $0x40, s12;
	(ifvalue) =	ssetifvalue @!p0 $0x7FFFFFFF;
	s15 =	sor.u32 @!p0 $0x10, s12;
	vm0 =	vmmov @!p0 $0xffff  }
0x1a: {  	[tilespmem:s13], [sflag:$0x1] =	stream.indirect_vreg.gather @!p0 [hbm4b:s3+s14], $0x1, v0, vm0, $0x4038;
	[tilespmem:$0x80] =	vst v63  }
0x1b: {  	v0 =	vld.msk @!p0 [tilespmem:s15+$0x0 ss:$0x1], $0xffff;
	_ =	sdelay $0x4  }
0x1c: {  	vm1 =	vgt.s32 @!p0 v0, $0x0  }
0x1d: {  	v0 =	vnsel @!p0 vm1, $0x0, v0  }
0x1e: {  	v0 =	vmin.u32 @!p0 v0, $0xCFF;
	_ =	sdelay $0x3  }
0x1f: {  	s12 =	sor.u32 @!p0 $0x50, s12;
	(ifvalue) =	ssetifvalue @!p0 $0x7FFFFFFF  }
0x20: {  	[tilespmem:s12], [sflag:$0x1] =	stream.indirect_vreg.gather @!p0 [hbm4b:s3+s14], $0x1, v0, vm0, $0x4038;
	[tilespmem:$0x80] =	vst v63  }
0x21: {  	s12 =	simm.s32 @!p0 $0x1  }
0x22: {  	_ =	swait.ge @!p0 [sflag:s12], $0x20  }
0x23: {  	s14 =	sshrl.u32 @!p0 s11, $0x3;
	[sflag:s12] =	ssyncset.done @!p0 $0x0  }
0x24: {  	s11 =	sand.u32 @!p0 $0x7, s11;
	[sflag:s12] =	ssyncadd.s32 @!p0 $0xFFFFFFE0;
	s12 =	sadd.s32 @!p0 s6, s14  }
0x25: {  	[hbm4b:s12+s11] =	stream.linear.scatter @!p0 [tilespmem:s13], [sflag:$0x3], $0x20, $0x38;
	[tilespmem:$0x80] =	vst v63  }
0x26: {  	s13 =	sadd.s32 $0x400, s10  }
0x27: {  	p1 =	sgt.s32 s13, $0x7FF  }
0x28: {  	s13 =	smov.u32 @p1 s2;
	p1 =	sne.s32 s9, s7  }
.Ltmp0:
0x29: {  	p0 =	slt.u32 s9, $0x2;
	(pc) =	sbr.rel @p1 .LBB2_1-.Ltmp0, $4  }
0x2a: {  	s12 =	simm.s32 @!p0 $0x3  }
0x2b: {  	_ =	swait.ge @!p0 [sflag:s12], $0x20  }
0x2c: {  	s8 =	sadd.s32 $0x20, s8;
	s11 =	smov.u32 s10;
	[sflag:s12] =	ssyncset.done @!p0 $0x0  }
0x2d: {  	s9 =	sadd.s32 $0x1, s9;
	s10 =	smov.u32 s13;
	[sflag:s12] =	ssyncadd.s32 @!p0 $0xFFFFFFE0  }
0x2e: {  	_ =	sfence.sel $0x180000  }
0x2f: {  	s2 =	simm.s32 $0x2;
	[bflag:$0x0] =	sbarrier.arrive $0xFFFF  }
0x30: {  	s30 =	simm.s32 $0x3;
	[sflag:s2] =	ssyncpa.u1 $0x1  }
0x31: {  	s31 =	simm.s32 $0x1;
	[sflag:s30] =	ssyncpa.u1 $0x1  }
0x32: {  	[sflag:s31] =	ssyncpa.u1 $0x1  }
0x33: {  	p0 =	sne.s32 s0, $0x0;
	_ =	strace $0x90000050  }
0x34: {  	s0 =	sadd.s32 @!p0 $0x100000, s1;
	[bflag:$0x2] =	sbarrier.arrive $0xFFFF  }
0x35: {  	[sflag:s0] =	ssyncadd.tile.s32 @!p0 $0x1;
	_ =	shalt  }
.Lfunc_end2:
_tile_overlayer_lowered:
.L_overlay_start_2:
0x36: {  	(tag) =	ssettag $0x2  }
0x37: {  	s0 =	rddreg [dreg:$0x0];
	s2 =	stileid.u32  }
0x38: {  	s1 =	rddreg [dreg:$0x1];
	p0 =	sne.s32 s2, $0x0  }
0x39: {  	s3 =	rddreg [dreg:$0x2];
	[bflag:$0x3] =	sbarrier.arrive $0xFFFF;
	s2 =	simm.s32 @!p0 $0x1C01  }
0x3a: {  	[timem:s3], [sflag:s2] =	dma.local @!p0 [hbm:s0], s1  }
0x3b: {  	s0 =	simm.s32 @!p0 $0x1  }
0x3c: {  	_ =	swait.ge @!p0 [sflag:s0], s1  }
0x3d: {  	s1 =	ssub.s32 @!p0 $0x0, s1;
	[sflag:s0] =	ssyncset.done @!p0 $0x0  }
0x3e: {  	[sflag:s0] =	ssyncadd.s32 @!p0 s1  }
0x3f: {  	[bflag:$0x3] =	sbarrier.arrive $0xFFFF  }
0x40: {  	_ =	shalt  }

// kernel: gather_offload_async_start.3
scs
__scs_entry_jumppad:
0x0: {  	(pc) =	sbr.rel $0x88, $3  }
0x1: {  	(tag) =	ssettag $0x0;
	lr =	simm.s32 $0x1  }
0x2: {  	[smem:$0x3F88] =	sst lr;
	_ =	strace $0xD0000000  }
0x3: {  	_ = 	snop  }
0x4: {  	_ = 	snop  }
0x5: {  	_ = 	snop  }
0x6: {  	_ = 	snop  }
0x7: {  	_ = 	snop  }
__scs_overlays_trampoline_lowered:
0x8: {  	[smem:$0x3F97] =	sst s0  }
0x9: {  	[smem:$0x3F98] =	sst s1  }
0xa: {  	[smem:$0x3F99] =	sst s2  }
0xb: {  	[smem:$0x3F9A] =	sst s3  }
0xc: {  	[smem:$0x3F9B] =	sst s4  }
0xd: {  	[smem:$0x3F9C] =	sst s5  }
0xe: {  	[smem:$0x3F9D] =	sst s6  }
0xf: {  	[smem:$0x3F9E] =	sst s7  }
0x10: {  	[smem:$0x3F9F] =	sst s8  }
0x11: {  	[smem:$0x3FA0] =	sst s9;
	s0 =	simm.s32 @!p0 $0x0  }
0x12: {  	s1 =	sld [smem:$0x3F86];
	s0 =	simm.s32 @p0 $0x1  }
0x13: {  	[smem:$0x3FA1] =	sst s0;
	s0 =	simm.s32 @!p1 $0x0  }
0x14: {  	s2 =	sld [smem:$0x3F85];
	s0 =	simm.s32 @p1 $0x1  }
0x15: {  	[smem:$0x3FA2] =	sst s0;
	s0 =	simm.s32 @!p2 $0x0  }
0x16: {  	s3 =	sld [smem:$0x3FDB];
	s0 =	simm.s32 @p2 $0x1  }
0x17: {  	s4 =	simm.s32 $0x1BF5;
	[smem:$0x3FA4] =	sst s0  }
0x18: {  	s0 =	sld [smem:$0x3F87];
	_ =	swait.ge [sflag:s4], $0x0  }
0x19: {  	s7 =	sld [smem:$0x3F88]  }
0x1a: {  	s8 =	sadd.s32 $0xFFFFE003, lr  }
0x1b: {  	s9 =	sadd.s32 $0xFFFFFEF7, lr;
	s5 =	simm.s32 $0xFFFFFFFF;
	p2 =	slt.u32 s8, $0xFFFFF086  }
0x1c: {  	p1 =	slt.u32 s9, $0xF7A;
	s5 =	simm.s32 @!p2 $0x0  }
0x1d: {  	s5 =	simm.s32 @p1 $0x1;
	p0 =	seq.s32 s7, s2  }
0x1e: {  	s7 =	smul.u32 @!p0 $0xF7A, s2;
	p2 =	seq.s32 @!p0 s5, $0x0  }
0x1f: {  	s9 =	smul.u32 $0xF7A, s1;
	s8 =	simm.s32 @!p0 $0x1BF5;
	p2 =	por !p2, p0  }
0x20: {  	[sflag:s8] =	ssyncset.s32 @!p0 $0xFFFFF086;
	s6 =	sadd.s32 @!p0 s3, s7;
	s7 =	simm.s32 @!p0 $0x108  }
0x21: {  	s3 =	sadd.s32 s3, s9;
	s6 =	sadd.s32 @!p0 $0x88, s6;
	s7 =	simm.s32 @p2 $0x1082  }
0x22: {  	[simem:s7], [sflag:s8] =	dma.local @!p0 [hbm:s6], $0xF7A  }
0x23: {  	s9 =	sor.u32 $0xD0000000, s2;
	s6 =	simm.s32 $0x108;
	_ =	swait.ge @!p0 [sflag:s8], $0x0  }
0x24: {  	s3 =	sadd.s32 $0x88, s3;
	s6 =	simm.s32 @!p1 $0x1082;
	[sflag:s4] =	ssyncset.s32 $0xFFFFF086  }
0x25: {  	[simem:s6], [sflag:s4] =	dma.local [hbm:s3], $0xF7A  }
0x26: {  	[smem:$0x3F88] =	sst s1;
	(tag) =	ssettag s2;
	_ =	strace s9  }
0x27: {  	s1 =	sld [smem:$0x3F98]  }
0x28: {  	s2 =	sld [smem:$0x3F99]  }
0x29: {  	s4 =	sld [smem:$0x3F9B]  }
0x2a: {  	p0 =	seq.s32 s5, $0x0;
	s5 =	sld [smem:$0x3F9C]  }
0x2b: {  	s6 =	sld [smem:$0x3F9D]  }
0x2c: {  	s7 =	sld [smem:$0x3F9E]  }
0x2d: {  	s3 =	simm.s32 $0x108;
	s8 =	sld [smem:$0x3F9F]  }
0x2e: {  	s3 =	simm.s32 @!p0 $0x1082;
	s9 =	sld [smem:$0x3FA0]  }
0x2f: {  	lr =	sadd.s32 s0, s3;
	s0 =	sld [smem:$0x3F97]  }
0x30: {  	s3 =	sld [smem:$0x3F9A]  }
0x31: {  	[smem:$0x3FA3] =	sst s10  }
0x32: {  	s10 =	sld [smem:$0x3FA1];
	_ =	sdelay $0x3  }
0x33: {  	p0 =	seq.s32 s10, $0x1;
	s10 =	sld [smem:$0x3FA3];
	_ =	sdelay $0x3  }
0x34: {  	[smem:$0x3FA3] =	sst s10  }
0x35: {  	s10 =	sld [smem:$0x3FA2];
	_ =	sdelay $0x3  }
0x36: {  	p1 =	seq.s32 s10, $0x1;
	s10 =	sld [smem:$0x3FA3];
	_ =	sdelay $0x3  }
0x37: {  	[smem:$0x3FA3] =	sst s10  }
0x38: {  	s10 =	sld [smem:$0x3FA4]  }
0x39: {  	_ = 	snop;
	(pc) =	sbr.ind lr, $3  }
0x3a: {  	_ = 	snop  }
0x3b: {  	_ = 	snop  }
0x3c: {  	p2 =	seq.s32 s10, $0x1;
	s10 =	sld [smem:$0x3FA3]  }
0x3d: {  	_ =	shalt  }
0x3e: {  	_ =	shalt  }
0x3f: {  	_ =	shalt  }
0x40: {  	_ =	shalt  }
0x41: {  	_ =	shalt  }
0x42: {  	_ =	shalt  }
0x43: {  	_ =	shalt  }
0x44: {  	_ =	shalt  }
0x45: {  	_ =	shalt  }
0x46: {  	_ =	shalt  }
0x47: {  	_ =	shalt  }
0x48: {  	_ =	shalt  }
0x49: {  	_ =	shalt  }
0x4a: {  	_ =	shalt  }
0x4b: {  	_ =	shalt  }
0x4c: {  	_ =	shalt  }
0x4d: {  	_ =	shalt  }
0x4e: {  	_ =	shalt  }
0x4f: {  	_ =	shalt  }
0x50: {  	_ =	shalt  }
0x51: {  	_ =	shalt  }
0x52: {  	_ =	shalt  }
0x53: {  	_ =	shalt  }
0x54: {  	_ =	shalt  }
0x55: {  	_ =	shalt  }
0x56: {  	_ =	shalt  }
0x57: {  	_ =	shalt  }
0x58: {  	_ =	shalt  }
0x59: {  	_ =	shalt  }
0x5a: {  	_ =	shalt  }
0x5b: {  	_ =	shalt  }
0x5c: {  	_ =	shalt  }
0x5d: {  	_ =	shalt  }
0x5e: {  	_ =	shalt  }
0x5f: {  	_ =	shalt  }
0x60: {  	_ =	shalt  }
0x61: {  	_ =	shalt  }
0x62: {  	_ =	shalt  }
0x63: {  	_ =	shalt  }
0x64: {  	_ =	shalt  }
0x65: {  	_ =	shalt  }
0x66: {  	_ =	shalt  }
0x67: {  	_ =	shalt  }
0x68: {  	_ =	shalt  }
0x69: {  	_ =	shalt  }
0x6a: {  	_ =	shalt  }
0x6b: {  	_ =	shalt  }
0x6c: {  	_ =	shalt  }
0x6d: {  	_ =	shalt  }
0x6e: {  	_ =	shalt  }
0x6f: {  	_ =	shalt  }
0x70: {  	_ =	shalt  }
0x71: {  	_ =	shalt  }
0x72: {  	_ =	shalt  }
0x73: {  	_ =	shalt  }
0x74: {  	_ =	shalt  }
0x75: {  	_ =	shalt  }
0x76: {  	_ =	shalt  }
0x77: {  	_ =	shalt  }
0x78: {  	_ =	shalt  }
0x79: {  	_ =	shalt  }
0x7a: {  	_ =	shalt  }
0x7b: {  	_ =	shalt  }
0x7c: {  	_ =	shalt  }
0x7d: {  	_ =	shalt  }
0x7e: {  	_ =	shalt  }
0x7f: {  	_ =	shalt  }
0x80: {  	_ =	shalt  }
0x81: {  	_ =	shalt  }
0x82: {  	_ =	shalt  }
0x83: {  	_ =	shalt  }
0x84: {  	_ =	shalt  }
0x85: {  	_ =	shalt  }
0x86: {  	_ =	shalt  }
0x87: {  	_ =	shalt  }
.Lfunc_end0:
.L_simem_size_0:
called_computation.4_lowered:
.L_overlay_start_0:
0x88: {  	s2 =	sld [smem:$0x3FD9]  }
0x89: {  	s3 =	sld [smem:$0x3FFE];
	_ =	sdelay $0x1  }
0x8a: {  	s1 =	srdreg.scid  }
0x8b: {  	s0 =	sand.u32 $0x1, s1  }
0x8c: {  	s16 =	sshll.u32 s0, $0xA;
	s2 =	sadd.s32 s3, s2  }
0x8d: {  	s2 =	sadd.s32 s2, s16  }
0x8e: {  	[smem:$0x3FAF] =	sst s2  }
0x8f: {  	_ = 	snop  }
0x90: {  	(tm) =	ssettm $0x1  }
0x91: {  	s17 =	sld [smem:$0x3FFB];
	_ =	sdelay $0x3  }
0x92: {  	_ =	strace s17  }
0x93: {  	s2 =	sld [smem:$0x3FFC];
	_ =	sdelay $0x3  }
0x94: {  	_ =	strace s2  }
0x95: {  	s2 =	sld [smem:$0x3FFD];
	_ =	sdelay $0x3  }
0x96: {  	_ =	strace s2  }
0x97: {  	_ =	strace $0x8FFFFFFF  }
0x98: {  	s18 =	sld [smem:$0x3FDB];
	_ =	sdelay $0x1  }
0x99: {  	s19 =	simm.s32 $_scs_section_size  }
0x9a: {  	s4 =	simm.s32 $_size__tile_overlayer_lowered;
	s5 =	simm.s32 $_tile_overlayer_lowered  }
0x9b: {  	s22 =	simm.s32 $0x1BFF;
	s21 =	sshll.u32 s5, $0x1;
	s2 =	sadd.s32 s19, s18  }
0x9c: {  	s6 =	simm.s32 $0x0;
	s20 =	sshll.u32 s4, $0x1;
	s4 =	sadd.s32 s21, s2  }
0x9d: {  	[timem:s6], [sflag:s22] =	dma.local [hbm:s4], s20  }
0x9e: {  	_ =	swait.ge [sflag:s22], s20  }
0x9f: {  	s3 =	ssub.s32 $0x0, s20;
	[sflag:s22] =	ssyncset.done $0x0  }
0xa0: {  	[sflag:s22] =	ssyncadd.s32 s3;
	_ =	sdelay $0x1  }
0xa1: {  	s23 =	simm.s32 $0x1B8B  }
0xa2: {  	_ =	swait.ge [sflag:s23], $0x1  }
0xa3: {  	[sflag:s23] =	ssyncset.done $0x0  }
0xa4: {  	s25 =	simm.s32 $0x1B8E;
	s24 =	sld [smem:$0x3FFE];
	[sflag:s23] =	ssyncadd.s32 $0xFFFFFFFF  }
0xa5: {  	s26 =	simm.s32 $execute0_lowered;
	[smem:$0x3FD2] =	sst s25  }
0xa6: {  	s4 =	sshll.u32 s26, $0x1;
	_ =	strace $0x80000052;
	[dreg:$0x1] =	wrdreg $0xFFFFFFFF  }
0xa7: {  	s28 =	simm.s32 $_size_execute0_lowered;
	s2 =	sadd.s32 s2, s4;
	[dreg:$0x0] =	wrdreg $0x0  }
0xa8: {  	s4 =	sshll.u32 s28, $0x1;
	[dreg:$0x2] =	wrdreg s2  }
0xa9: {  	[dreg:$0x3] =	wrdreg s4  }
0xaa: {  	[dreg:$0x4] =	wrdreg $0xC0  }
0xab: {  	_ =	task [dreg:s6], $0x5FFFF  }
0xac: {  	[dreg:$0x1] =	wrdreg $0xFFFFFFFF  }
0xad: {  	[dreg:$0x0] =	wrdreg $0x60  }
0xae: {  	[dreg:$0x2] =	wrdreg s24  }
0xaf: {  	[dreg:$0x3] =	wrdreg $0x9  }
0xb0: {  	_ =	task.clear_ibuf [dreg:s6], $0x4FFFF;
	_ =	strace $0x90000052  }
0xb1: {  	s29 =	simm.s32 $0x9;
	_ =	strace $0x80000054  }
0xb2: {  	_ =	swait.ge [sflag:s29], $0x1  }
0xb3: {  	[sflag:s29] =	ssyncadd.s32 $0xFFFFFFFF  }
0xb4: {  	_ =	strace $0x90000054  }
0xb5: {  	_ =	sfence  }
0xb6: {  	s30 =	sld [smem:$0x0];
	_ =	sdelay $0x2  }
0xb7: {  	s31 =	sshll.u32 s1, $0xD;
	s1 =	sshrl.u32 s1, $0x2  }
0xb8: {  	s3 =	sand.u32 $0x4000, s31;
	s1 =	sadd.s32 s1, s30  }
0xb9: {  	s0 =	sor.u32 s3, s0;
	s1 =	sshll.u32 s1, $0x11  }
0xba: {  	s0 =	sor.u32 s1, s0  }
0xbb: {  	s0 =	sadd.s32 $0x8F2B, s0  }
0xbc: {  	[sflag:s0] =	ssyncadd.remote.s32 $0x1  }
0xbd: {  	_ =	sfence.sel $0xFFFF  }
0xbe: {  	[dreg:$0x0] =	wrdreg $0xFFFFFFFF;
	(pc) =	sbr.abs _section_cstart, $3  }
0xbf: {  	[dreg:$0x1] =	wrdreg $0xFFFFFFFF  }
0xc0: {  	_ =	task.clear_ibuf [dreg:s6], $0x2FFFF;
	_ =	strace $0x9FFFFFFF  }
0xc1: {  	(tm) =	ssettm $0x7FFFFFFF  }
tec
execute0_lowered:
.L_overlay_start_1:
0x0: {  	(tag) =	ssettag $0x1  }
0x1: {  	s1 =	srdreg.scid  }
0x2: {  	s0 =	stileid.u32;
	s2 =	rddreg [dreg:$0x0];
	s1 =	sshll.u32 s1, $0x5  }
0x3: {  	s6 =	simm.s32 $0x1;
	s3 =	sshll.u32 s0, $0x6;
	s1 =	sand.u32 $0x20, s1  }
0x4: {  	s30 =	simm.s32 $0x2;
	s31 =	simm.s32 $0x3;
	s3 =	sor.u32 s3, s1  }
0x5: {  	s11 =	simm.s32 $0x0;
	s8 =	simm.s32 $0x0;
	s5 =	ssub.s32 $0x800, s3  }
0x6: {  	s9 =	simm.s32 $0x0;
	s4 =	sadd.s32 $0x200, s2;
	s7 =	sand.u32 $0x3E0, s5  }
0x7: {  	s1 =	rddreg [dreg:$0x1];
	_ =	strace $0x80000053;
	p0 =	sne.s32 s7, $0x0  }
0x8: {  	[sflag:s6] =	ssyncpa.u1 $0x0;
	s5 =	sshrl.u32 s5, $0xA;
	s6 =	simm.s32 @!p0 $0x0  }
0x9: {  	s10 =	smov.u32 s3;
	[sflag:s30] =	ssyncpa.u1 $0x0;
	s5 =	sadd.s32 s6, s5  }
0xa: {  	[sflag:s31] =	ssyncpa.u1 $0x0;
	s6 =	sadd.s32 $0x400, s2;
	s7 =	sadd.s32 $0x1, s5  }
.LBB2_1:
0xb: {  	p0 =	sge.u32 s9, s5  }
0xc: {  	s31 =	sadd.s32 $0xFFFFFFFF, s9;
	s12 =	sxor.u32 @!p0 $0xFFFFFFFF, s8;
	s13 =	sshrl.u32 @!p0 s10, $0x3  }
0xd: {  	s14 =	sand.u32 @!p0 $0x7, s10;
	s12 =	sand.u32 @!p0 $0x20, s12;
	s13 =	sadd.s32 @!p0 s4, s13  }
0xe: {  	[tilespmem:s12], [sflag:$0x2] =	stream.linear.gather @!p0 [hbm4b:s13+s14], $0x20, $0x38;
	[tilespmem:$0x80] =	vst v63  }
0xf: {  	p0 =	sge.u32 s31, s5  }
0x10: {  	s12 =	simm.s32 @!p0 $0x2  }
0x11: {  	_ =	swait.ge @!p0 [sflag:s12], $0x20  }
0x12: {  	[sflag:s12] =	ssyncset.done @!p0 $0x0  }
0x13: {  	[sflag:s12] =	ssyncadd.s32 @!p0 $0xFFFFFFE0;
	s12 =	sand.u32 @!p0 $0x20, s8  }
0x14: {  	(ifvalue) =	ssetifvalue @!p0 $0x7FFFFFFF;
	v0 =	vld.msk @!p0 [tilespmem:s12+$0x0 ss:$0x1], $0xffff;
	_ =	sdelay $0x4  }
0x15: {  	vm0 =	vgt.s32 @!p0 v0, $0x0  }
0x16: {  	v0 =	vnsel @!p0 vm0, $0x0, v0  }
0x17: {  	v0 =	vmin.u32 @!p0 v0, $0xFFF;
	_ =	sdelay $0x2  }
0x18: {  	s14 =	simm.s32 @!p0 $0x0  }
0x19: {  	s13 =	sor.u32 @!p0 $0x40, s12;
	(ifvalue) =	ssetifvalue @!p0 $0x7FFFFFFF;
	s15 =	sor.u32 @!p0 $0x10, s12;
	vm0 =	vmmov @!p0 $0xffff  }
0x1a: {  	[tilespmem:s13], [sflag:$0x1] =	stream.indirect_vreg.gather @!p0 [hbm4b:s2+s14], $0x1, v0, vm0, $0x4038;
	[tilespmem:$0x80] =	vst v63  }
0x1b: {  	v0 =	vld.msk @!p0 [tilespmem:s15+$0x0 ss:$0x1], $0xffff;
	_ =	sdelay $0x4  }
0x1c: {  	vm1 =	vgt.s32 @!p0 v0, $0x0  }
0x1d: {  	v0 =	vnsel @!p0 vm1, $0x0, v0  }
0x1e: {  	v0 =	vmin.u32 @!p0 v0, $0xFFF;
	_ =	sdelay $0x3  }
0x1f: {  	s12 =	sor.u32 @!p0 $0x50, s12;
	(ifvalue) =	ssetifvalue @!p0 $0x7FFFFFFF  }
0x20: {  	[tilespmem:s12], [sflag:$0x1] =	stream.indirect_vreg.gather @!p0 [hbm4b:s2+s14], $0x1, v0, vm0, $0x4038;
	[tilespmem:$0x80] =	vst v63  }
0x21: {  	s12 =	simm.s32 @!p0 $0x1  }
0x22: {  	_ =	swait.ge @!p0 [sflag:s12], $0x20  }
0x23: {  	s14 =	sshrl.u32 @!p0 s11, $0x3;
	[sflag:s12] =	ssyncset.done @!p0 $0x0  }
0x24: {  	s11 =	sand.u32 @!p0 $0x7, s11;
	[sflag:s12] =	ssyncadd.s32 @!p0 $0xFFFFFFE0;
	s12 =	sadd.s32 @!p0 s6, s14  }
0x25: {  	[hbm4b:s12+s11] =	stream.linear.scatter @!p0 [tilespmem:s13], [sflag:$0x3], $0x20, $0x38;
	[tilespmem:$0x80] =	vst v63  }
0x26: {  	s13 =	sadd.s32 $0x400, s10  }
0x27: {  	p1 =	sgt.s32 s13, $0x7FF  }
0x28: {  	s13 =	smov.u32 @p1 s3;
	p1 =	sne.s32 s9, s7  }
.Ltmp0:
0x29: {  	p0 =	slt.u32 s9, $0x2;
	(pc) =	sbr.rel @p1 .LBB2_1-.Ltmp0, $4  }
0x2a: {  	s12 =	simm.s32 @!p0 $0x3  }
0x2b: {  	_ =	swait.ge @!p0 [sflag:s12], $0x20  }
0x2c: {  	s8 =	sadd.s32 $0x20, s8;
	s11 =	smov.u32 s10;
	[sflag:s12] =	ssyncset.done @!p0 $0x0  }
0x2d: {  	s9 =	sadd.s32 $0x1, s9;
	s10 =	smov.u32 s13;
	[sflag:s12] =	ssyncadd.s32 @!p0 $0xFFFFFFE0  }
0x2e: {  	_ =	sfence.sel $0x180000  }
0x2f: {  	s2 =	simm.s32 $0x2;
	[bflag:$0x0] =	sbarrier.arrive $0xFFFF  }
0x30: {  	s30 =	simm.s32 $0x3;
	[sflag:s2] =	ssyncpa.u1 $0x1  }
0x31: {  	s31 =	simm.s32 $0x1;
	[sflag:s30] =	ssyncpa.u1 $0x1  }
0x32: {  	[sflag:s31] =	ssyncpa.u1 $0x1  }
0x33: {  	p0 =	sne.s32 s0, $0x0;
	_ =	strace $0x90000053  }
0x34: {  	s0 =	sadd.s32 @!p0 $0x100000, s1;
	[bflag:$0x2] =	sbarrier.arrive $0xFFFF  }
0x35: {  	[sflag:s0] =	ssyncadd.tile.s32 @!p0 $0x1;
	_ =	shalt  }
.Lfunc_end2:
_tile_overlayer_lowered:
.L_overlay_start_2:
0x36: {  	(tag) =	ssettag $0x2  }
0x37: {  	s0 =	rddreg [dreg:$0x0];
	s2 =	stileid.u32  }
0x38: {  	s1 =	rddreg [dreg:$0x1];
	p0 =	sne.s32 s2, $0x0  }
0x39: {  	s3 =	rddreg [dreg:$0x2];
	[bflag:$0x3] =	sbarrier.arrive $0xFFFF;
	s2 =	simm.s32 @!p0 $0x1C01  }
0x3a: {  	[timem:s3], [sflag:s2] =	dma.local @!p0 [hbm:s0], s1  }
0x3b: {  	s0 =	simm.s32 @!p0 $0x1  }
0x3c: {  	_ =	swait.ge @!p0 [sflag:s0], s1  }
0x3d: {  	s1 =	ssub.s32 @!p0 $0x0, s1;
	[sflag:s0] =	ssyncset.done @!p0 $0x0  }
0x3e: {  	[sflag:s0] =	ssyncadd.s32 @!p0 s1  }
0x3f: {  	[bflag:$0x3] =	sbarrier.arrive $0xFFFF  }
0x40: {  	_ =	shalt  }

// kernel: gather_offload_async_start
scs
__scs_entry_jumppad:
0x0: {  	(pc) =	sbr.rel $0x88, $3  }
0x1: {  	(tag) =	ssettag $0x0;
	lr =	simm.s32 $0x1  }
0x2: {  	[smem:$0x3F88] =	sst lr;
	_ =	strace $0xD0000000  }
0x3: {  	_ = 	snop  }
0x4: {  	_ = 	snop  }
0x5: {  	_ = 	snop  }
0x6: {  	_ = 	snop  }
0x7: {  	_ = 	snop  }
__scs_overlays_trampoline_lowered:
0x8: {  	[smem:$0x3F97] =	sst s0  }
0x9: {  	[smem:$0x3F98] =	sst s1  }
0xa: {  	[smem:$0x3F99] =	sst s2  }
0xb: {  	[smem:$0x3F9A] =	sst s3  }
0xc: {  	[smem:$0x3F9B] =	sst s4  }
0xd: {  	[smem:$0x3F9C] =	sst s5  }
0xe: {  	[smem:$0x3F9D] =	sst s6  }
0xf: {  	[smem:$0x3F9E] =	sst s7  }
0x10: {  	[smem:$0x3F9F] =	sst s8  }
0x11: {  	[smem:$0x3FA0] =	sst s9;
	s0 =	simm.s32 @!p0 $0x0  }
0x12: {  	s1 =	sld [smem:$0x3F86];
	s0 =	simm.s32 @p0 $0x1  }
0x13: {  	[smem:$0x3FA1] =	sst s0;
	s0 =	simm.s32 @!p1 $0x0  }
0x14: {  	s2 =	sld [smem:$0x3F85];
	s0 =	simm.s32 @p1 $0x1  }
0x15: {  	[smem:$0x3FA2] =	sst s0;
	s0 =	simm.s32 @!p2 $0x0  }
0x16: {  	s3 =	sld [smem:$0x3FDB];
	s0 =	simm.s32 @p2 $0x1  }
0x17: {  	s4 =	simm.s32 $0x1BF5;
	[smem:$0x3FA4] =	sst s0  }
0x18: {  	s0 =	sld [smem:$0x3F87];
	_ =	swait.ge [sflag:s4], $0x0  }
0x19: {  	s7 =	sld [smem:$0x3F88]  }
0x1a: {  	s8 =	sadd.s32 $0xFFFFE003, lr  }
0x1b: {  	s9 =	sadd.s32 $0xFFFFFEF7, lr;
	s5 =	simm.s32 $0xFFFFFFFF;
	p2 =	slt.u32 s8, $0xFFFFF086  }
0x1c: {  	p1 =	slt.u32 s9, $0xF7A;
	s5 =	simm.s32 @!p2 $0x0  }
0x1d: {  	s5 =	simm.s32 @p1 $0x1;
	p0 =	seq.s32 s7, s2  }
0x1e: {  	s7 =	smul.u32 @!p0 $0xF7A, s2;
	p2 =	seq.s32 @!p0 s5, $0x0  }
0x1f: {  	s9 =	smul.u32 $0xF7A, s1;
	s8 =	simm.s32 @!p0 $0x1BF5;
	p2 =	por !p2, p0  }
0x20: {  	[sflag:s8] =	ssyncset.s32 @!p0 $0xFFFFF086;
	s6 =	sadd.s32 @!p0 s3, s7;
	s7 =	simm.s32 @!p0 $0x108  }
0x21: {  	s3 =	sadd.s32 s3, s9;
	s6 =	sadd.s32 @!p0 $0x88, s6;
	s7 =	simm.s32 @p2 $0x1082  }
0x22: {  	[simem:s7], [sflag:s8] =	dma.local @!p0 [hbm:s6], $0xF7A  }
0x23: {  	s9 =	sor.u32 $0xD0000000, s2;
	s6 =	simm.s32 $0x108;
	_ =	swait.ge @!p0 [sflag:s8], $0x0  }
0x24: {  	s3 =	sadd.s32 $0x88, s3;
	s6 =	simm.s32 @!p1 $0x1082;
	[sflag:s4] =	ssyncset.s32 $0xFFFFF086  }
0x25: {  	[simem:s6], [sflag:s4] =	dma.local [hbm:s3], $0xF7A  }
0x26: {  	[smem:$0x3F88] =	sst s1;
	(tag) =	ssettag s2;
	_ =	strace s9  }
0x27: {  	s1 =	sld [smem:$0x3F98]  }
0x28: {  	s2 =	sld [smem:$0x3F99]  }
0x29: {  	s4 =	sld [smem:$0x3F9B]  }
0x2a: {  	p0 =	seq.s32 s5, $0x0;
	s5 =	sld [smem:$0x3F9C]  }
0x2b: {  	s6 =	sld [smem:$0x3F9D]  }
0x2c: {  	s7 =	sld [smem:$0x3F9E]  }
0x2d: {  	s3 =	simm.s32 $0x108;
	s8 =	sld [smem:$0x3F9F]  }
0x2e: {  	s3 =	simm.s32 @!p0 $0x1082;
	s9 =	sld [smem:$0x3FA0]  }
0x2f: {  	lr =	sadd.s32 s0, s3;
	s0 =	sld [smem:$0x3F97]  }
0x30: {  	s3 =	sld [smem:$0x3F9A]  }
0x31: {  	[smem:$0x3FA3] =	sst s10  }
0x32: {  	s10 =	sld [smem:$0x3FA1];
	_ =	sdelay $0x3  }
0x33: {  	p0 =	seq.s32 s10, $0x1;
	s10 =	sld [smem:$0x3FA3];
	_ =	sdelay $0x3  }
0x34: {  	[smem:$0x3FA3] =	sst s10  }
0x35: {  	s10 =	sld [smem:$0x3FA2];
	_ =	sdelay $0x3  }
0x36: {  	p1 =	seq.s32 s10, $0x1;
	s10 =	sld [smem:$0x3FA3];
	_ =	sdelay $0x3  }
0x37: {  	[smem:$0x3FA3] =	sst s10  }
0x38: {  	s10 =	sld [smem:$0x3FA4]  }
0x39: {  	_ = 	snop;
	(pc) =	sbr.ind lr, $3  }
0x3a: {  	_ = 	snop  }
0x3b: {  	_ = 	snop  }
0x3c: {  	p2 =	seq.s32 s10, $0x1;
	s10 =	sld [smem:$0x3FA3]  }
0x3d: {  	_ =	shalt  }
0x3e: {  	_ =	shalt  }
0x3f: {  	_ =	shalt  }
0x40: {  	_ =	shalt  }
0x41: {  	_ =	shalt  }
0x42: {  	_ =	shalt  }
0x43: {  	_ =	shalt  }
0x44: {  	_ =	shalt  }
0x45: {  	_ =	shalt  }
0x46: {  	_ =	shalt  }
0x47: {  	_ =	shalt  }
0x48: {  	_ =	shalt  }
0x49: {  	_ =	shalt  }
0x4a: {  	_ =	shalt  }
0x4b: {  	_ =	shalt  }
0x4c: {  	_ =	shalt  }
0x4d: {  	_ =	shalt  }
0x4e: {  	_ =	shalt  }
0x4f: {  	_ =	shalt  }
0x50: {  	_ =	shalt  }
0x51: {  	_ =	shalt  }
0x52: {  	_ =	shalt  }
0x53: {  	_ =	shalt  }
0x54: {  	_ =	shalt  }
0x55: {  	_ =	shalt  }
0x56: {  	_ =	shalt  }
0x57: {  	_ =	shalt  }
0x58: {  	_ =	shalt  }
0x59: {  	_ =	shalt  }
0x5a: {  	_ =	shalt  }
0x5b: {  	_ =	shalt  }
0x5c: {  	_ =	shalt  }
0x5d: {  	_ =	shalt  }
0x5e: {  	_ =	shalt  }
0x5f: {  	_ =	shalt  }
0x60: {  	_ =	shalt  }
0x61: {  	_ =	shalt  }
0x62: {  	_ =	shalt  }
0x63: {  	_ =	shalt  }
0x64: {  	_ =	shalt  }
0x65: {  	_ =	shalt  }
0x66: {  	_ =	shalt  }
0x67: {  	_ =	shalt  }
0x68: {  	_ =	shalt  }
0x69: {  	_ =	shalt  }
0x6a: {  	_ =	shalt  }
0x6b: {  	_ =	shalt  }
0x6c: {  	_ =	shalt  }
0x6d: {  	_ =	shalt  }
0x6e: {  	_ =	shalt  }
0x6f: {  	_ =	shalt  }
0x70: {  	_ =	shalt  }
0x71: {  	_ =	shalt  }
0x72: {  	_ =	shalt  }
0x73: {  	_ =	shalt  }
0x74: {  	_ =	shalt  }
0x75: {  	_ =	shalt  }
0x76: {  	_ =	shalt  }
0x77: {  	_ =	shalt  }
0x78: {  	_ =	shalt  }
0x79: {  	_ =	shalt  }
0x7a: {  	_ =	shalt  }
0x7b: {  	_ =	shalt  }
0x7c: {  	_ =	shalt  }
0x7d: {  	_ =	shalt  }
0x7e: {  	_ =	shalt  }
0x7f: {  	_ =	shalt  }
0x80: {  	_ =	shalt  }
0x81: {  	_ =	shalt  }
0x82: {  	_ =	shalt  }
0x83: {  	_ =	shalt  }
0x84: {  	_ =	shalt  }
0x85: {  	_ =	shalt  }
0x86: {  	_ =	shalt  }
0x87: {  	_ =	shalt  }
.Lfunc_end0:
.L_simem_size_0:
called_computation.1_lowered:
.L_overlay_start_0:
0x88: {  	s2 =	sld [smem:$0x3FD9]  }
0x89: {  	s3 =	sld [smem:$0x3FFE];
	_ =	sdelay $0x1  }
0x8a: {  	s1 =	srdreg.scid  }
0x8b: {  	s0 =	sand.u32 $0x1, s1  }
0x8c: {  	s16 =	sshll.u32 s0, $0xA;
	s2 =	sadd.s32 s3, s2  }
0x8d: {  	s2 =	sadd.s32 s2, s16  }
0x8e: {  	[smem:$0x3FAF] =	sst s2  }
0x8f: {  	_ = 	snop  }
0x90: {  	(tm) =	ssettm $0x1  }
0x91: {  	s17 =	sld [smem:$0x3FFB];
	_ =	sdelay $0x3  }
0x92: {  	_ =	strace s17  }
0x93: {  	s2 =	sld [smem:$0x3FFC];
	_ =	sdelay $0x3  }
0x94: {  	_ =	strace s2  }
0x95: {  	s2 =	sld [smem:$0x3FFD];
	_ =	sdelay $0x3  }
0x96: {  	_ =	strace s2  }
0x97: {  	_ =	strace $0x8FFFFFFF  }
0x98: {  	s18 =	sld [smem:$0x3FDB];
	_ =	sdelay $0x1  }
0x99: {  	s19 =	simm.s32 $_scs_section_size  }
0x9a: {  	s4 =	simm.s32 $_size__tile_overlayer_lowered;
	s5 =	simm.s32 $_tile_overlayer_lowered  }
0x9b: {  	s22 =	simm.s32 $0x1BFF;
	s21 =	sshll.u32 s5, $0x1;
	s2 =	sadd.s32 s19, s18  }
0x9c: {  	s6 =	simm.s32 $0x0;
	s20 =	sshll.u32 s4, $0x1;
	s4 =	sadd.s32 s21, s2  }
0x9d: {  	[timem:s6], [sflag:s22] =	dma.local [hbm:s4], s20  }
0x9e: {  	_ =	swait.ge [sflag:s22], s20  }
0x9f: {  	s3 =	ssub.s32 $0x0, s20;
	[sflag:s22] =	ssyncset.done $0x0  }
0xa0: {  	[sflag:s22] =	ssyncadd.s32 s3;
	_ =	sdelay $0x1  }
0xa1: {  	s23 =	simm.s32 $0x1B8B  }
0xa2: {  	_ =	swait.ge [sflag:s23], $0x1  }
0xa3: {  	[sflag:s23] =	ssyncset.done $0x0  }
0xa4: {  	s25 =	simm.s32 $0x1B8E;
	s24 =	sld [smem:$0x3FFE];
	[sflag:s23] =	ssyncadd.s32 $0xFFFFFFFF  }
0xa5: {  	s26 =	simm.s32 $execute0_lowered;
	[smem:$0x3FD2] =	sst s25  }
0xa6: {  	s4 =	sshll.u32 s26, $0x1;
	_ =	strace $0x80000049;
	[dreg:$0x1] =	wrdreg $0xFFFFFFFF  }
0xa7: {  	s28 =	simm.s32 $_size_execute0_lowered;
	s2 =	sadd.s32 s2, s4;
	[dreg:$0x0] =	wrdreg $0x0  }
0xa8: {  	s4 =	sshll.u32 s28, $0x1;
	[dreg:$0x2] =	wrdreg s2  }
0xa9: {  	[dreg:$0x3] =	wrdreg s4  }
0xaa: {  	[dreg:$0x4] =	wrdreg $0xC0  }
0xab: {  	_ =	task [dreg:s6], $0x5FFFF  }
0xac: {  	[dreg:$0x1] =	wrdreg $0xFFFFFFFF  }
0xad: {  	[dreg:$0x0] =	wrdreg $0x60  }
0xae: {  	[dreg:$0x2] =	wrdreg s24  }
0xaf: {  	[dreg:$0x3] =	wrdreg $0x9  }
0xb0: {  	_ =	task.clear_ibuf [dreg:s6], $0x4FFFF;
	_ =	strace $0x90000049  }
0xb1: {  	s29 =	simm.s32 $0x9;
	_ =	strace $0x8000004B  }
0xb2: {  	_ =	swait.ge [sflag:s29], $0x1  }
0xb3: {  	[sflag:s29] =	ssyncadd.s32 $0xFFFFFFFF  }
0xb4: {  	_ =	strace $0x9000004B  }
0xb5: {  	_ =	sfence  }
0xb6: {  	s30 =	sld [smem:$0x0];
	_ =	sdelay $0x2  }
0xb7: {  	s31 =	sshll.u32 s1, $0xD;
	s1 =	sshrl.u32 s1, $0x2  }
0xb8: {  	s3 =	sand.u32 $0x4000, s31;
	s1 =	sadd.s32 s1, s30  }
0xb9: {  	s0 =	sor.u32 s3, s0;
	s1 =	sshll.u32 s1, $0x11  }
0xba: {  	s0 =	sor.u32 s1, s0  }
0xbb: {  	s0 =	sadd.s32 $0x8F2B, s0  }
0xbc: {  	[sflag:s0] =	ssyncadd.remote.s32 $0x1  }
0xbd: {  	_ =	sfence.sel $0xFFFF  }
0xbe: {  	[dreg:$0x0] =	wrdreg $0xFFFFFFFF;
	(pc) =	sbr.abs _section_cstart, $3  }
0xbf: {  	[dreg:$0x1] =	wrdreg $0xFFFFFFFF  }
0xc0: {  	_ =	task.clear_ibuf [dreg:s6], $0x2FFFF;
	_ =	strace $0x9FFFFFFF  }
0xc1: {  	(tm) =	ssettm $0x7FFFFFFF  }
tec
execute0_lowered:
.L_overlay_start_1:
0x0: {  	(tag) =	ssettag $0x1  }
0x1: {  	s0 =	srdreg.scid;
	s5 =	rddreg [dreg:$0x0]  }
0x2: {  	s1 =	stileid.u32;
	s6 =	simm.s32 $0x1;
	s9 =	simm.s32 $0x1  }
0x3: {  	s10 =	simm.s32 $0x3;
	s13 =	simm.s32 $0x0;
	s2 =	sshll.u32 s0, $0x6  }
0x4: {  	s12 =	simm.s32 $0x0;
	s3 =	sshll.u32 s1, $0x7;
	s2 =	sand.u32 $0x40, s2  }
0x5: {  	s0 =	rddreg [dreg:$0x1];
	_ =	strace $0x8000004A;
	s2 =	sor.u32 s3, s2  }
0x6: {  	s4 =	sadd.s32 $0x600, s5;
	[sflag:s6] =	ssyncpa.u1 $0x0;
	s8 =	ssub.s32 $0xD00, s2  }
.Ltmp0:
0x7: {  	s3 =	sadd.s32 $0x800, s5;
	s7 =	sand.u32 $0x7C0, s8;
	(pc) =	sbr.rel .LBB2_1-.Ltmp0, $4  }
0x8: {  	s5 =	sadd.s32 $0xA00, s5;
	s11 =	smov.u32 s2;
	p0 =	sne.s32 s7, $0x0  }
0x9: {  	s8 =	sshrl.u32 s8, $0xB;
	s7 =	simm.s32 $0x2;
	s9 =	simm.s32 @!p0 $0x0  }
0xa: {  	[sflag:s7] =	ssyncpa.u1 $0x0;
	p0 =	por $0x0, $0x0;
	s8 =	sadd.s32 s9, s8  }
0xb: {  	vm0 =	vmmov $0xffff;
	[sflag:s10] =	ssyncpa.u1 $0x0;
	s10 =	simm.s32 $0x0;
	s9 =	sadd.s32 $0x1, s8  }
.LBB2_4:
0xc: {  	v2 =	vnsel vm1, $0x0, v2  }
0xd: {  	vm1 =	vgt.s32 v0, $0x0;
	v2 =	vmin.u32 v2, $0xFFF  }
0xe: {  	v0 =	vnsel vm1, $0x0, v0  }
0xf: {  	v0 =	vmin.u32 v0, $0xFFF  }
0x10: {  	[tilespmem:s15], [sflag:$0x1] =	stream.indirect_vreg.gather [hbm4b:s3+s10], $0x1, v1, vm0, $0x4038;
	[tilespmem:$0x100] =	vst v63  }
0x11: {  	(ifvalue) =	ssetifvalue $0x7FFFFFFF  }
0x12: {  	[tilespmem:s16], [sflag:$0x1] =	stream.indirect_vreg.gather [hbm4b:s3+s10], $0x1, v2, vm0, $0x4038;
	[tilespmem:$0x100] =	vst v63  }
0x13: {  	s29 =	sadd.s32 $0x10, s16;
	(ifvalue) =	ssetifvalue $0x7FFFFFFF  }
0x14: {  	[tilespmem:s29], [sflag:$0x1] =	stream.indirect_vreg.gather [hbm4b:s3+s10], $0x1, v0, vm0, $0x4038;
	[tilespmem:$0x100] =	vst v63  }
0x15: {  	_ =	swait.ge [sflag:s6], $0x40  }
0x16: {  	s30 =	sshrl.u32 s13, $0x3;
	[sflag:s6] =	ssyncset.done $0x0  }
0x17: {  	s31 =	sand.u32 $0x7, s13;
	s15 =	sadd.s32 s5, s30;
	[sflag:s6] =	ssyncadd.s32 $0xFFFFFFC0  }
0x18: {  	[hbm4b:s15+s31] =	stream.linear.scatter [tilespmem:s14], [sflag:$0x3], $0x40, $0x38;
	[tilespmem:$0x100] =	vst v63  }
.LBB2_5:
0x19: {  	s15 =	sadd.s32 $0x800, s11  }
0x1a: {  	p2 =	sgt.s32 s15, $0xCFF  }
0x1b: {  	s15 =	smov.u32 @p2 s2;
	p2 =	sne.s32 s12, s9  }
.Ltmp1:
0x1c: {  	p1 =	slt.u32 s12, $0x2;
	(pc) =	sbr.rel @!p2 .LBB2_6-.Ltmp1, $4  }
0x1d: {  	s14 =	simm.s32 @!p1 $0x3  }
0x1e: {  	s16 =	sadd.s32 $0x1, s12;
	_ =	swait.ge @!p1 [sflag:s14], $0x40  }
0x1f: {  	s13 =	smov.u32 s11;
	p0 =	por !p0, !p0;
	[sflag:s14] =	ssyncset.done @!p1 $0x0  }
0x20: {  	s12 =	smov.u32 s16;
	s11 =	smov.u32 s15;
	[sflag:s14] =	ssyncadd.s32 @!p1 $0xFFFFFFC0  }
.LBB2_1:
0x21: {  	p1 =	sge.u32 s12, s8  }
0x22: {  	s14 =	sxor.u32 @!p1 $0xFFFFFFFF, s12  }
0x23: {  	s31 =	sadd.s32 $0xFFFFFFFF, s12;
	s15 =	sshrl.u32 @!p1 s11, $0x3;
	s14 =	sshll.u32 @!p1 s14, $0x6  }
0x24: {  	s16 =	sand.u32 @!p1 $0x7, s11;
	s15 =	sadd.s32 @!p1 s4, s15;
	s14 =	sand.u32 @!p1 $0x40, s14  }
0x25: {  	[tilespmem:s14], [sflag:$0x2] =	stream.linear.gather @!p1 [hbm4b:s15+s16], $0x40, $0x38;
	[tilespmem:$0x100] =	vst v63  }
0x26: {  	p1 =	sge.u32 s31, s8  }
.Ltmp2:
0x27: {  	_ = 	snop;
	(pc) =	sbr.rel @p1 .LBB2_5-.Ltmp2, $1  }
0x28: {  	_ =	sdelay $0x3  }
0x29: {  	s14 =	simm.s32 $0x1  }
0x2a: {  	_ =	swait.ge [sflag:s7], $0x40;
	s14 =	simm.s32 @!p0 $0x0  }
0x2b: {  	[sflag:s7] =	ssyncset.done $0x0;
	s14 =	sshll.u32 s14, $0x6  }
0x2c: {  	[sflag:s7] =	ssyncadd.s32 $0xFFFFFFC0;
	(ifvalue) =	ssetifvalue $0x7FFFFFFF;
	v0 =	vld.msk [tilespmem:s14+$0x0 ss:$0x1], $0xffff;
	_ =	sdelay $0x4  }
0x2d: {  	s15 =	sadd.s32 $0x10, s14;
	vm1 =	vgt.s32 v0, $0x0  }
0x2e: {  	v2 =	vld.msk [tilespmem:s15+$0x0 ss:$0x1], $0xffff;
	v1 =	vnsel vm1, $0x0, v0  }
0x2f: {  	v1 =	vmin.u32 v1, $0xFFF;
	_ =	sdelay $0x1  }
0x30: {  	s16 =	sshll.u32 s12, $0x6;
	s18 =	simm.s32 $0x20  }
0x31: {  	s16 =	sand.u32 $0x40, s16;
	s17 =	sadd.s32 $0x10, s15;
	s15 =	sor.u32 $0x80, s14  }
0x32: {  	s14 =	sor.u32 $0x80, s16;
	s16 =	sadd.s32 $0x10, s15;
	v0 =	vld.msk [tilespmem:s17+$0x0 ss:$0x1], $0xffff;
	vm1 =	vgt.s32 v2, $0x0;
	(ifvalue) =	ssetifvalue $0x7FFFFFFF  }
.LBB2_3:
0x33: {  	[tilespmem:s15], [sflag:$0x1] =	stream.indirect_vreg.gather [hbm4b:s3+s10], $0x1, v1, vm0, $0x4038;
	[tilespmem:$0x100] =	vst v63  }
0x34: {  	s18 =	sadd.s32 $0x10, s18  }
0x35: {  	v2 =	vnsel vm1, $0x0, v2;
	p1 =	slt.u32 s18, $0x30  }
.Ltmp3:
0x36: {  	s15 =	smov.u32 s16;
	v1 =	vmin.u32 v2, $0xFFF;
	(pc) =	sbr.rel @p1 .LBB2_3-.Ltmp3, $3  }
0x37: {  	_ =	sdelay $0x1  }
0x38: {  	s17 =	sadd.s32 $0x10, s17  }
0x39: {  	vm1 =	vgt.s32 v0, $0x0;
	s16 =	sadd.s32 $0x10, s16;
	v2 =	vmov v0;
	(ifvalue) =	ssetifvalue $0x7FFFFFFF;
	v0 =	vld.msk [tilespmem:s17+$0x0 ss:$0x1], $0xffff  }
.Ltmp4:
0x3a: {  	_ = 	snop;
	(pc) =	sbr.rel .LBB2_4-.Ltmp4, $1  }
0x3b: {  	_ =	sdelay $0x3  }
.LBB2_6:
0x3c: {  	_ =	sfence.sel $0x180000  }
0x3d: {  	s2 =	simm.s32 $0x2;
	[bflag:$0x0] =	sbarrier.arrive $0xFFFF  }
0x3e: {  	s30 =	simm.s32 $0x3;
	[sflag:s2] =	ssyncpa.u1 $0x1  }
0x3f: {  	s31 =	simm.s32 $0x1;
	[sflag:s30] =	ssyncpa.u1 $0x1  }
0x40: {  	[sflag:s31] =	ssyncpa.u1 $0x1  }
0x41: {  	p0 =	sne.s32 s1, $0x0;
	_ =	strace $0x9000004A  }
0x42: {  	s0 =	sadd.s32 @!p0 $0x100000, s0;
	[bflag:$0x2] =	sbarrier.arrive $0xFFFF  }
0x43: {  	[sflag:s0] =	ssyncadd.tile.s32 @!p0 $0x1;
	_ =	shalt  }
.Lfunc_end2:
_tile_overlayer_lowered:
.L_overlay_start_2:
0x44: {  	(tag) =	ssettag $0x2  }
0x45: {  	s0 =	rddreg [dreg:$0x0];
	s2 =	stileid.u32  }
0x46: {  	s1 =	rddreg [dreg:$0x1];
	p0 =	sne.s32 s2, $0x0  }
0x47: {  	s3 =	rddreg [dreg:$0x2];
	[bflag:$0x3] =	sbarrier.arrive $0xFFFF;
	s2 =	simm.s32 @!p0 $0x1C01  }
0x48: {  	[timem:s3], [sflag:s2] =	dma.local @!p0 [hbm:s0], s1  }
0x49: {  	s0 =	simm.s32 @!p0 $0x1  }
0x4a: {  	_ =	swait.ge @!p0 [sflag:s0], s1  }
0x4b: {  	s1 =	ssub.s32 @!p0 $0x0, s1;
	[sflag:s0] =	ssyncset.done @!p0 $0x0  }
0x4c: {  	[sflag:s0] =	ssyncadd.s32 @!p0 s1  }
0x4d: {  	[bflag:$0x3] =	sbarrier.arrive $0xFFFF  }
0x4e: {  	_ =	shalt  }

// kernel: scatter_offload_async_start
scs
__scs_entry_jumppad:
0x0: {  	(pc) =	sbr.rel $0x88, $3  }
0x1: {  	(tag) =	ssettag $0x0;
	lr =	simm.s32 $0x1  }
0x2: {  	[smem:$0x3F88] =	sst lr;
	_ =	strace $0xD0000000  }
0x3: {  	_ = 	snop  }
0x4: {  	_ = 	snop  }
0x5: {  	_ = 	snop  }
0x6: {  	_ = 	snop  }
0x7: {  	_ = 	snop  }
__scs_overlays_trampoline_lowered:
0x8: {  	[smem:$0x3F97] =	sst s0  }
0x9: {  	[smem:$0x3F98] =	sst s1  }
0xa: {  	[smem:$0x3F99] =	sst s2  }
0xb: {  	[smem:$0x3F9A] =	sst s3  }
0xc: {  	[smem:$0x3F9B] =	sst s4  }
0xd: {  	[smem:$0x3F9C] =	sst s5  }
0xe: {  	[smem:$0x3F9D] =	sst s6  }
0xf: {  	[smem:$0x3F9E] =	sst s7  }
0x10: {  	[smem:$0x3F9F] =	sst s8  }
0x11: {  	[smem:$0x3FA0] =	sst s9;
	s0 =	simm.s32 @!p0 $0x0  }
0x12: {  	s1 =	sld [smem:$0x3F86];
	s0 =	simm.s32 @p0 $0x1  }
0x13: {  	[smem:$0x3FA1] =	sst s0;
	s0 =	simm.s32 @!p1 $0x0  }
0x14: {  	s2 =	sld [smem:$0x3F85];
	s0 =	simm.s32 @p1 $0x1  }
0x15: {  	[smem:$0x3FA2] =	sst s0;
	s0 =	simm.s32 @!p2 $0x0  }
0x16: {  	s3 =	sld [smem:$0x3FDB];
	s0 =	simm.s32 @p2 $0x1  }
0x17: {  	s4 =	simm.s32 $0x1BF5;
	[smem:$0x3FA4] =	sst s0  }
0x18: {  	s0 =	sld [smem:$0x3F87];
	_ =	swait.ge [sflag:s4], $0x0  }
0x19: {  	s7 =	sld [smem:$0x3F88]  }
0x1a: {  	s8 =	sadd.s32 $0xFFFFE003, lr  }
0x1b: {  	s9 =	sadd.s32 $0xFFFFFEF7, lr;
	s5 =	simm.s32 $0xFFFFFFFF;
	p2 =	slt.u32 s8, $0xFFFFF086  }
0x1c: {  	p1 =	slt.u32 s9, $0xF7A;
	s5 =	simm.s32 @!p2 $0x0  }
0x1d: {  	s5 =	simm.s32 @p1 $0x1;
	p0 =	seq.s32 s7, s2  }
0x1e: {  	s7 =	smul.u32 @!p0 $0xF7A, s2;
	p2 =	seq.s32 @!p0 s5, $0x0  }
0x1f: {  	s9 =	smul.u32 $0xF7A, s1;
	s8 =	simm.s32 @!p0 $0x1BF5;
	p2 =	por !p2, p0  }
0x20: {  	[sflag:s8] =	ssyncset.s32 @!p0 $0xFFFFF086;
	s6 =	sadd.s32 @!p0 s3, s7;
	s7 =	simm.s32 @!p0 $0x108  }
0x21: {  	s3 =	sadd.s32 s3, s9;
	s6 =	sadd.s32 @!p0 $0x88, s6;
	s7 =	simm.s32 @p2 $0x1082  }
0x22: {  	[simem:s7], [sflag:s8] =	dma.local @!p0 [hbm:s6], $0xF7A  }
0x23: {  	s9 =	sor.u32 $0xD0000000, s2;
	s6 =	simm.s32 $0x108;
	_ =	swait.ge @!p0 [sflag:s8], $0x0  }
0x24: {  	s3 =	sadd.s32 $0x88, s3;
	s6 =	simm.s32 @!p1 $0x1082;
	[sflag:s4] =	ssyncset.s32 $0xFFFFF086  }
0x25: {  	[simem:s6], [sflag:s4] =	dma.local [hbm:s3], $0xF7A  }
0x26: {  	[smem:$0x3F88] =	sst s1;
	(tag) =	ssettag s2;
	_ =	strace s9  }
0x27: {  	s1 =	sld [smem:$0x3F98]  }
0x28: {  	s2 =	sld [smem:$0x3F99]  }
0x29: {  	s4 =	sld [smem:$0x3F9B]  }
0x2a: {  	p0 =	seq.s32 s5, $0x0;
	s5 =	sld [smem:$0x3F9C]  }
0x2b: {  	s6 =	sld [smem:$0x3F9D]  }
0x2c: {  	s7 =	sld [smem:$0x3F9E]  }
0x2d: {  	s3 =	simm.s32 $0x108;
	s8 =	sld [smem:$0x3F9F]  }
0x2e: {  	s3 =	simm.s32 @!p0 $0x1082;
	s9 =	sld [smem:$0x3FA0]  }
0x2f: {  	lr =	sadd.s32 s0, s3;
	s0 =	sld [smem:$0x3F97]  }
0x30: {  	s3 =	sld [smem:$0x3F9A]  }
0x31: {  	[smem:$0x3FA3] =	sst s10  }
0x32: {  	s10 =	sld [smem:$0x3FA1];
	_ =	sdelay $0x3  }
0x33: {  	p0 =	seq.s32 s10, $0x1;
	s10 =	sld [smem:$0x3FA3];
	_ =	sdelay $0x3  }
0x34: {  	[smem:$0x3FA3] =	sst s10  }
0x35: {  	s10 =	sld [smem:$0x3FA2];
	_ =	sdelay $0x3  }
0x36: {  	p1 =	seq.s32 s10, $0x1;
	s10 =	sld [smem:$0x3FA3];
	_ =	sdelay $0x3  }
0x37: {  	[smem:$0x3FA3] =	sst s10  }
0x38: {  	s10 =	sld [smem:$0x3FA4]  }
0x39: {  	_ = 	snop;
	(pc) =	sbr.ind lr, $3  }
0x3a: {  	_ = 	snop  }
0x3b: {  	_ = 	snop  }
0x3c: {  	p2 =	seq.s32 s10, $0x1;
	s10 =	sld [smem:$0x3FA3]  }
0x3d: {  	_ =	shalt  }
0x3e: {  	_ =	shalt  }
0x3f: {  	_ =	shalt  }
0x40: {  	_ =	shalt  }
0x41: {  	_ =	shalt  }
0x42: {  	_ =	shalt  }
0x43: {  	_ =	shalt  }
0x44: {  	_ =	shalt  }
0x45: {  	_ =	shalt  }
0x46: {  	_ =	shalt  }
0x47: {  	_ =	shalt  }
0x48: {  	_ =	shalt  }
0x49: {  	_ =	shalt  }
0x4a: {  	_ =	shalt  }
0x4b: {  	_ =	shalt  }
0x4c: {  	_ =	shalt  }
0x4d: {  	_ =	shalt  }
0x4e: {  	_ =	shalt  }
0x4f: {  	_ =	shalt  }
0x50: {  	_ =	shalt  }
0x51: {  	_ =	shalt  }
0x52: {  	_ =	shalt  }
0x53: {  	_ =	shalt  }
0x54: {  	_ =	shalt  }
0x55: {  	_ =	shalt  }
0x56: {  	_ =	shalt  }
0x57: {  	_ =	shalt  }
0x58: {  	_ =	shalt  }
0x59: {  	_ =	shalt  }
0x5a: {  	_ =	shalt  }
0x5b: {  	_ =	shalt  }
0x5c: {  	_ =	shalt  }
0x5d: {  	_ =	shalt  }
0x5e: {  	_ =	shalt  }
0x5f: {  	_ =	shalt  }
0x60: {  	_ =	shalt  }
0x61: {  	_ =	shalt  }
0x62: {  	_ =	shalt  }
0x63: {  	_ =	shalt  }
0x64: {  	_ =	shalt  }
0x65: {  	_ =	shalt  }
0x66: {  	_ =	shalt  }
0x67: {  	_ =	shalt  }
0x68: {  	_ =	shalt  }
0x69: {  	_ =	shalt  }
0x6a: {  	_ =	shalt  }
0x6b: {  	_ =	shalt  }
0x6c: {  	_ =	shalt  }
0x6d: {  	_ =	shalt  }
0x6e: {  	_ =	shalt  }
0x6f: {  	_ =	shalt  }
0x70: {  	_ =	shalt  }
0x71: {  	_ =	shalt  }
0x72: {  	_ =	shalt  }
0x73: {  	_ =	shalt  }
0x74: {  	_ =	shalt  }
0x75: {  	_ =	shalt  }
0x76: {  	_ =	shalt  }
0x77: {  	_ =	shalt  }
0x78: {  	_ =	shalt  }
0x79: {  	_ =	shalt  }
0x7a: {  	_ =	shalt  }
0x7b: {  	_ =	shalt  }
0x7c: {  	_ =	shalt  }
0x7d: {  	_ =	shalt  }
0x7e: {  	_ =	shalt  }
0x7f: {  	_ =	shalt  }
0x80: {  	_ =	shalt  }
0x81: {  	_ =	shalt  }
0x82: {  	_ =	shalt  }
0x83: {  	_ =	shalt  }
0x84: {  	_ =	shalt  }
0x85: {  	_ =	shalt  }
0x86: {  	_ =	shalt  }
0x87: {  	_ =	shalt  }
.Lfunc_end0:
.L_simem_size_0:
called_computation_lowered:
.L_overlay_start_0:
0x88: {  	s0 =	sld [smem:$0x3FD9]  }
0x89: {  	s1 =	sld [smem:$0x3FFE];
	_ =	sdelay $0x3  }
0x8a: {  	s0 =	sadd.s32 s1, s0  }
0x8b: {  	[smem:$0x3FAF] =	sst s0  }
0x8c: {  	_ = 	snop  }
0x8d: {  	(tm) =	ssettm $0x1  }
0x8e: {  	s15 =	sld [smem:$0x3FFB];
	_ =	sdelay $0x3  }
0x8f: {  	_ =	strace s15  }
0x90: {  	s0 =	sld [smem:$0x3FFC];
	_ =	sdelay $0x3  }
0x91: {  	_ =	strace s0  }
0x92: {  	s0 =	sld [smem:$0x3FFD];
	_ =	sdelay $0x3  }
0x93: {  	_ =	strace s0  }
0x94: {  	_ =	strace $0x8FFFFFFF  }
0x95: {  	s16 =	sld [smem:$0x3FDB];
	_ =	sdelay $0x1  }
0x96: {  	s17 =	simm.s32 $_scs_section_size  }
0x97: {  	s2 =	simm.s32 $_size__tile_overlayer_lowered;
	s3 =	simm.s32 $_tile_overlayer_lowered  }
0x98: {  	s20 =	simm.s32 $0x1BFF;
	s19 =	sshll.u32 s3, $0x1;
	s0 =	sadd.s32 s17, s16  }
0x99: {  	s4 =	simm.s32 $0x0;
	s18 =	sshll.u32 s2, $0x1;
	s2 =	sadd.s32 s19, s0  }
0x9a: {  	[timem:s4], [sflag:s20] =	dma.local [hbm:s2], s18  }
0x9b: {  	_ =	swait.ge [sflag:s20], s18  }
0x9c: {  	s1 =	ssub.s32 $0x0, s18;
	[sflag:s20] =	ssyncset.done $0x0  }
0x9d: {  	[sflag:s20] =	ssyncadd.s32 s1;
	_ =	sdelay $0x1  }
0x9e: {  	s21 =	simm.s32 $0x1B8B  }
0x9f: {  	_ =	swait.ge [sflag:s21], $0x1  }
0xa0: {  	[sflag:s21] =	ssyncset.done $0x0  }
0xa1: {  	s23 =	simm.s32 $0x1B8E;
	s22 =	sld [smem:$0x3FFE];
	[sflag:s21] =	ssyncadd.s32 $0xFFFFFFFF  }
0xa2: {  	s24 =	simm.s32 $execute0_lowered;
	[smem:$0x3FD2] =	sst s23  }
0xa3: {  	s2 =	sshll.u32 s24, $0x1;
	_ =	strace $0x80000046;
	[dreg:$0x1] =	wrdreg $0xFFFFFFFF  }
0xa4: {  	s25 =	simm.s32 $_size_execute0_lowered;
	s0 =	sadd.s32 s0, s2;
	[dreg:$0x0] =	wrdreg $0x0  }
0xa5: {  	s2 =	sshll.u32 s25, $0x1;
	[dreg:$0x2] =	wrdreg s0  }
0xa6: {  	[dreg:$0x3] =	wrdreg s2  }
0xa7: {  	[dreg:$0x4] =	wrdreg $0xC0  }
0xa8: {  	_ =	task [dreg:s4], $0x5FFFF  }
0xa9: {  	[dreg:$0x1] =	wrdreg $0xFFFFFFFF  }
0xaa: {  	[dreg:$0x0] =	wrdreg $0x60  }
0xab: {  	[dreg:$0x2] =	wrdreg s22  }
0xac: {  	[dreg:$0x3] =	wrdreg $0x9  }
0xad: {  	_ =	task.clear_ibuf [dreg:s4], $0x4FFFF;
	_ =	strace $0x90000046  }
0xae: {  	s26 =	simm.s32 $0x9;
	_ =	strace $0x80000048  }
0xaf: {  	_ =	swait.ge [sflag:s26], $0x1  }
0xb0: {  	[sflag:s26] =	ssyncadd.s32 $0xFFFFFFFF  }
0xb1: {  	_ =	strace $0x90000048  }
0xb2: {  	_ =	sfence  }
0xb3: {  	s28 =	sld [smem:$0x0];
	_ =	sdelay $0x1  }
0xb4: {  	s29 =	srdreg.scid  }
0xb5: {  	s30 =	sshll.u32 s29, $0xD;
	s31 =	sshrl.u32 s29, $0x2  }
0xb6: {  	s1 =	sand.u32 $0x1, s29;
	s2 =	sand.u32 $0x4000, s30;
	s0 =	sadd.s32 s31, s28  }
0xb7: {  	s1 =	sor.u32 s2, s1;
	s0 =	sshll.u32 s0, $0x11  }
0xb8: {  	s0 =	sor.u32 s0, s1  }
0xb9: {  	s0 =	sadd.s32 $0x8F2B, s0  }
0xba: {  	[sflag:s0] =	ssyncadd.remote.s32 $0x1  }
0xbb: {  	_ =	sfence.sel $0xFFFF  }
0xbc: {  	[dreg:$0x0] =	wrdreg $0xFFFFFFFF;
	(pc) =	sbr.abs _section_cstart, $3  }
0xbd: {  	[dreg:$0x1] =	wrdreg $0xFFFFFFFF  }
0xbe: {  	_ =	task.clear_ibuf [dreg:s4], $0x2FFFF;
	_ =	strace $0x9FFFFFFF  }
0xbf: {  	(tm) =	ssettm $0x7FFFFFFF  }
tec
execute0_lowered:
.L_overlay_start_1:
0x0: {  	(tag) =	ssettag $0x1  }
0x1: {  	s0 =	rddreg [dreg:$0x0];
	_ =	strace $0x80000047;
	s3 =	simm.s32 $0x1  }
0x2: {  	v1 =	vimm.s32 $0xFFFFFFFF;
	[sflag:s3] =	ssyncpa.u1 $0x0  }
0x3: {  	[tilespmem:$0x10] =	vst v1  }
0x4: {  	v0 =	vimm.f32 $0.0e+00;
	[tilespmem:$0x20] =	vst v1  }
0x5: {  	[tilespmem:$0x30] =	vst v0  }
0x6: {  	s2 =	simm.s32 $0x2;
	s26 =	stileid.u32;
	s5 =	simm.s32 $0x7;
	[tilespmem:$0x40] =	vst v0  }
0x7: {  	s7 =	simm.s32 $0x8;
	s31 =	simm.s32 $0x9;
	s14 =	simm.s32 $0x0;
	[tilespmem:$0x50] =	vst v0  }
0x8: {  	s15 =	simm.s32 $0x100;
	s18 =	simm.s32 $0x10;
	s19 =	simm.s32 $0x9A00;
	[tilespmem:$0x60] =	vst v1  }
0x9: {  	s20 =	simm.s32 $0xF;
	s21 =	simm.s32 $0x50;
	s22 =	simm.s32 $0x44FF;
	[tilespmem:$0x70] =	vst v1  }
0xa: {  	s23 =	simm.s32 $0x20;
	s24 =	simm.s32 $0x30;
	s25 =	simm.s32 $0x88FF;
	[tilespmem:$0x80] =	vst v1  }
0xb: {  	s30 =	simm.s32 $0x0;
	s29 =	simm.s32 $0x0;
	s6 =	smul.u32 $0x1100, s26;
	v1 =	vimm.s32 $0x0;
	[tilespmem:$0xB0] =	vst v0  }
.Ltmp0:
0xc: {  	s1 =	sadd.s32 $0x7600, s0;
	s4 =	sadd.s32 $0x3200, s0;
	[tilespmem:$0x90] =	vst v1;
	(pc) =	sbr.rel .LBB2_1-.Ltmp0, $4  }
0xd: {  	s8 =	sadd.s32 $0x5400, s0;
	s10 =	sshll.u32 s26, $0x1;
	[tilespmem:$0xA0] =	vst v1;
	[sflag:s2] =	ssyncpa.u1 $0x0  }
0xe: {  	s12 =	sshllo.u32 s26, $0x1;
	s26 =	simm.s32 $0x80;
	[sflag:s5] =	ssyncpa.u1 $0x0  }
0xf: {  	vm0 =	vmmov $0xffff;
	v2 =	vlaneseq.u32;
	s11 =	sor.u32 $0x81, s10;
	s13 =	sor.u32 $0x80, s10;
	[sflag:s7] =	ssyncpa.u1 $0x0  }
0x10: {  	vm1 =	vmxor vm1, vm1;
	vm2 =	vmmov $0x1;
	vm3 =	vcmask $0x3F3C;
	s9 =	sadd.s32 $0x1100, s6;
	s28 =	smov.u32 s6;
	[sflag:s31] =	ssyncpa.u1 $0x0  }
.LBB2_3:
0x11: {  	s0 =	sshrl.u32 s28, $0x3  }
0x12: {  	s2 =	sand.u32 $0x7, s28;
	s0 =	sadd.s32 s4, s0  }
0x13: {  	[tilespmem:s15], [sflag:$0x7] =	stream.linear.gather [hbm4b:s0+s2], $0x1100, $0x38;
	[tilespmem:$0x9A20] =	vst v63  }
.LBB2_4:
0x14: {  	s0 =	sadd.s32 $0x1100, s28  }
0x15: {  	s2 =	smov.u32 s6;
	s29 =	sadd.s32 $0x1, s29;
	p0 =	slt.s32 s0, s9  }
0x16: {  	s2 =	smov.u32 @p0 s0;
	p0 =	sne.s32 s29, $0x4  }
.Ltmp1:
0x17: {  	_ = 	snop;
	(pc) =	sbr.rel @!p0 .LBB2_13-.Ltmp1, $2  }
0x18: {  	_ =	sdelay $0x2  }
0x19: {  	s30 =	smov.u32 s28;
	s28 =	smov.u32 s2  }
.LBB2_1:
0x1a: {  	p0 =	sgt.s32 s29, $0x1  }
.Ltmp2:
0x1b: {  	_ = 	snop;
	(pc) =	sbr.rel @p0 .LBB2_11-.Ltmp2, $1  }
0x1c: {  	_ =	sdelay $0x3  }
0x1d: {  	p0 =	seq.s32 s29, $0x0  }
.Ltmp3:
0x1e: {  	_ = 	snop;
	(pc) =	sbr.rel @p0 .LBB2_3-.Ltmp3, $1  }
0x1f: {  	_ =	sdelay $0x3  }
0x20: {  	_ =	swait.ge [sflag:s5], $0x1100  }
0x21: {  	[sflag:s5] =	ssyncset.done $0x0  }
0x22: {  	[sflag:s5] =	ssyncadd.s32 $0xFFFFEF00;
	(ifvalue) =	ssetifvalue $0xFFFFFFFF;
	v3 =	vld.msk [tilespmem:s15+$0x0 ss:$0x1], $0xffff;
	_ =	sdelay $0x4  }
0x23: {  	v4 =	vperm.xlane v3, v1  }
0x24: {  	vm4 =	vlt.u32 v3, $0x1000000  }
0x25: {  	v3 =	vnsel vm4, $0xFFFFFFFE, v3;
	vm4 =	vlt.u32 v4, $0x1000000  }
0x26: {  	[tilespmem:$0x70] =	vst v3;
	v3 =	vnsel vm4, $0xFFFFFFFE, v4  }
0x27: {  	s17 =	simm.s32 $0x11F0;
	[tilespmem:$0x80] =	vst v3  }
0x28: {  	v3 =	vld.msk [tilespmem:s17+$0x0 ss:$0x1], $0xffff;
	_ =	sdelay $0x4  }
0x29: {  	(xrf1) =	vunique.msk.u32 $0xffff, v3;
	_ =	sdelay $0xd  }
0x2a: {  	v4 =	vimm.s32 $0xFFFFFFFF;
	v5, _, _ =	vpop (xrf1)  }
0x2b: {  	vm5 =	vne.s32 v3, v4;
	vm4 =	veq.s32 v5, v2  }
0x2c: {  	vm6 =	vlt.u32 v3, $0x1000000;
	vm4 =	vmand vm5, vm4  }
0x2d: {  	vm4 =	vmand vm6, vm4  }
0x2e: {  	v4 =	vnsel vm4, $0xFFFFFFFF, v3;
	_ =	sdelay $0x3  }
0x2f: {  	s0 =	simm.s32 $0x44F0;
	(ifvalue) =	ssetifvalue $0xFFFFFFFF  }
0x30: {  	v3 =	vperm.xlane v3, v1;
	[tilespmem:s0], [sflag:$0x8] =	stream.indirect_vreg.gather [hbm4b:s1+s14], $0x1, v4, vm0, $0x4038;
	v4 =	vnsel vm6, $0xFFFFFFFE, v4;
	[tilespmem:$0x9A20] =	vst v63  }
0x31: {  	s2 =	simm.s32 $0x0;
	s16 =	simm.s32 $0x11E0;
	[tilespmem:s17+$0x0] =	vst v4  }
.LBB2_6:
0x32: {  	v4 =	vld.msk [tilespmem:s16+$0x0 ss:$0x1], $0xffff;
	s2 =	sadd.s32 $0x10, s2;
	v5 =	vmov v3;
	s17 =	smov.u32 s16  }
0x33: {  	p0 =	slt.u32 s2, $0x10F0;
	_ =	sdelay $0x4  }
0x34: {  	v3 =	vperm.xlane v4, v1;
	(xrf1) =	vunique.msk.u32 $0xffff, v4;
	_ =	sdelay $0xd  }
0x35: {  	v6, _, _ =	vpop (xrf1)  }
0x36: {  	vm5 =	vne.s32 v4, v5;
	vm4 =	veq.s32 v6, v2  }
0x37: {  	vm6 =	vlt.u32 v4, $0x1000000;
	vm4 =	vmand vm5, vm4  }
0x38: {  	vm4 =	vmand vm6, vm4  }
0x39: {  	v4 =	vnsel vm4, $0xFFFFFFFF, v4  }
.Ltmp4:
0x3a: {  	v5 =	vnsel vm6, $0xFFFFFFFE, v4;
	(pc) =	sbr.rel @p0 .LBB2_6-.Ltmp4, $3  }
0x3b: {  	_ =	sdelay $0x1  }
0x3c: {  	s16 =	sadd.s32 $0xFFFFFFF0, s16;
	s0 =	sadd.s32 $0xFFFFFFF0, s0;
	(ifvalue) =	ssetifvalue $0xFFFFFFFF  }
0x3d: {  	[tilespmem:s0], [sflag:$0x8] =	stream.indirect_vreg.gather [hbm4b:s1+s14], $0x1, v4, vm0, $0x4038;
	[tilespmem:s17+$0x0] =	vst v5  }
.Ltmp5:
0x3e: {  	(pc) =	sbr.rel .LBB2_4-.Ltmp5, $4  }
0x3f: {  	_ = 	snop  }
0x40: {  	s0 =	sshrl.u32 s30, $0x3  }
0x41: {  	s2 =	simm.s32 $0x5600;
	s0 =	sadd.s32 s8, s0  }
0x42: {  	[tilespmem:s2], [sflag:$0x8] =	stream.linear.gather [hbm:s0], $0x1100, $0x38;
	[tilespmem:$0x9A20] =	vst v63  }
.LBB2_11:
0x43: {  	p0 =	seq.s32 s29, $0x2  }
.Ltmp6:
0x44: {  	_ = 	snop;
	(pc) =	sbr.rel @!p0 .LBB2_12-.Ltmp6, $1  }
0x45: {  	_ =	sdelay $0x3  }
0x46: {  	_ =	swait.ge [sflag:s7], $0x2200  }
0x47: {  	[sflag:s7] =	ssyncset.done $0x0  }
0x48: {  	s0 =	simm.s32 $0x11FF;
	[sflag:s7] =	ssyncadd.s32 $0xFFFFDE00  }
0x49: {  	[spmem:s11] =	stream.linear.scatter [tilespmem:s0], [sflag:$0x1], $0x1, $0x38;
	[tilespmem:$0x9A20] =	vst v63  }
0x4a: {  	_ =	swait.ge [sflag:s3], $0x1  }
0x4b: {  	[sflag:s3] =	ssyncset.done $0x0  }
0x4c: {  	[sflag:s3] =	ssyncadd.s32 $0xFFFFFFFF  }
0x4d: {  	v4 =	vld [tilespmem:$0x10]  }
0x4e: {  	v5 =	vld [tilespmem:$0x70]  }
0x4f: {  	v3 =	vld [tilespmem:$0x80];
	_ =	sdelay $0x2  }
0x50: {  	(v2sf) =	vpush v4, $0x0  }
0x51: {  	(v2sf) =	vpush v5, $0x0  }
0x52: {  	(v2sf) =	vpush v3, $0x0;
	_ =	sdelay $0xc  }
0x53: {  	s16 =	spop (v2sf)  }
0x54: {  	s2 =	spop (v2sf)  }
0x55: {  	s30 =	spop (v2sf)  }
0x56: {  	p0 =	seq.s32 s16, s2;
	p1 =	seq.s32 s30, s16  }
0x57: {  	p1 =	por p0, p1  }
0x58: {  	v4 =	vpsel p1, $0xFFFFFFFF, v4  }
0x59: {  	[tilespmem:s18+$0x0] =	vst.msk $0x1, v4  }
0x5a: {  	v4 =	vld [tilespmem:$0x30]  }
0x5b: {  	v5 =	vld [tilespmem:$0x5600]  }
0x5c: {  	v6 =	vld [tilespmem:$0x40];
	_ =	sdelay $0x3  }
0x5d: {  	vm4 =	vmmov vm1;
	v5 =	vadd.f32 v5, v4  }
0x5e: {  	vm5 =	vmmov vm2;
	s31 =	simm.s32 $0x5600;
	vm4 =	vmmov @p0 vm2;
	v4 =	vadd.f32 v6, v4  }
0x5f: {  	vm5 =	vmmov @p1 vm1;
	[tilespmem:s31+$0x0] =	vst.msk vm4, v5  }
0x60: {  	[tilespmem:s19+$0x0] =	vst.msk vm5, v4  }
0x61: {  	v4 =	vld [tilespmem:$0x44F0];
	_ =	sdelay $0x3  }
0x62: {  	v5 =	vimm.f32 $0.0e+00  }
0x63: {  	v4 =	vshift.insert v4, v5, s20;
	_ =	sdelay $0x1  }
0x64: {  	[tilespmem:s21+$0x0] =	vst.msk $0x1, v4  }
0x65: {  	[tilespmem:s22+$0x0] =	vst.msk $0x1, v5  }
0x66: {  	v4 =	vld [tilespmem:$0x11F0];
	_ =	sdelay $0x4  }
0x67: {  	v4 =	vshift.insert v4, v1, s20;
	_ =	sdelay $0x1  }
0x68: {  	[tilespmem:s23+$0x0] =	vst.msk $0x1, v4  }
0x69: {  	s17 =	simm.s32 $0x100;
	v6 =	vld [tilespmem:s31+$0x0]  }
0x6a: {  	v7 =	vld [tilespmem:s17+$0x0];
	_ =	sdelay $0x3  }
0x6b: {  	v5 =	vadd.f32 v6, v5  }
0x6c: {  	vm4 =	vne.s32 v7, $0xFFFFFFFF  }
0x6d: {  	(xrf2) =	vadd.seg.scan.f32 vm4, v5;
	_ =	sdelay $0x3  }
0x6e: {  	s0 =	simm.s32 $0x3400;
	v5 =	vperm.xlane v4, v1  }
0x6f: {  	v6 =	vld [tilespmem:s0+$0x0]  }
0x70: {  	vm5 =	veq.s32 v7, v3;
	vm6 =	veq.s32 v7, v5  }
0x71: {  	vm7 =	vgt.u32 v7, $0xFFFFFFFD;
	vm6 =	vmor vm6, vm5  }
0x72: {  	vm6 =	vmor vm6, vm7  }
0x73: {  	v9 =	vld [tilespmem:$0xA0];
	v7 =	vsel vm6, $0xFFFFFFFF, v7  }
0x74: {  	v10 =	vld [tilespmem:$0x90];
	v6 =	vsel vm5, $0x0, v6;
	v8, _, _ =	vpop (xrf2)  }
0x75: {  	v6 =	vadd.f32 v8, v6  }
0x76: {  	s2 =	simm.s32 $0x7800  }
0x77: {  	vm4 =	vmand vm4, vm3;
	[tilespmem:s2+$0x0] =	vst v6;
	(ifvalue) =	ssetifvalue $0xFFFFFFFF  }
0x78: {  	vm6 =	veq.s32 v9, $0x1;
	[hbm4b:s1+s14] =	stream.indirect_vreg.scatter [tilespmem:s2], [sflag:$0x2], $0x1, v7, vm0, $0x4038;
	v7 =	vsel vm4, $0x0, v8;
	[tilespmem:$0x9A20] =	vst v63  }
0x79: {  	s16 =	simm.s32 $0x0;
	s17 =	simm.s32 $0x110;
	vm4 =	vmor vm6, vm5;
	v6 =	vsel vm5, v8, v10;
	v7 =	vshift.insert v7, v0, s20  }
.LBB2_9:
0x7a: {  	v8 =	vld [tilespmem:s17+$0x0];
	s31 =	sadd.s32 $0x10, s31  }
0x7b: {  	s0 =	sadd.s32 $0x10, s0;
	v9 =	vld [tilespmem:s31+$0x0]  }
0x7c: {  	s16 =	sadd.s32 $0x10, s16;
	v10 =	vld [tilespmem:s0+$0x0]  }
0x7d: {  	p0 =	slt.u32 s16, $0x10F0;
	_ =	sdelay $0x2  }
0x7e: {  	v7 =	vadd.f32 v9, v7  }
0x7f: {  	vm5 =	vne.s32 v8, $0xFFFFFFFF  }
0x80: {  	vm6 =	vmand vm5, vm3;
	(xrf2) =	vadd.seg.scan.f32 vm5, v7;
	_ =	sdelay $0x5  }
0x81: {  	vm7 =	veq.s32 v8, v5;
	vm5 =	veq.s32 v8, v3  }
0x82: {  	vm8 =	vgt.u32 v8, $0xFFFFFFFD;
	vm4 =	vmor vm4, vm5;
	vm7 =	vmor vm7, vm5  }
0x83: {  	vm7 =	vmor vm7, vm8  }
0x84: {  	v8 =	vsel vm7, $0xFFFFFFFF, v8  }
.Ltmp7:
0x85: {  	v7 =	vsel vm5, $0x0, v10;
	v9, _, _ =	vpop (xrf2);
	(pc) =	sbr.rel @p0 .LBB2_9-.Ltmp7, $4  }
0x86: {  	v6 =	vsel vm5, v9, v6;
	v10 =	vadd.f32 v9, v7;
	v7 =	vsel vm6, $0x0, v9  }
0x87: {  	s2 =	sadd.s32 $0x10, s2;
	v7 =	vshift.insert v7, v0, s20  }
0x88: {  	s17 =	sadd.s32 $0x10, s17;
	[tilespmem:s2+$0x0] =	vst v10;
	(ifvalue) =	ssetifvalue $0xFFFFFFFF  }
0x89: {  	[hbm4b:s1+s14] =	stream.indirect_vreg.scatter [tilespmem:s2], [sflag:$0x2], $0x1, v8, vm0, $0x4038;
	[tilespmem:$0x9A20] =	vst v63  }
0x8a: {  	v3 =	vld [tilespmem:$0x88F0];
	_ =	sdelay $0x4  }
0x8b: {  	v3 =	vshift.insert v3, v0, s20;
	_ =	sdelay $0x1  }
0x8c: {  	[tilespmem:s24+$0x0] =	vst.msk $0x1, v3  }
0x8d: {  	v3 =	vsel vm4, $0x1, v1;
	[tilespmem:$0x90] =	vst v6  }
0x8e: {  	[tilespmem:$0xA0] =	vst v3  }
0x8f: {  	[spmem:s12] =	stream.linear.scatter [tilespmem:s25], [sflag:$0x1], $0x1, $0x38;
	[tilespmem:$0x9A20] =	vst v63  }
0x90: {  	v3 =	vmctz.xlane vm4;
	_ =	swait.ge [sflag:s3], $0x1  }
0x91: {  	(v2sf) =	vpush v4, $0x0  }
0x92: {  	(v2sf) =	vpush v3, $0x0;
	_ =	sdelay $0xd  }
0x93: {  	s0 =	spop (v2sf)  }
0x94: {  	s2 =	spop (v2sf)  }
0x95: {  	[sflag:s3] =	ssyncset.done $0x0;
	p0 =	sne.s32 s30, s0;
	p1 =	slt.s32 s2, $0xF  }
0x96: {  	[sflag:s3] =	ssyncadd.s32 $0xFFFFFFFF;
	v3 =	vimm.s32 @!p0 $0xFFFFFFFF;
	s2 =	simm.s32 @!p1 $0xF  }
0x97: {  	[tilespmem:$0x80] =	vst @!p0 v3;
	s31 =	sadd.s32 $0x90, s2  }
0x98: {  	[spmem:s10] =	stream.linear.scatter [tilespmem:s31], [sflag:$0x1], $0x1, $0x38;
	[tilespmem:$0x9A20] =	vst v63  }
0x99: {  	_ =	swait.ge [sflag:s3], $0x1  }
0x9a: {  	[sflag:s3] =	ssyncset.done $0x0  }
0x9b: {  	[sflag:s3] =	ssyncadd.s32 $0xFFFFFFFF  }
0x9c: {  	[spmem:s13] =	stream.linear.scatter [tilespmem:s26], [sflag:$0x1], $0x1, $0x38;
	[tilespmem:$0x9A20] =	vst v63  }
0x9d: {  	_ =	swait.ge [sflag:s3], $0x1  }
0x9e: {  	[sflag:s3] =	ssyncset.done $0x0  }
0x9f: {  	[sflag:s3] =	ssyncadd.s32 $0xFFFFFFFF;
	(ifvalue) =	ssetifvalue $0xFFFFFFFF;
	v3 =	vld [tilespmem:$0x10];
	_ =	sdelay $0x3  }
.Ltmp8:
0xa0: {  	_ = 	snop;
	(pc) =	sbr.rel .LBB2_4-.Ltmp8, $3  }
0xa1: {  	_ =	sdelay $0x1  }
0xa2: {  	(ifvalue) =	ssetifvalue $0xFFFFFFFF  }
0xa3: {  	[hbm4b:s1+s14] =	stream.indirect_vreg.scatter [tilespmem:s19], [sflag:$0x9], $0x1, v3, vm0, $0x4038;
	[tilespmem:$0x9A20] =	vst v63  }
.LBB2_12:
0xa4: {  	s0 =	simm.s32 $0x2  }
0xa5: {  	_ =	swait.ge [sflag:s0], $0x1100  }
0xa6: {  	[sflag:s0] =	ssyncset.done $0x0  }
0xa7: {  	s31 =	simm.s32 $0x9;
	[sflag:s0] =	ssyncadd.s32 $0xFFFFEF00  }
0xa8: {  	_ =	swait.ge [sflag:s31], $0x10  }
0xa9: {  	[sflag:s31] =	ssyncset.done $0x0  }
0xaa: {  	[sflag:s31] =	ssyncadd.s32 $0xFFFFFFF0  }
.LBB2_13:
0xab: {  	_ =	sfence.sel $0x180000  }
0xac: {  	s0 =	simm.s32 $0x7;
	[bflag:$0x0] =	sbarrier.arrive $0xFFFF  }
0xad: {  	s26 =	simm.s32 $0x8;
	[sflag:s0] =	ssyncpa.u1 $0x1  }
0xae: {  	s28 =	simm.s32 $0x9;
	[sflag:s26] =	ssyncpa.u1 $0x1  }
0xaf: {  	[sflag:s28] =	ssyncpa.u1 $0x1  }
0xb0: {  	_ =	sfence.stream.spmem  }
0xb1: {  	s29 =	simm.s32 $0x3;
	[bflag:$0x0] =	sbarrier.arrive $0xFFFF  }
0xb2: {  	s30 =	simm.s32 $0x4;
	[sflag:s29] =	ssyncpa.u1 $0x1  }
0xb3: {  	s31 =	simm.s32 $0x3C;
	s2 =	stileid.u32;
	[sflag:s30] =	ssyncpa.u1 $0x1  }
0xb4: {  	p0 =	sne.s32 s2, $0x0;
	[sflag:s31] =	ssyncpa.u1 $0x1  }
0xb5: {  	s0 =	simm.s32 @p0 $0x1;
	_ =	sfence @p0  }
0xb6: {  	[sflag:s0] =	ssyncpa.u1 @p0 $0x1;
	s0 =	simm.s32 @p0 $0x2  }
0xb7: {  	[sflag:s0] =	ssyncpa.u1 @p0 $0x1  }
0xb8: {  	_ =	strace @p0 $0x90000047  }
0xb9: {  	[bflag:$0x2] =	sbarrier.arrive @p0 $0xFFFF  }
0xba: {  	_ =	shalt @p0  }
.LBB2_14:
0xbb: {  	_ =	sfence.stream.spmem;
	s0 =	simm.s32 $0x5  }
0xbc: {  	s2 =	simm.s32 $0x80;
	s3 =	simm.s32 $0xC0;
	[sflag:s0] =	ssyncpa.u1 $0x0  }
0xbd: {  	[tilespmem:s3], [sflag:$0x5] =	stream.linear.gather [spmem:s2], $0x20, $0x38;
	[tilespmem:$0x9A20] =	vst v63  }
0xbe: {  	s2 =	simm.s32 $0x0;
	s3 =	simm.s32 $0xE0  }
0xbf: {  	[tilespmem:s3], [sflag:$0x5] =	stream.linear.gather [spmem:s2], $0x20, $0x38;
	[tilespmem:$0x9A20] =	vst v63  }
.Ltmp9:
0xc0: {  	_ = 	snop;
	(pc) =	sbr.rel .LBB2_15-.Ltmp9, $4  }
0xc1: {  	_ =	swait.ge [sflag:s0], $0x40  }
0xc2: {  	[sflag:s0] =	ssyncset.done $0x0  }
0xc3: {  	s31 =	simm.s32 $0x6;
	[sflag:s0] =	ssyncadd.s32 $0xFFFFFFC0  }
0xc4: {  	s4 =	simm.s32 $0x0;
	[sflag:s31] =	ssyncpa.u1 $0x0  }
.LBB2_20:
0xc5: {  	p0 =	sgt.u32 s0, $0xFFFFFF  }
0xc6: {  	s5 =	sshrl.u32 @!p0 s0, $0x3  }
0xc7: {  	s0 =	sand.u32 @!p0 $0x7, s0;
	s6 =	simm.s32 @!p0 $0xB0;
	s5 =	sadd.s32 @!p0 s1, s5  }
0xc8: {  	[tilespmem:s6], [sflag:$0x6] =	stream.linear.gather @!p0 [hbm4b:s5+s0], $0x1, $0x38;
	[tilespmem:$0x9A20] =	vst v63  }
0xc9: {  	s0 =	simm.s32 @!p0 $0x6  }
0xca: {  	_ =	swait.ge @!p0 [sflag:s0], $0x1  }
0xcb: {  	[sflag:s0] =	ssyncset.done @!p0 $0x0  }
0xcc: {  	[sflag:s0] =	ssyncadd.s32 @!p0 $0xFFFFFFFF  }
0xcd: {  	v2 =	vmov @!p0 s4;
	v1 =	vld.msk @!p0 [tilespmem:$0xB0], $0x1;
	_ =	sdelay $0x3  }
0xce: {  	s0 =	simm.s32 @!p0 $0xE0  }
0xcf: {  	[tilespmem:v2+s0+$0x0], v1 =	vst.idx.ret.add.f32.msk @!p0 $0x1, v1  }
0xd0: {  	[tilespmem:s2+$0xC0] =	vst.msk $0x1, v0  }
0xd1: {  	v0 =	vld.msk [tilespmem:s4+$0xE0], $0x1;
	_ =	sdelay $0x4  }
0xd2: {  	[tilespmem:s2+$0xE0] =	vst.msk $0x1, v0;
	s2 =	sadd.s32 $0x1, s2  }
.LBB2_22:
0xd3: {  	s4 =	sadd.s32 $0x1, s4  }
0xd4: {  	p0 =	sne.s32 s4, $0x20  }
.Ltmp10:
0xd5: {  	_ = 	snop;
	(pc) =	sbr.rel @!p0 .LBB2_23-.Ltmp10, $1  }
0xd6: {  	_ =	sdelay $0x3  }
.LBB2_15:
0xd7: {  	v0 =	vld.msk [tilespmem:s4+$0xC0], $0x1;
	_ =	sdelay $0x4  }
0xd8: {  	(v2sf) =	vpush v0, $0x0;
	_ =	sdelay $0xe  }
0xd9: {  	s0 =	spop (v2sf)  }
0xda: {  	p0 =	seq.s32 s0, $0xFFFFFFFF  }
.Ltmp11:
0xdb: {  	_ = 	snop;
	(pc) =	sbr.rel @p0 .LBB2_22-.Ltmp11, $1  }
0xdc: {  	_ =	sdelay $0x3  }
0xdd: {  	p0 =	slt.s32 s2, $0x1  }
.Ltmp12:
0xde: {  	_ = 	snop;
	(pc) =	sbr.rel @p0 .LBB2_20-.Ltmp12, $1  }
0xdf: {  	_ =	sdelay $0x3  }
0xe0: {  	s5 =	simm.s32 $0xC0;
	p0 =	por $0x0, $0x0  }
0xe1: {  	v1 =	vld.msk @!p0 [tilespmem:s5+$0x0], $0x1;
	_ =	sdelay $0x4  }
0xe2: {  	(v2sf) =	vpush @!p0 v1, $0x0;
	_ =	sdelay $0xd  }
0xe3: {  	p2 =	sne.s32 s2, $0x1  }
.Ltmp13:
0xe4: {  	s6 =	spop @!p0 (v2sf);
	(pc) =	sbr.rel @!p2 .LBB2_19-.Ltmp13, $4  }
0xe5: {  	p1 =	seq.s32 @!p0 s0, s6  }
0xe6: {  	s6 =	simm.s32 $0x0;
	p1 =	por !p1, p0  }
0xe7: {  	s8 =	simm.s32 $0xFFFFFFFF;
	s6 =	simm.s32 @p1 $0xFFFFFFFF  }
0xe8: {  	s7 =	simm.s32 $0x1;
	s6 =	smov.u32 @p0 s8  }
.LBB2_18:
0xe9: {  	s8 =	smov.u32 s6;
	p0 =	sne.s32 s6, $0xFFFFFFFF  }
0xea: {  	s5 =	sadd.s32 $0x1, s5;
	s6 =	smov.u32 s7;
	s7 =	sadd.s32 $0x1, s7  }
0xeb: {  	p1 =	sne.s32 s2, s7;
	v1 =	vld.msk @!p0 [tilespmem:s5+$0x0], $0x1;
	_ =	sdelay $0x4  }
0xec: {  	(v2sf) =	vpush @!p0 v1, $0x0;
	_ =	sdelay $0xe  }
.Ltmp14:
0xed: {  	s9 =	spop @!p0 (v2sf);
	(pc) =	sbr.rel @p1 .LBB2_18-.Ltmp14, $4  }
0xee: {  	p2 =	seq.s32 @!p0 s0, s9  }
0xef: {  	p2 =	por !p2, p0  }
0xf0: {  	s6 =	simm.s32 @p2 $0xFFFFFFFF  }
0xf1: {  	s6 =	smov.u32 @p0 s8  }
.LBB2_19:
0xf2: {  	p0 =	sne.s32 s6, $0xFFFFFFFF  }
.Ltmp15:
0xf3: {  	_ = 	snop;
	(pc) =	sbr.rel @!p0 .LBB2_20-.Ltmp15, $1  }
0xf4: {  	_ =	sdelay $0x3  }
0xf5: {  	v0 =	vld.msk [tilespmem:s4+$0xE0], $0x1;
	v1 =	vmov s6  }
.Ltmp16:
0xf6: {  	_ = 	snop;
	(pc) =	sbr.rel .LBB2_22-.Ltmp16, $2  }
0xf7: {  	_ =	sdelay $0x2  }
0xf8: {  	[tilespmem:v1+s3+$0x0], v0 =	vst.idx.ret.add.f32.msk $0x1, v0  }
.LBB2_23:
0xf9: {  	p0 =	slt.s32 s2, $0x1  }
.Ltmp17:
0xfa: {  	_ = 	snop;
	(pc) =	sbr.rel @p0 .LBB2_27-.Ltmp17, $3  }
0xfb: {  	_ =	sdelay $0x1  }
0xfc: {  	s0 =	simm.s32 $0x6  }
0xfd: {  	[sflag:s0] =	ssyncpa.u1 $0x1;
	s0 =	simm.s32 $0x0  }
0xfe: {  	s3 =	simm.s32 $0xC0  }
0xff: {  	v0 =	vld.msk [tilespmem:s3+$0x0], $0x1;
	_ =	sdelay $0x4  }
0x100: {  	(v2sf) =	vpush v0, $0x0;
	_ =	sdelay $0xe  }
0x101: {  	s2 =	sadd.s32 $0xFFFFFFFF, s2;
	s4 =	spop (v2sf)  }
0x102: {  	p1 =	sne.s32 s2, $0x0;
	p0 =	sgt.u32 s4, $0xFFFFFF  }
.Ltmp18:
0x103: {  	s5 =	sshrl.u32 @!p0 s4, $0x3;
	(pc) =	sbr.rel @!p1 .LBB2_26-.Ltmp18, $4  }
0x104: {  	s3 =	simm.s32 $0xE0;
	s4 =	sand.u32 @!p0 $0x7, s4;
	s5 =	sadd.s32 @!p0 s1, s5  }
0x105: {  	[hbm4b:s5+s4] =	stream.linear.scatter @!p0 [tilespmem:s3], [sflag:$0x5], $0x1, $0x38;
	[tilespmem:$0x9A20] =	vst v63  }
0x106: {  	s5 =	simm.s32 $0x0  }
0x107: {  	s4 =	simm.s32 $0xC1;
	s5 =	simm.s32 @!p0 $0x4  }
.LBB2_25:
0x108: {  	v0 =	vld.msk [tilespmem:s4+$0x0], $0x1;
	s2 =	sadd.s32 $0xFFFFFFFF, s2;
	s0 =	sadd.s32 s0, s5  }
0x109: {  	p0 =	sne.s32 s2, $0x0;
	_ =	sdelay $0x3  }
0x10a: {  	(v2sf) =	vpush v0, $0x0;
	_ =	sdelay $0xe  }
.Ltmp19:
0x10b: {  	s6 =	spop (v2sf);
	(pc) =	sbr.rel @p0 .LBB2_25-.Ltmp19, $4  }
0x10c: {  	s5 =	simm.s32 $0x0;
	p1 =	sgt.u32 s6, $0xFFFFFF  }
0x10d: {  	s3 =	sadd.s32 $0x1, s3;
	s5 =	simm.s32 @!p1 $0x4;
	s7 =	sshrl.u32 @!p1 s6, $0x3  }
0x10e: {  	s4 =	sadd.s32 $0x1, s4;
	s6 =	sand.u32 @!p1 $0x7, s6;
	s7 =	sadd.s32 @!p1 s1, s7  }
0x10f: {  	[hbm4b:s7+s6] =	stream.linear.scatter @!p1 [tilespmem:s3], [sflag:$0x5], $0x1, $0x38;
	[tilespmem:$0x9A20] =	vst v63  }
.LBB2_26:
0x110: {  	s0 =	sadd.s32 s0, s5  }
0x111: {  	s0 =	sshrl.u32 s0, $0x2  }
.LBB2_27:
0x112: {  	s1 =	simm.s32 $0x5  }
0x113: {  	_ =	swait.ge [sflag:s1], s0  }
0x114: {  	s28 =	ssub.s32 $0x0, s0;
	[sflag:s1] =	ssyncset.done $0x0  }
0x115: {  	[sflag:s1] =	ssyncadd.s32 s28  }
0x116: {  	[sflag:s1] =	ssyncpa.u1 $0x1  }
0x117: {  	s29 =	simm.s32 $0x1;
	_ =	sfence  }
0x118: {  	s30 =	simm.s32 $0x2;
	[sflag:s29] =	ssyncpa.u1 $0x1  }
0x119: {  	[sflag:s30] =	ssyncpa.u1 $0x1  }
0x11a: {  	_ =	strace $0x90000047  }
0x11b: {  	[bflag:$0x2] =	sbarrier.arrive $0xFFFF  }
0x11c: {  	s31 =	rddreg [dreg:$0x1]  }
0x11d: {  	s0 =	sadd.s32 $0x100000, s31  }
0x11e: {  	[sflag:s0] =	ssyncadd.tile.s32 $0x1;
	_ =	shalt  }
.Lfunc_end2:
_tile_overlayer_lowered:
.L_overlay_start_2:
0x11f: {  	(tag) =	ssettag $0x2  }
0x120: {  	s0 =	rddreg [dreg:$0x0];
	s2 =	stileid.u32  }
0x121: {  	s1 =	rddreg [dreg:$0x1];
	p0 =	sne.s32 s2, $0x0  }
0x122: {  	s3 =	rddreg [dreg:$0x2];
	[bflag:$0x3] =	sbarrier.arrive $0xFFFF;
	s2 =	simm.s32 @!p0 $0x1C01  }
0x123: {  	[timem:s3], [sflag:s2] =	dma.local @!p0 [hbm:s0], s1  }
0x124: {  	s0 =	simm.s32 @!p0 $0x1  }
0x125: {  	_ =	swait.ge @!p0 [sflag:s0], s1  }
0x126: {  	s1 =	ssub.s32 @!p0 $0x0, s1;
	[sflag:s0] =	ssyncset.done @!p0 $0x0  }
0x127: {  	[sflag:s0] =	ssyncadd.s32 @!p0 s1  }
0x128: {  	[bflag:$0x3] =	sbarrier.arrive $0xFFFF  }
0x129: {  	_ =	shalt  }

</sc_bundles>
